<compile_context>
chip_gen: v7x
topology: tpu7x:2x2x1
jax: 0.10.2.dev20260603
libtpu: 0.0.44.dev20260713+nightly
codegen_flags: <defaults>
</compile_context>

<pallas_src>
import functools

import jax
import jax.numpy as jnp
from jax import lax
from jax.experimental import pallas as pl
from jax.experimental.pallas import tpu as pltpu
from jax.experimental.pallas import tpu_sc as plsc

_EXP_MIN = -10
_DIM_EXP = 64
_DIM_MAN = 64
_NUM_EXP = 31
_LN10 = 2.302585092994046
_ROWS = 8
_CH = 2048

_NW = 32
_S = 163840
_BPW = _S // _NW
_NCH = _BPW // 128
_REP = 64


def _tile_kernel(num_ref, rhs_ref, out_ref):
    x = num_ref[...]
    c = jnp.clip(x, 1e-10, 1e20)
    e = jnp.floor(jnp.log10(c + 1e-10))
    m = c / jnp.exp(e * _LN10)
    idx = (e - _EXP_MIN).astype(jnp.int32)
    msk = (x != 0).astype(jnp.float32)

    sub32 = jax.lax.broadcasted_iota(jnp.int32, (32, _CH), 0)
    proto = jax.lax.broadcasted_iota(
        jnp.int32, (_DIM_MAN, _CH), 0).astype(jnp.float32) * (20.0 / (_DIM_MAN - 1)) - 10.0
    rhs = rhs_ref[...]

    for r in range(_ROWS):
        idx_r = jnp.broadcast_to(idx[r:r + 1, :], (32, _CH))
        m_r = jnp.broadcast_to(m[r:r + 1, :], (_DIM_MAN, _CH))
        msk_r = jnp.broadcast_to(msk[r:r + 1, :], (96, _CH))
        onehot_t = (sub32 == idx_r).astype(jnp.float32)
        d = m_r - proto
        man_t = jnp.exp(-d * d)
        lhs_t = (jnp.concatenate([onehot_t, man_t], axis=0) * msk_r
                 ).astype(jnp.bfloat16)
        chunk = jax.lax.dot_general(
            lhs_t, rhs,
            dimension_numbers=(((0,), (0,)), ((), ())),
            preferred_element_type=jnp.float32,
        )
        out_ref[r * _CH:(r + 1) * _CH, :] = chunk


def _tc_part(nums2d, rhs, nrows):
    blk = _ROWS * _CH
    grid = nrows // blk
    return pl.pallas_call(
        _tile_kernel,
        grid=(grid,),
        in_specs=[
            pl.BlockSpec((_ROWS, _CH), lambda i: (i, 0)),
            pl.BlockSpec((96, 128), lambda i: (0, 0)),
        ],
        out_specs=pl.BlockSpec((blk, 128), lambda i: (i, 0)),
        out_shape=jax.ShapeDtypeStruct((nrows, 128), jnp.float32),
        compiler_params=pltpu.CompilerParams(
            dimension_semantics=("arbitrary",),
        ),
    )(nums2d, rhs)


def _sc_body(tab_hbm, idx_hbm, out_hbm, idx_v, buf0, buf1, sem0, sem1):
    wid = lax.axis_index("s") * 2 + lax.axis_index("c")
    pltpu.sync_copy(idx_hbm.at[wid], idx_v)
    for i in range(_NCH):
        buf, sem = (buf0, sem0) if i % 2 == 0 else (buf1, sem1)
        pltpu.async_copy(tab_hbm.at[idx_v.at[i]], buf, sem).wait()
        pltpu.sync_copy(buf, out_hbm.at[pl.ds(wid * _BPW + i * 128, 128)])


_sc_gather = functools.partial(
    pl.kernel, _sc_body,
    mesh=plsc.VectorSubcoreMesh(core_axis_name="c", subcore_axis_name="s"),
    out_type=jax.ShapeDtypeStruct((_S, 128), jnp.float32),
    scratch_types=[
        pltpu.VMEM((_NCH, 128), jnp.int32),
        pltpu.VMEM((128, 128), jnp.float32),
        pltpu.VMEM((128, 128), jnp.float32),
        pltpu.SemaphoreType.DMA,
        pltpu.SemaphoreType.DMA,
    ],
)


def kernel(numbers, exp_table):
    rows, cols = numbers.shape
    n = rows * cols
    flat = numbers.reshape(n)

    c = jnp.clip(flat[:_S], 1e-10, 1e20)
    e = jnp.floor(jnp.log10(c + 1e-10))
    idx = (e - _EXP_MIN).astype(jnp.int32)
    spread = idx + _NUM_EXP * (jnp.arange(_S, dtype=jnp.int32) % _REP)
    idx3 = spread.reshape(_NW, _NCH, 128)
    tab128 = jnp.concatenate(
        [exp_table, jnp.zeros((_NUM_EXP, _DIM_MAN), jnp.float32)], axis=1)
    tabrep = jnp.tile(tab128, (_REP, 1))

    sc_out = _sc_gather()(tabrep, idx3)

    rhs_tab = jnp.pad(exp_table, ((0, 32 - _NUM_EXP), (0, 0)))
    top = jnp.concatenate([rhs_tab, jnp.zeros((32, _DIM_MAN), jnp.float32)], axis=1)
    bot = jnp.concatenate(
        [jnp.zeros((_DIM_MAN, _DIM_EXP), jnp.float32),
         jnp.eye(_DIM_MAN, dtype=jnp.float32)], axis=1)
    rhs = jnp.concatenate([top, bot], axis=0).astype(jnp.bfloat16)
    nums2d = flat[_S:].reshape((n - _S) // _CH, _CH)
    tc_out = _tc_part(nums2d, rhs, n - _S)

    out = jnp.concatenate([sc_out, tc_out], axis=0)
    return out.reshape(rows, cols, 128)

# --- scband reference (transcript-rebuilt; emitter-appended) ---
"""Pipeline reference for scband-num-gptembed-154618822958 (READ-ONLY COPY).

The authoritative reference and input builder live on the scoring server;
editing this copy changes nothing except your own understanding.
"""

import jax, jax.numpy as jnp
import numpy as np

EXP_RANGE = (-10, 20)
DIM_EXP = 64  # int(0.5 * 128)
DIM_MAN = 64  # 128 - 64
NUM_EXPONENTS = EXP_RANGE[1] - EXP_RANGE[0] + 1  # 31


def scientific_notation(numbers):
    numbers = jnp.clip(numbers, 1e-10, 1e20)
    mask = numbers != 0
    safe_numbers = jnp.where(mask, numbers, jnp.ones_like(numbers))
    exponents = jnp.floor(jnp.log10(jnp.abs(safe_numbers) + 1e-10))
    mantissas = numbers / 10 ** exponents
    exponents = jnp.where(mask, exponents, jnp.zeros_like(exponents))
    mantissas = jnp.where(mask, mantissas, jnp.zeros_like(mantissas))
    return mantissas, exponents.astype(jnp.int32)


def setup_inputs(seed: int = 0) -> dict:
    key = jax.random.key(seed)
    k1, k2 = jax.random.split(key)
    numbers = jax.random.uniform(k1, (4096, 200), dtype=jnp.float32)
    exp_table = jax.random.normal(k2, (NUM_EXPONENTS, DIM_EXP), dtype=jnp.float32)
    return {"numbers": numbers, "exp_table": exp_table}


def reference(numbers, exp_table):
    mask = numbers != 0
    mantissas, exponents = scientific_notation(numbers)
    # mantissa embedding: RBF against prototype grid in [-10, 10]
    factor = (10.0 - (-10.0)) / (DIM_MAN - 1)
    proto = jnp.arange(0, DIM_MAN, dtype=jnp.float32) * factor - 10.0
    diff = mantissas[..., None] - proto
    mantissa_embeds = jnp.exp(-diff ** 2)
    # exponent embedding lookup (gather)
    exponents = exponents - EXP_RANGE[0]
    exponent_embeds = jnp.take(exp_table, exponents, axis=0)
    number_embeds = jnp.concatenate([exponent_embeds, mantissa_embeds], axis=-1)
    number_embeds = number_embeds * mask[..., None].astype(number_embeds.dtype)
    return number_embeds

if __name__ == "__main__":
    import jax
    _d = setup_inputs()
    print(jax.jit(kernel)(*tuple(_d.values())))

</pallas_src>

<mosaic_0001>
#map = affine_map<(d0, d1) -> (0, 0)>
#map1 = affine_map<(d0, d1) -> (0, 0, 0)>
module attributes {stable_mosaic.version = 14 : i64} {
  func.func @_sc_body(%arg0: i32, %arg1: i32, %arg2: memref<1984x128xf32, #tpu.memory_space<hbm>>, %arg3: memref<32x40x128xi32, #tpu.memory_space<hbm>>, %arg4: memref<163840x128xf32, #tpu.memory_space<hbm>>, %arg5: memref<40x128xi32, #tpu.memory_space<vmem>>, %arg6: memref<128x128xf32, #tpu.memory_space<vmem>>, %arg7: memref<128x128xf32, #tpu.memory_space<vmem>>, %arg8: memref<!tpu.dma_semaphore, #tpu.memory_space<semaphore_mem>>, %arg9: memref<!tpu.dma_semaphore, #tpu.memory_space<semaphore_mem>>) attributes {dimension_semantics = [#tpu.dimension_semantics<core_parallel>, #tpu.dimension_semantics<subcore_parallel>], iteration_bounds = array<i64: 2, 16>, scalar_prefetch = 0 : i64, scratch_operands = 5 : i64, tpu.core_type = #tpu.core_type<sc_vector_subcore>, window_params = [{transform_indices = #map}, {transform_indices = #map1}, {transform_indices = #map}]} {
    %mul3A = arith.constant 2 : i32
    %mul3A_0 = arith.muli %arg1, %mul3A : i32
    %add3A = arith.addi %mul3A_0, %arg0 : i32
    "tpu.region"() ({
      %run_scoped3A = tpu.sem_alloc : memref<!tpu.dma_semaphore, #tpu.memory_space<semaphore_mem>>
      %dma_start3A_719 = arith.constant 0 : i32
      %dma_start3A_720 = arith.constant 0 : i32
      %dma_start3A_721 = tpu.memref_slice %arg3[%add3A, %dma_start3A_719, %dma_start3A_720] : memref<32x40x128xi32, #tpu.memory_space<hbm>> -> memref<1x40x128xi32, #tpu.memory_space<hbm>>
      %dma_start3A_722 = tpu.memref_squeeze %dma_start3A_721 : memref<1x40x128xi32, #tpu.memory_space<hbm>> -> memref<40x128xi32, #tpu.memory_space<hbm>>
      %dma_start3A_723 = arith.constant 0 : i32
      %dma_start3A_724 = arith.constant 0 : i32
      %dma_start3A_725 = tpu.memref_slice %arg3[%add3A, %dma_start3A_723, %dma_start3A_724] : memref<32x40x128xi32, #tpu.memory_space<hbm>> -> memref<1x40x128xi32, #tpu.memory_space<hbm>>
      %dma_start3A_726 = tpu.memref_squeeze %dma_start3A_725 : memref<1x40x128xi32, #tpu.memory_space<hbm>> -> memref<40x128xi32, #tpu.memory_space<hbm>>
      tpu.enqueue_dma source(%dma_start3A_726 : memref<40x128xi32, #tpu.memory_space<hbm>>) target(%arg5 : memref<40x128xi32, #tpu.memory_space<vmem>>) target_semaphore(%run_scoped3A : memref<!tpu.dma_semaphore, #tpu.memory_space<semaphore_mem>>)
      %dma_wait3A_727 = arith.constant 0 : i32
      %dma_wait3A_728 = arith.constant 0 : i32
      %dma_wait3A_729 = tpu.memref_slice %arg3[%add3A, %dma_wait3A_727, %dma_wait3A_728] : memref<32x40x128xi32, #tpu.memory_space<hbm>> -> memref<1x40x128xi32, #tpu.memory_space<hbm>>
      %dma_wait3A_730 = tpu.memref_squeeze %dma_wait3A_729 : memref<1x40x128xi32, #tpu.memory_space<hbm>> -> memref<40x128xi32, #tpu.memory_space<hbm>>
      %dma_wait3A_731 = arith.constant 0 : i32
      %dma_wait3A_732 = arith.constant 0 : i32
      %dma_wait3A_733 = tpu.memref_slice %arg3[%add3A, %dma_wait3A_731, %dma_wait3A_732] : memref<32x40x128xi32, #tpu.memory_space<hbm>> -> memref<1x40x128xi32, #tpu.memory_space<hbm>>
      %dma_wait3A_734 = tpu.memref_squeeze %dma_wait3A_733 : memref<1x40x128xi32, #tpu.memory_space<hbm>> -> memref<40x128xi32, #tpu.memory_space<hbm>>
      tpu.wait_dma2 semaphore(%run_scoped3A : memref<!tpu.dma_semaphore, #tpu.memory_space<semaphore_mem>>) src(%dma_wait3A_734 : memref<40x128xi32, #tpu.memory_space<hbm>>) dst(%arg5 : memref<40x128xi32, #tpu.memory_space<vmem>>)
      tpu.yield
    }) : () -> ()
    %dma_start3A = arith.constant 0 : i32
    %dma_start3A_1 = arith.constant 0 : i32
    %dma_start3A_2 = tpu.memref_slice %arg5[%dma_start3A, %dma_start3A_1] : memref<40x128xi32, #tpu.memory_space<vmem>> -> memref<1x128xi32, #tpu.memory_space<vmem>>
    %dma_start3A_3 = tpu.memref_squeeze %dma_start3A_2 : memref<1x128xi32, #tpu.memory_space<vmem>> -> memref<128xi32, #tpu.memory_space<vmem>>
    %dma_start3A_4 = arith.constant 0 : i32
    %dma_start3A_5 = arith.constant 0 : i32
    %dma_start3A_6 = tpu.memref_slice %arg2[%dma_start3A_4, %dma_start3A_5] : memref<1984x128xf32, #tpu.memory_space<hbm>> -> memref<1984x128xf32, #tpu.memory_space<hbm>>
    tpu.enqueue_indirect_dma source(%dma_start3A_6 : memref<1984x128xf32, #tpu.memory_space<hbm>>) target(%arg6 : memref<128x128xf32, #tpu.memory_space<vmem>>) offsets(%dma_start3A_3 : memref<128xi32, #tpu.memory_space<vmem>>) semaphore(%arg8 : memref<!tpu.dma_semaphore, #tpu.memory_space<semaphore_mem>>)
    %dma_wait3A = arith.constant 0 : i32
    %dma_wait3A_7 = arith.constant 0 : i32
    %dma_wait3A_8 = tpu.memref_slice %arg5[%dma_wait3A, %dma_wait3A_7] : memref<40x128xi32, #tpu.memory_space<vmem>> -> memref<1x128xi32, #tpu.memory_space<vmem>>
    %dma_wait3A_9 = tpu.memref_squeeze %dma_wait3A_8 : memref<1x128xi32, #tpu.memory_space<vmem>> -> memref<128xi32, #tpu.memory_space<vmem>>
    %dma_wait3A_10 = arith.constant 0 : i32
    %dma_wait3A_11 = arith.constant 0 : i32
    %dma_wait3A_12 = tpu.memref_slice %arg2[%dma_wait3A_10, %dma_wait3A_11] : memref<1984x128xf32, #tpu.memory_space<hbm>> -> memref<1984x128xf32, #tpu.memory_space<hbm>>
    tpu.wait_indirect_dma semaphore(%arg8 : memref<!tpu.dma_semaphore, #tpu.memory_space<semaphore_mem>>) src(%dma_wait3A_12 : memref<1984x128xf32, #tpu.memory_space<hbm>>) dst(%arg6 : memref<128x128xf32, #tpu.memory_space<vmem>>)
    %mul3A_13 = arith.constant 5120 : i32
    %mul3A_14 = arith.muli %add3A, %mul3A_13 : i32
    %add3A_15 = arith.constant 0 : i32
    %add3A_16 = arith.addi %mul3A_14, %add3A_15 : i32
    "tpu.region"() ({
      %run_scoped3A = tpu.sem_alloc : memref<!tpu.dma_semaphore, #tpu.memory_space<semaphore_mem>>
      %dma_start3A_719 = arith.constant 0 : i32
      %dma_start3A_720 = tpu.memref_slice %arg4[%add3A_16, %dma_start3A_719] : memref<163840x128xf32, #tpu.memory_space<hbm>> -> memref<128x128xf32, #tpu.memory_space<hbm>>
      %dma_start3A_721 = arith.constant 0 : i32
      %dma_start3A_722 = tpu.memref_slice %arg4[%add3A_16, %dma_start3A_721] : memref<163840x128xf32, #tpu.memory_space<hbm>> -> memref<128x128xf32, #tpu.memory_space<hbm>>
      tpu.enqueue_dma source(%arg6 : memref<128x128xf32, #tpu.memory_space<vmem>>) target(%dma_start3A_722 : memref<128x128xf32, #tpu.memory_space<hbm>>) target_semaphore(%run_scoped3A : memref<!tpu.dma_semaphore, #tpu.memory_space<semaphore_mem>>)
      %dma_wait3A_723 = arith.constant 0 : i32
      %dma_wait3A_724 = tpu.memref_slice %arg4[%add3A_16, %dma_wait3A_723] : memref<163840x128xf32, #tpu.memory_space<hbm>> -> memref<128x128xf32, #tpu.memory_space<hbm>>
      %dma_wait3A_725 = arith.constant 0 : i32
      %dma_wait3A_726 = tpu.memref_slice %arg4[%add3A_16, %dma_wait3A_725] : memref<163840x128xf32, #tpu.memory_space<hbm>> -> memref<128x128xf32, #tpu.memory_space<hbm>>
      tpu.wait_dma2 semaphore(%run_scoped3A : memref<!tpu.dma_semaphore, #tpu.memory_space<semaphore_mem>>) src(%arg6 : memref<128x128xf32, #tpu.memory_space<vmem>>) dst(%dma_wait3A_726 : memref<128x128xf32, #tpu.memory_space<hbm>>)
      tpu.yield
    }) : () -> ()
    %dma_start3A_17 = arith.constant 1 : i32
    %dma_start3A_18 = arith.constant 0 : i32
    %dma_start3A_19 = tpu.memref_slice %arg5[%dma_start3A_17, %dma_start3A_18] : memref<40x128xi32, #tpu.memory_space<vmem>> -> memref<1x128xi32, #tpu.memory_space<vmem>>
    %dma_start3A_20 = tpu.memref_squeeze %dma_start3A_19 : memref<1x128xi32, #tpu.memory_space<vmem>> -> memref<128xi32, #tpu.memory_space<vmem>>
    %dma_start3A_21 = arith.constant 0 : i32
    %dma_start3A_22 = arith.constant 0 : i32
    %dma_start3A_23 = tpu.memref_slice %arg2[%dma_start3A_21, %dma_start3A_22] : memref<1984x128xf32, #tpu.memory_space<hbm>> -> memref<1984x128xf32, #tpu.memory_space<hbm>>
    tpu.enqueue_indirect_dma source(%dma_start3A_23 : memref<1984x128xf32, #tpu.memory_space<hbm>>) target(%arg7 : memref<128x128xf32, #tpu.memory_space<vmem>>) offsets(%dma_start3A_20 : memref<128xi32, #tpu.memory_space<vmem>>) semaphore(%arg9 : memref<!tpu.dma_semaphore, #tpu.memory_space<semaphore_mem>>)
    %dma_wait3A_24 = arith.constant 1 : i32
    %dma_wait3A_25 = arith.constant 0 : i32
    %dma_wait3A_26 = tpu.memref_slice %arg5[%dma_wait3A_24, %dma_wait3A_25] : memref<40x128xi32, #tpu.memory_space<vmem>> -> memref<1x128xi32, #tpu.memory_space<vmem>>
    %dma_wait3A_27 = tpu.memref_squeeze %dma_wait3A_26 : memref<1x128xi32, #tpu.memory_space<vmem>> -> memref<128xi32, #tpu.memory_space<vmem>>
    %dma_wait3A_28 = arith.constant 0 : i32
    %dma_wait3A_29 = arith.constant 0 : i32
    %dma_wait3A_30 = tpu.memref_slice %arg2[%dma_wait3A_28, %dma_wait3A_29] : memref<1984x128xf32, #tpu.memory_space<hbm>> -> memref<1984x128xf32, #tpu.memory_space<hbm>>
    tpu.wait_indirect_dma semaphore(%arg9 : memref<!tpu.dma_semaphore, #tpu.memory_space<semaphore_mem>>) src(%dma_wait3A_30 : memref<1984x128xf32, #tpu.memory_space<hbm>>) dst(%arg7 : memref<128x128xf32, #tpu.memory_space<vmem>>)
    %mul3A_31 = arith.constant 5120 : i32
    %mul3A_32 = arith.muli %add3A, %mul3A_31 : i32
    %add3A_33 = arith.constant 128 : i32
    %add3A_34 = arith.addi %mul3A_32, %add3A_33 : i32
    "tpu.region"() ({
      %run_scoped3A = tpu.sem_alloc : memref<!tpu.dma_semaphore, #tpu.memory_space<semaphore_mem>>
      %dma_start3A_719 = arith.constant 0 : i32
      %dma_start3A_720 = tpu.memref_slice %arg4[%add3A_34, %dma_start3A_719] : memref<163840x128xf32, #tpu.memory_space<hbm>> -> memref<128x128xf32, #tpu.memory_space<hbm>>
      %dma_start3A_721 = arith.constant 0 : i32
      %dma_start3A_722 = tpu.memref_slice %arg4[%add3A_34, %dma_start3A_721] : memref<163840x128xf32, #tpu.memory_space<hbm>> -> memref<128x128xf32, #tpu.memory_space<hbm>>
      tpu.enqueue_dma source(%arg7 : memref<128x128xf32, #tpu.memory_space<vmem>>) target(%dma_start3A_722 : memref<128x128xf32, #tpu.memory_space<hbm>>) target_semaphore(%run_scoped3A : memref<!tpu.dma_semaphore, #tpu.memory_space<semaphore_mem>>)
      %dma_wait3A_723 = arith.constant 0 : i32
      %dma_wait3A_724 = tpu.memref_slice %arg4[%add3A_34, %dma_wait3A_723] : memref<163840x128xf32, #tpu.memory_space<hbm>> -> memref<128x128xf32, #tpu.memory_space<hbm>>
      %dma_wait3A_725 = arith.constant 0 : i32
      %dma_wait3A_726 = tpu.memref_slice %arg4[%add3A_34, %dma_wait3A_725] : memref<163840x128xf32, #tpu.memory_space<hbm>> -> memref<128x128xf32, #tpu.memory_space<hbm>>
      tpu.wait_dma2 semaphore(%run_scoped3A : memref<!tpu.dma_semaphore, #tpu.memory_space<semaphore_mem>>) src(%arg7 : memref<128x128xf32, #tpu.memory_space<vmem>>) dst(%dma_wait3A_726 : memref<128x128xf32, #tpu.memory_space<hbm>>)
      tpu.yield
    }) : () -> ()
    %dma_start3A_35 = arith.constant 2 : i32
    %dma_start3A_36 = arith.constant 0 : i32
    %dma_start3A_37 = tpu.memref_slice %arg5[%dma_start3A_35, %dma_start3A_36] : memref<40x128xi32, #tpu.memory_space<vmem>> -> memref<1x128xi32, #tpu.memory_space<vmem>>
    %dma_start3A_38 = tpu.memref_squeeze %dma_start3A_37 : memref<1x128xi32, #tpu.memory_space<vmem>> -> memref<128xi32, #tpu.memory_space<vmem>>
    %dma_start3A_39 = arith.constant 0 : i32
    %dma_start3A_40 = arith.constant 0 : i32
    %dma_start3A_41 = tpu.memref_slice %arg2[%dma_start3A_39, %dma_start3A_40] : memref<1984x128xf32, #tpu.memory_space<hbm>> -> memref<1984x128xf32, #tpu.memory_space<hbm>>
    tpu.enqueue_indirect_dma source(%dma_start3A_41 : memref<1984x128xf32, #tpu.memory_space<hbm>>) target(%arg6 : memref<128x128xf32, #tpu.memory_space<vmem>>) offsets(%dma_start3A_38 : memref<128xi32, #tpu.memory_space<vmem>>) semaphore(%arg8 : memref<!tpu.dma_semaphore, #tpu.memory_space<semaphore_mem>>)
    %dma_wait3A_42 = arith.constant 2 : i32
    %dma_wait3A_43 = arith.constant 0 : i32
    %dma_wait3A_44 = tpu.memref_slice %arg5[%dma_wait3A_42, %dma_wait3A_43] : memref<40x128xi32, #tpu.memory_space<vmem>> -> memref<1x128xi32, #tpu.memory_space<vmem>>
    %dma_wait3A_45 = tpu.memref_squeeze %dma_wait3A_44 : memref<1x128xi32, #tpu.memory_space<vmem>> -> memref<128xi32, #tpu.memory_space<vmem>>
    %dma_wait3A_46 = arith.constant 0 : i32
    %dma_wait3A_47 = arith.constant 0 : i32
    %dma_wait3A_48 = tpu.memref_slice %arg2[%dma_wait3A_46, %dma_wait3A_47] : memref<1984x128xf32, #tpu.memory_space<hbm>> -> memref<1984x128xf32, #tpu.memory_space<hbm>>
    tpu.wait_indirect_dma semaphore(%arg8 : memref<!tpu.dma_semaphore, #tpu.memory_space<semaphore_mem>>) src(%dma_wait3A_48 : memref<1984x128xf32, #tpu.memory_space<hbm>>) dst(%arg6 : memref<128x128xf32, #tpu.memory_space<vmem>>)
    %mul3A_49 = arith.constant 5120 : i32
    %mul3A_50 = arith.muli %add3A, %mul3A_49 : i32
    %add3A_51 = arith.constant 256 : i32
    %add3A_52 = arith.addi %mul3A_50, %add3A_51 : i32
    "tpu.region"() ({
      %run_scoped3A = tpu.sem_alloc : memref<!tpu.dma_semaphore, #tpu.memory_space<semaphore_mem>>
      %dma_start3A_719 = arith.constant 0 : i32
      %dma_start3A_720 = tpu.memref_slice %arg4[%add3A_52, %dma_start3A_719] : memref<163840x128xf32, #tpu.memory_space<hbm>> -> memref<128x128xf32, #tpu.memory_space<hbm>>
      %dma_start3A_721 = arith.constant 0 : i32
      %dma_start3A_722 = tpu.memref_slice %arg4[%add3A_52, %dma_start3A_721] : memref<163840x128xf32, #tpu.memory_space<hbm>> -> memref<128x128xf32, #tpu.memory_space<hbm>>
      tpu.enqueue_dma source(%arg6 : memref<128x128xf32, #tpu.memory_space<vmem>>) target(%dma_start3A_722 : memref<128x128xf32, #tpu.memory_space<hbm>>) target_semaphore(%run_scoped3A : memref<!tpu.dma_semaphore, #tpu.memory_space<semaphore_mem>>)
      %dma_wait3A_723 = arith.constant 0 : i32
      %dma_wait3A_724 = tpu.memref_slice %arg4[%add3A_52, %dma_wait3A_723] : memref<163840x128xf32, #tpu.memory_space<hbm>> -> memref<128x128xf32, #tpu.memory_space<hbm>>
      %dma_wait3A_725 = arith.constant 0 : i32
      %dma_wait3A_726 = tpu.memref_slice %arg4[%add3A_52, %dma_wait3A_725] : memref<163840x128xf32, #tpu.memory_space<hbm>> -> memref<128x128xf32, #tpu.memory_space<hbm>>
      tpu.wait_dma2 semaphore(%run_scoped3A : memref<!tpu.dma_semaphore, #tpu.memory_space<semaphore_mem>>) src(%arg6 : memref<128x128xf32, #tpu.memory_space<vmem>>) dst(%dma_wait3A_726 : memref<128x128xf32, #tpu.memory_space<hbm>>)
      tpu.yield
    }) : () -> ()
    %dma_start3A_53 = arith.constant 3 : i32
    %dma_start3A_54 = arith.constant 0 : i32
    %dma_start3A_55 = tpu.memref_slice %arg5[%dma_start3A_53, %dma_start3A_54] : memref<40x128xi32, #tpu.memory_space<vmem>> -> memref<1x128xi32, #tpu.memory_space<vmem>>
    %dma_start3A_56 = tpu.memref_squeeze %dma_start3A_55 : memref<1x128xi32, #tpu.memory_space<vmem>> -> memref<128xi32, #tpu.memory_space<vmem>>
    %dma_start3A_57 = arith.constant 0 : i32
    %dma_start3A_58 = arith.constant 0 : i32
    %dma_start3A_59 = tpu.memref_slice %arg2[%dma_start3A_57, %dma_start3A_58] : memref<1984x128xf32, #tpu.memory_space<hbm>> -> memref<1984x128xf32, #tpu.memory_space<hbm>>
    tpu.enqueue_indirect_dma source(%dma_start3A_59 : memref<1984x128xf32, #tpu.memory_space<hbm>>) target(%arg7 : memref<128x128xf32, #tpu.memory_space<vmem>>) offsets(%dma_start3A_56 : memref<128xi32, #tpu.memory_space<vmem>>) semaphore(%arg9 : memref<!tpu.dma_semaphore, #tpu.memory_space<semaphore_mem>>)
    %dma_wait3A_60 = arith.constant 3 : i32
    %dma_wait3A_61 = arith.constant 0 : i32
    %dma_wait3A_62 = tpu.memref_slice %arg5[%dma_wait3A_60, %dma_wait3A_61] : memref<40x128xi32, #tpu.memory_space<vmem>> -> memref<1x128xi32, #tpu.memory_space<vmem>>
    %dma_wait3A_63 = tpu.memref_squeeze %dma_wait3A_62 : memref<1x128xi32, #tpu.memory_space<vmem>> -> memref<128xi32, #tpu.memory_space<vmem>>
    %dma_wait3A_64 = arith.constant 0 : i32
    %dma_wait3A_65 = arith.constant 0 : i32
    %dma_wait3A_66 = tpu.memref_slice %arg2[%dma_wait3A_64, %dma_wait3A_65] : memref<1984x128xf32, #tpu.memory_space<hbm>> -> memref<1984x128xf32, #tpu.memory_space<hbm>>
    tpu.wait_indirect_dma semaphore(%arg9 : memref<!tpu.dma_semaphore, #tpu.memory_space<semaphore_mem>>) src(%dma_wait3A_66 : memref<1984x128xf32, #tpu.memory_space<hbm>>) dst(%arg7 : memref<128x128xf32, #tpu.memory_space<vmem>>)
    %mul3A_67 = arith.constant 5120 : i32
    %mul3A_68 = arith.muli %add3A, %mul3A_67 : i32
    %add3A_69 = arith.constant 384 : i32
    %add3A_70 = arith.addi %mul3A_68, %add3A_69 : i32
    "tpu.region"() ({
      %run_scoped3A = tpu.sem_alloc : memref<!tpu.dma_semaphore, #tpu.memory_space<semaphore_mem>>
      %dma_start3A_719 = arith.constant 0 : i32
      %dma_start3A_720 = tpu.memref_slice %arg4[%add3A_70, %dma_start3A_719] : memref<163840x128xf32, #tpu.memory_space<hbm>> -> memref<128x128xf32, #tpu.memory_space<hbm>>
      %dma_start3A_721 = arith.constant 0 : i32
      %dma_start3A_722 = tpu.memref_slice %arg4[%add3A_70, %dma_start3A_721] : memref<163840x128xf32, #tpu.memory_space<hbm>> -> memref<128x128xf32, #tpu.memory_space<hbm>>
      tpu.enqueue_dma source(%arg7 : memref<128x128xf32, #tpu.memory_space<vmem>>) target(%dma_start3A_722 : memref<128x128xf32, #tpu.memory_space<hbm>>) target_semaphore(%run_scoped3A : memref<!tpu.dma_semaphore, #tpu.memory_space<semaphore_mem>>)
      %dma_wait3A_723 = arith.constant 0 : i32
      %dma_wait3A_724 = tpu.memref_slice %arg4[%add3A_70, %dma_wait3A_723] : memref<163840x128xf32, #tpu.memory_space<hbm>> -> memref<128x128xf32, #tpu.memory_space<hbm>>
      %dma_wait3A_725 = arith.constant 0 : i32
      %dma_wait3A_726 = tpu.memref_slice %arg4[%add3A_70, %dma_wait3A_725] : memref<163840x128xf32, #tpu.memory_space<hbm>> -> memref<128x128xf32, #tpu.memory_space<hbm>>
      tpu.wait_dma2 semaphore(%run_scoped3A : memref<!tpu.dma_semaphore, #tpu.memory_space<semaphore_mem>>) src(%arg7 : memref<128x128xf32, #tpu.memory_space<vmem>>) dst(%dma_wait3A_726 : memref<128x128xf32, #tpu.memory_space<hbm>>)
      tpu.yield
    }) : () -> ()
    %dma_start3A_71 = arith.constant 4 : i32
    %dma_start3A_72 = arith.constant 0 : i32
    %dma_start3A_73 = tpu.memref_slice %arg5[%dma_start3A_71, %dma_start3A_72] : memref<40x128xi32, #tpu.memory_space<vmem>> -> memref<1x128xi32, #tpu.memory_space<vmem>>
    %dma_start3A_74 = tpu.memref_squeeze %dma_start3A_73 : memref<1x128xi32, #tpu.memory_space<vmem>> -> memref<128xi32, #tpu.memory_space<vmem>>
    %dma_start3A_75 = arith.constant 0 : i32
    %dma_start3A_76 = arith.constant 0 : i32
    %dma_start3A_77 = tpu.memref_slice %arg2[%dma_start3A_75, %dma_start3A_76] : memref<1984x128xf32, #tpu.memory_space<hbm>> -> memref<1984x128xf32, #tpu.memory_space<hbm>>
    tpu.enqueue_indirect_dma source(%dma_start3A_77 : memref<1984x128xf32, #tpu.memory_space<hbm>>) target(%arg6 : memref<128x128xf32, #tpu.memory_space<vmem>>) offsets(%dma_start3A_74 : memref<128xi32, #tpu.memory_space<vmem>>) semaphore(%arg8 : memref<!tpu.dma_semaphore, #tpu.memory_space<semaphore_mem>>)
    %dma_wait3A_78 = arith.constant 4 : i32
    %dma_wait3A_79 = arith.constant 0 : i32
    %dma_wait3A_80 = tpu.memref_slice %arg5[%dma_wait3A_78, %dma_wait3A_79] : memref<40x128xi32, #tpu.memory_space<vmem>> -> memref<1x128xi32, #tpu.memory_space<vmem>>
    %dma_wait3A_81 = tpu.memref_squeeze %dma_wait3A_80 : memref<1x128xi32, #tpu.memory_space<vmem>> -> memref<128xi32, #tpu.memory_space<vmem>>
    %dma_wait3A_82 = arith.constant 0 : i32
    %dma_wait3A_83 = arith.constant 0 : i32
    %dma_wait3A_84 = tpu.memref_slice %arg2[%dma_wait3A_82, %dma_wait3A_83] : memref<1984x128xf32, #tpu.memory_space<hbm>> -> memref<1984x128xf32, #tpu.memory_space<hbm>>
    tpu.wait_indirect_dma semaphore(%arg8 : memref<!tpu.dma_semaphore, #tpu.memory_space<semaphore_mem>>) src(%dma_wait3A_84 : memref<1984x128xf32, #tpu.memory_space<hbm>>) dst(%arg6 : memref<128x128xf32, #tpu.memory_space<vmem>>)
    %mul3A_85 = arith.constant 5120 : i32
    %mul3A_86 = arith.muli %add3A, %mul3A_85 : i32
    %add3A_87 = arith.constant 512 : i32
    %add3A_88 = arith.addi %mul3A_86, %add3A_87 : i32
    "tpu.region"() ({
      %run_scoped3A = tpu.sem_alloc : memref<!tpu.dma_semaphore, #tpu.memory_space<semaphore_mem>>
      %dma_start3A_719 = arith.constant 0 : i32
      %dma_start3A_720 = tpu.memref_slice %arg4[%add3A_88, %dma_start3A_719] : memref<163840x128xf32, #tpu.memory_space<hbm>> -> memref<128x128xf32, #tpu.memory_space<hbm>>
      %dma_start3A_721 = arith.constant 0 : i32
      %dma_start3A_722 = tpu.memref_slice %arg4[%add3A_88, %dma_start3A_721] : memref<163840x128xf32, #tpu.memory_space<hbm>> -> memref<128x128xf32, #tpu.memory_space<hbm>>
      tpu.enqueue_dma source(%arg6 : memref<128x128xf32, #tpu.memory_space<vmem>>) target(%dma_start3A_722 : memref<128x128xf32, #tpu.memory_space<hbm>>) target_semaphore(%run_scoped3A : memref<!tpu.dma_semaphore, #tpu.memory_space<semaphore_mem>>)
      %dma_wait3A_723 = arith.constant 0 : i32
      %dma_wait3A_724 = tpu.memref_slice %arg4[%add3A_88, %dma_wait3A_723] : memref<163840x128xf32, #tpu.memory_space<hbm>> -> memref<128x128xf32, #tpu.memory_space<hbm>>
      %dma_wait3A_725 = arith.constant 0 : i32
      %dma_wait3A_726 = tpu.memref_slice %arg4[%add3A_88, %dma_wait3A_725] : memref<163840x128xf32, #tpu.memory_space<hbm>> -> memref<128x128xf32, #tpu.memory_space<hbm>>
      tpu.wait_dma2 semaphore(%run_scoped3A : memref<!tpu.dma_semaphore, #tpu.memory_space<semaphore_mem>>) src(%arg6 : memref<128x128xf32, #tpu.memory_space<vmem>>) dst(%dma_wait3A_726 : memref<128x128xf32, #tpu.memory_space<hbm>>)
      tpu.yield
    }) : () -> ()
    %dma_start3A_89 = arith.constant 5 : i32
    %dma_start3A_90 = arith.constant 0 : i32
    %dma_start3A_91 = tpu.memref_slice %arg5[%dma_start3A_89, %dma_start3A_90] : memref<40x128xi32, #tpu.memory_space<vmem>> -> memref<1x128xi32, #tpu.memory_space<vmem>>
    %dma_start3A_92 = tpu.memref_squeeze %dma_start3A_91 : memref<1x128xi32, #tpu.memory_space<vmem>> -> memref<128xi32, #tpu.memory_space<vmem>>
    %dma_start3A_93 = arith.constant 0 : i32
    %dma_start3A_94 = arith.constant 0 : i32
    %dma_start3A_95 = tpu.memref_slice %arg2[%dma_start3A_93, %dma_start3A_94] : memref<1984x128xf32, #tpu.memory_space<hbm>> -> memref<1984x128xf32, #tpu.memory_space<hbm>>
    tpu.enqueue_indirect_dma source(%dma_start3A_95 : memref<1984x128xf32, #tpu.memory_space<hbm>>) target(%arg7 : memref<128x128xf32, #tpu.memory_space<vmem>>) offsets(%dma_start3A_92 : memref<128xi32, #tpu.memory_space<vmem>>) semaphore(%arg9 : memref<!tpu.dma_semaphore, #tpu.memory_space<semaphore_mem>>)
    %dma_wait3A_96 = arith.constant 5 : i32
    %dma_wait3A_97 = arith.constant 0 : i32
    %dma_wait3A_98 = tpu.memref_slice %arg5[%dma_wait3A_96, %dma_wait3A_97] : memref<40x128xi32, #tpu.memory_space<vmem>> -> memref<1x128xi32, #tpu.memory_space<vmem>>
    %dma_wait3A_99 = tpu.memref_squeeze %dma_wait3A_98 : memref<1x128xi32, #tpu.memory_space<vmem>> -> memref<128xi32, #tpu.memory_space<vmem>>
    %dma_wait3A_100 = arith.constant 0 : i32
    %dma_wait3A_101 = arith.constant 0 : i32
    %dma_wait3A_102 = tpu.memref_slice %arg2[%dma_wait3A_100, %dma_wait3A_101] : memref<1984x128xf32, #tpu.memory_space<hbm>> -> memref<1984x128xf32, #tpu.memory_space<hbm>>
    tpu.wait_indirect_dma semaphore(%arg9 : memref<!tpu.dma_semaphore, #tpu.memory_space<semaphore_mem>>) src(%dma_wait3A_102 : memref<1984x128xf32, #tpu.memory_space<hbm>>) dst(%arg7 : memref<128x128xf32, #tpu.memory_space<vmem>>)
    %mul3A_103 = arith.constant 5120 : i32
    %mul3A_104 = arith.muli %add3A, %mul3A_103 : i32
    %add3A_105 = arith.constant 640 : i32
    %add3A_106 = arith.addi %mul3A_104, %add3A_105 : i32
    "tpu.region"() ({
      %run_scoped3A = tpu.sem_alloc : memref<!tpu.dma_semaphore, #tpu.memory_space<semaphore_mem>>
      %dma_start3A_719 = arith.constant 0 : i32
      %dma_start3A_720 = tpu.memref_slice %arg4[%add3A_106, %dma_start3A_719] : memref<163840x128xf32, #tpu.memory_space<hbm>> -> memref<128x128xf32, #tpu.memory_space<hbm>>
      %dma_start3A_721 = arith.constant 0 : i32
      %dma_start3A_722 = tpu.memref_slice %arg4[%add3A_106, %dma_start3A_721] : memref<163840x128xf32, #tpu.memory_space<hbm>> -> memref<128x128xf32, #tpu.memory_space<hbm>>
      tpu.enqueue_dma source(%arg7 : memref<128x128xf32, #tpu.memory_space<vmem>>) target(%dma_start3A_722 : memref<128x128xf32, #tpu.memory_space<hbm>>) target_semaphore(%run_scoped3A : memref<!tpu.dma_semaphore, #tpu.memory_space<semaphore_mem>>)
      %dma_wait3A_723 = arith.constant 0 : i32
      %dma_wait3A_724 = tpu.memref_slice %arg4[%add3A_106, %dma_wait3A_723] : memref<163840x128xf32, #tpu.memory_space<hbm>> -> memref<128x128xf32, #tpu.memory_space<hbm>>
      %dma_wait3A_725 = arith.constant 0 : i32
      %dma_wait3A_726 = tpu.memref_slice %arg4[%add3A_106, %dma_wait3A_725] : memref<163840x128xf32, #tpu.memory_space<hbm>> -> memref<128x128xf32, #tpu.memory_space<hbm>>
      tpu.wait_dma2 semaphore(%run_scoped3A : memref<!tpu.dma_semaphore, #tpu.memory_space<semaphore_mem>>) src(%arg7 : memref<128x128xf32, #tpu.memory_space<vmem>>) dst(%dma_wait3A_726 : memref<128x128xf32, #tpu.memory_space<hbm>>)
      tpu.yield
    }) : () -> ()
    %dma_start3A_107 = arith.constant 6 : i32
    %dma_start3A_108 = arith.constant 0 : i32
    %dma_start3A_109 = tpu.memref_slice %arg5[%dma_start3A_107, %dma_start3A_108] : memref<40x128xi32, #tpu.memory_space<vmem>> -> memref<1x128xi32, #tpu.memory_space<vmem>>
    %dma_start3A_110 = tpu.memref_squeeze %dma_start3A_109 : memref<1x128xi32, #tpu.memory_space<vmem>> -> memref<128xi32, #tpu.memory_space<vmem>>
    %dma_start3A_111 = arith.constant 0 : i32
    %dma_start3A_112 = arith.constant 0 : i32
    %dma_start3A_113 = tpu.memref_slice %arg2[%dma_start3A_111, %dma_start3A_112] : memref<1984x128xf32, #tpu.memory_space<hbm>> -> memref<1984x128xf32, #tpu.memory_space<hbm>>
    tpu.enqueue_indirect_dma source(%dma_start3A_113 : memref<1984x128xf32, #tpu.memory_space<hbm>>) target(%arg6 : memref<128x128xf32, #tpu.memory_space<vmem>>) offsets(%dma_start3A_110 : memref<128xi32, #tpu.memory_space<vmem>>) semaphore(%arg8 : memref<!tpu.dma_semaphore, #tpu.memory_space<semaphore_mem>>)
    %dma_wait3A_114 = arith.constant 6 : i32
    %dma_wait3A_115 = arith.constant 0 : i32
    %dma_wait3A_116 = tpu.memref_slice %arg5[%dma_wait3A_114, %dma_wait3A_115] : memref<40x128xi32, #tpu.memory_space<vmem>> -> memref<1x128xi32, #tpu.memory_space<vmem>>
    %dma_wait3A_117 = tpu.memref_squeeze %dma_wait3A_116 : memref<1x128xi32, #tpu.memory_space<vmem>> -> memref<128xi32, #tpu.memory_space<vmem>>
    %dma_wait3A_118 = arith.constant 0 : i32
    %dma_wait3A_119 = arith.constant 0 : i32
    %dma_wait3A_120 = tpu.memref_slice %arg2[%dma_wait3A_118, %dma_wait3A_119] : memref<1984x128xf32, #tpu.memory_space<hbm>> -> memref<1984x128xf32, #tpu.memory_space<hbm>>
    tpu.wait_indirect_dma semaphore(%arg8 : memref<!tpu.dma_semaphore, #tpu.memory_space<semaphore_mem>>) src(%dma_wait3A_120 : memref<1984x128xf32, #tpu.memory_space<hbm>>) dst(%arg6 : memref<128x128xf32, #tpu.memory_space<vmem>>)
    %mul3A_121 = arith.constant 5120 : i32
    %mul3A_122 = arith.muli %add3A, %mul3A_121 : i32
    %add3A_123 = arith.constant 768 : i32
    %add3A_124 = arith.addi %mul3A_122, %add3A_123 : i32
    "tpu.region"() ({
      %run_scoped3A = tpu.sem_alloc : memref<!tpu.dma_semaphore, #tpu.memory_space<semaphore_mem>>
      %dma_start3A_719 = arith.constant 0 : i32
      %dma_start3A_720 = tpu.memref_slice %arg4[%add3A_124, %dma_start3A_719] : memref<163840x128xf32, #tpu.memory_space<hbm>> -> memref<128x128xf32, #tpu.memory_space<hbm>>
      %dma_start3A_721 = arith.constant 0 : i32
      %dma_start3A_722 = tpu.memref_slice %arg4[%add3A_124, %dma_start3A_721] : memref<163840x128xf32, #tpu.memory_space<hbm>> -> memref<128x128xf32, #tpu.memory_space<hbm>>
      tpu.enqueue_dma source(%arg6 : memref<128x128xf32, #tpu.memory_space<vmem>>) target(%dma_start3A_722 : memref<128x128xf32, #tpu.memory_space<hbm>>) target_semaphore(%run_scoped3A : memref<!tpu.dma_semaphore, #tpu.memory_space<semaphore_mem>>)
      %dma_wait3A_723 = arith.constant 0 : i32
      %dma_wait3A_724 = tpu.memref_slice %arg4[%add3A_124, %dma_wait3A_723] : memref<163840x128xf32, #tpu.memory_space<hbm>> -> memref<128x128xf32, #tpu.memory_space<hbm>>
      %dma_wait3A_725 = arith.constant 0 : i32
      %dma_wait3A_726 = tpu.memref_slice %arg4[%add3A_124, %dma_wait3A_725] : memref<163840x128xf32, #tpu.memory_space<hbm>> -> memref<128x128xf32, #tpu.memory_space<hbm>>
      tpu.wait_dma2 semaphore(%run_scoped3A : memref<!tpu.dma_semaphore, #tpu.memory_space<semaphore_mem>>) src(%arg6 : memref<128x128xf32, #tpu.memory_space<vmem>>) dst(%dma_wait3A_726 : memref<128x128xf32, #tpu.memory_space<hbm>>)
      tpu.yield
    }) : () -> ()
    %dma_start3A_125 = arith.constant 7 : i32
    %dma_start3A_126 = arith.constant 0 : i32
    %dma_start3A_127 = tpu.memref_slice %arg5[%dma_start3A_125, %dma_start3A_126] : memref<40x128xi32, #tpu.memory_space<vmem>> -> memref<1x128xi32, #tpu.memory_space<vmem>>
    %dma_start3A_128 = tpu.memref_squeeze %dma_start3A_127 : memref<1x128xi32, #tpu.memory_space<vmem>> -> memref<128xi32, #tpu.memory_space<vmem>>
    %dma_start3A_129 = arith.constant 0 : i32
    %dma_start3A_130 = arith.constant 0 : i32
    %dma_start3A_131 = tpu.memref_slice %arg2[%dma_start3A_129, %dma_start3A_130] : memref<1984x128xf32, #tpu.memory_space<hbm>> -> memref<1984x128xf32, #tpu.memory_space<hbm>>
    tpu.enqueue_indirect_dma source(%dma_start3A_131 : memref<1984x128xf32, #tpu.memory_space<hbm>>) target(%arg7 : memref<128x128xf32, #tpu.memory_space<vmem>>) offsets(%dma_start3A_128 : memref<128xi32, #tpu.memory_space<vmem>>) semaphore(%arg9 : memref<!tpu.dma_semaphore, #tpu.memory_space<semaphore_mem>>)
    %dma_wait3A_132 = arith.constant 7 : i32
    %dma_wait3A_133 = arith.constant 0 : i32
    %dma_wait3A_134 = tpu.memref_slice %arg5[%dma_wait3A_132, %dma_wait3A_133] : memref<40x128xi32, #tpu.memory_space<vmem>> -> memref<1x128xi32, #tpu.memory_space<vmem>>
    %dma_wait3A_135 = tpu.memref_squeeze %dma_wait3A_134 : memref<1x128xi32, #tpu.memory_space<vmem>> -> memref<128xi32, #tpu.memory_space<vmem>>
    %dma_wait3A_136 = arith.constant 0 : i32
    %dma_wait3A_137 = arith.constant 0 : i32
    %dma_wait3A_138 = tpu.memref_slice %arg2[%dma_wait3A_136, %dma_wait3A_137] : memref<1984x128xf32, #tpu.memory_space<hbm>> -> memref<1984x128xf32, #tpu.memory_space<hbm>>
    tpu.wait_indirect_dma semaphore(%arg9 : memref<!tpu.dma_semaphore, #tpu.memory_space<semaphore_mem>>) src(%dma_wait3A_138 : memref<1984x128xf32, #tpu.memory_space<hbm>>) dst(%arg7 : memref<128x128xf32, #tpu.memory_space<vmem>>)
    %mul3A_139 = arith.constant 5120 : i32
    %mul3A_140 = arith.muli %add3A, %mul3A_139 : i32
    %add3A_141 = arith.constant 896 : i32
    %add3A_142 = arith.addi %mul3A_140, %add3A_141 : i32
    "tpu.region"() ({
      %run_scoped3A = tpu.sem_alloc : memref<!tpu.dma_semaphore, #tpu.memory_space<semaphore_mem>>
      %dma_start3A_719 = arith.constant 0 : i32
      %dma_start3A_720 = tpu.memref_slice %arg4[%add3A_142, %dma_start3A_719] : memref<163840x128xf32, #tpu.memory_space<hbm>> -> memref<128x128xf32, #tpu.memory_space<hbm>>
      %dma_start3A_721 = arith.constant 0 : i32
      %dma_start3A_722 = tpu.memref_slice %arg4[%add3A_142, %dma_start3A_721] : memref<163840x128xf32, #tpu.memory_space<hbm>> -> memref<128x128xf32, #tpu.memory_space<hbm>>
      tpu.enqueue_dma source(%arg7 : memref<128x128xf32, #tpu.memory_space<vmem>>) target(%dma_start3A_722 : memref<128x128xf32, #tpu.memory_space<hbm>>) target_semaphore(%run_scoped3A : memref<!tpu.dma_semaphore, #tpu.memory_space<semaphore_mem>>)
      %dma_wait3A_723 = arith.constant 0 : i32
      %dma_wait3A_724 = tpu.memref_slice %arg4[%add3A_142, %dma_wait3A_723] : memref<163840x128xf32, #tpu.memory_space<hbm>> -> memref<128x128xf32, #tpu.memory_space<hbm>>
      %dma_wait3A_725 = arith.constant 0 : i32
      %dma_wait3A_726 = tpu.memref_slice %arg4[%add3A_142, %dma_wait3A_725] : memref<163840x128xf32, #tpu.memory_space<hbm>> -> memref<128x128xf32, #tpu.memory_space<hbm>>
      tpu.wait_dma2 semaphore(%run_scoped3A : memref<!tpu.dma_semaphore, #tpu.memory_space<semaphore_mem>>) src(%arg7 : memref<128x128xf32, #tpu.memory_space<vmem>>) dst(%dma_wait3A_726 : memref<128x128xf32, #tpu.memory_space<hbm>>)
      tpu.yield
    }) : () -> ()
    %dma_start3A_143 = arith.constant 8 : i32
    %dma_start3A_144 = arith.constant 0 : i32
    %dma_start3A_145 = tpu.memref_slice %arg5[%dma_start3A_143, %dma_start3A_144] : memref<40x128xi32, #tpu.memory_space<vmem>> -> memref<1x128xi32, #tpu.memory_space<vmem>>
    %dma_start3A_146 = tpu.memref_squeeze %dma_start3A_145 : memref<1x128xi32, #tpu.memory_space<vmem>> -> memref<128xi32, #tpu.memory_space<vmem>>
    %dma_start3A_147 = arith.constant 0 : i32
    %dma_start3A_148 = arith.constant 0 : i32
    %dma_start3A_149 = tpu.memref_slice %arg2[%dma_start3A_147, %dma_start3A_148] : memref<1984x128xf32, #tpu.memory_space<hbm>> -> memref<1984x128xf32, #tpu.memory_space<hbm>>
    tpu.enqueue_indirect_dma source(%dma_start3A_149 : memref<1984x128xf32, #tpu.memory_space<hbm>>) target(%arg6 : memref<128x128xf32, #tpu.memory_space<vmem>>) offsets(%dma_start3A_146 : memref<128xi32, #tpu.memory_space<vmem>>) semaphore(%arg8 : memref<!tpu.dma_semaphore, #tpu.memory_space<semaphore_mem>>)
    %dma_wait3A_150 = arith.constant 8 : i32
    %dma_wait3A_151 = arith.constant 0 : i32
    %dma_wait3A_152 = tpu.memref_slice %arg5[%dma_wait3A_150, %dma_wait3A_151] : memref<40x128xi32, #tpu.memory_space<vmem>> -> memref<1x128xi32, #tpu.memory_space<vmem>>
    %dma_wait3A_153 = tpu.memref_squeeze %dma_wait3A_152 : memref<1x128xi32, #tpu.memory_space<vmem>> -> memref<128xi32, #tpu.memory_space<vmem>>
    %dma_wait3A_154 = arith.constant 0 : i32
    %dma_wait3A_155 = arith.constant 0 : i32
    %dma_wait3A_156 = tpu.memref_slice %arg2[%dma_wait3A_154, %dma_wait3A_155] : memref<1984x128xf32, #tpu.memory_space<hbm>> -> memref<1984x128xf32, #tpu.memory_space<hbm>>
    tpu.wait_indirect_dma semaphore(%arg8 : memref<!tpu.dma_semaphore, #tpu.memory_space<semaphore_mem>>) src(%dma_wait3A_156 : memref<1984x128xf32, #tpu.memory_space<hbm>>) dst(%arg6 : memref<128x128xf32, #tpu.memory_space<vmem>>)
    %mul3A_157 = arith.constant 5120 : i32
    %mul3A_158 = arith.muli %add3A, %mul3A_157 : i32
    %add3A_159 = arith.constant 1024 : i32
    %add3A_160 = arith.addi %mul3A_158, %add3A_159 : i32
    "tpu.region"() ({
      %run_scoped3A = tpu.sem_alloc : memref<!tpu.dma_semaphore, #tpu.memory_space<semaphore_mem>>
      %dma_start3A_719 = arith.constant 0 : i32
      %dma_start3A_720 = tpu.memref_slice %arg4[%add3A_160, %dma_start3A_719] : memref<163840x128xf32, #tpu.memory_space<hbm>> -> memref<128x128xf32, #tpu.memory_space<hbm>>
      %dma_start3A_721 = arith.constant 0 : i32
      %dma_start3A_722 = tpu.memref_slice %arg4[%add3A_160, %dma_start3A_721] : memref<163840x128xf32, #tpu.memory_space<hbm>> -> memref<128x128xf32, #tpu.memory_space<hbm>>
      tpu.enqueue_dma source(%arg6 : memref<128x128xf32, #tpu.memory_space<vmem>>) target(%dma_start3A_722 : memref<128x128xf32, #tpu.memory_space<hbm>>) target_semaphore(%run_scoped3A : memref<!tpu.dma_semaphore, #tpu.memory_space<semaphore_mem>>)
      %dma_wait3A_723 = arith.constant 0 : i32
      %dma_wait3A_724 = tpu.memref_slice %arg4[%add3A_160, %dma_wait3A_723] : memref<163840x128xf32, #tpu.memory_space<hbm>> -> memref<128x128xf32, #tpu.memory_space<hbm>>
      %dma_wait3A_725 = arith.constant 0 : i32
      %dma_wait3A_726 = tpu.memref_slice %arg4[%add3A_160, %dma_wait3A_725] : memref<163840x128xf32, #tpu.memory_space<hbm>> -> memref<128x128xf32, #tpu.memory_space<hbm>>
      tpu.wait_dma2 semaphore(%run_scoped3A : memref<!tpu.dma_semaphore, #tpu.memory_space<semaphore_mem>>) src(%arg6 : memref<128x128xf32, #tpu.memory_space<vmem>>) dst(%dma_wait3A_726 : memref<128x128xf32, #tpu.memory_space<hbm>>)
      tpu.yield
    }) : () -> ()
    %dma_start3A_161 = arith.constant 9 : i32
    %dma_start3A_162 = arith.constant 0 : i32
    %dma_start3A_163 = tpu.memref_slice %arg5[%dma_start3A_161, %dma_start3A_162] : memref<40x128xi32, #tpu.memory_space<vmem>> -> memref<1x128xi32, #tpu.memory_space<vmem>>
    %dma_start3A_164 = tpu.memref_squeeze %dma_start3A_163 : memref<1x128xi32, #tpu.memory_space<vmem>> -> memref<128xi32, #tpu.memory_space<vmem>>
    %dma_start3A_165 = arith.constant 0 : i32
    %dma_start3A_166 = arith.constant 0 : i32
    %dma_start3A_167 = tpu.memref_slice %arg2[%dma_start3A_165, %dma_start3A_166] : memref<1984x128xf32, #tpu.memory_space<hbm>> -> memref<1984x128xf32, #tpu.memory_space<hbm>>
    tpu.enqueue_indirect_dma source(%dma_start3A_167 : memref<1984x128xf32, #tpu.memory_space<hbm>>) target(%arg7 : memref<128x128xf32, #tpu.memory_space<vmem>>) offsets(%dma_start3A_164 : memref<128xi32, #tpu.memory_space<vmem>>) semaphore(%arg9 : memref<!tpu.dma_semaphore, #tpu.memory_space<semaphore_mem>>)
    %dma_wait3A_168 = arith.constant 9 : i32
    %dma_wait3A_169 = arith.constant 0 : i32
    %dma_wait3A_170 = tpu.memref_slice %arg5[%dma_wait3A_168, %dma_wait3A_169] : memref<40x128xi32, #tpu.memory_space<vmem>> -> memref<1x128xi32, #tpu.memory_space<vmem>>
    %dma_wait3A_171 = tpu.memref_squeeze %dma_wait3A_170 : memref<1x128xi32, #tpu.memory_space<vmem>> -> memref<128xi32, #tpu.memory_space<vmem>>
    %dma_wait3A_172 = arith.constant 0 : i32
    %dma_wait3A_173 = arith.constant 0 : i32
    %dma_wait3A_174 = tpu.memref_slice %arg2[%dma_wait3A_172, %dma_wait3A_173] : memref<1984x128xf32, #tpu.memory_space<hbm>> -> memref<1984x128xf32, #tpu.memory_space<hbm>>
    tpu.wait_indirect_dma semaphore(%arg9 : memref<!tpu.dma_semaphore, #tpu.memory_space<semaphore_mem>>) src(%dma_wait3A_174 : memref<1984x128xf32, #tpu.memory_space<hbm>>) dst(%arg7 : memref<128x128xf32, #tpu.memory_space<vmem>>)
    %mul3A_175 = arith.constant 5120 : i32
    %mul3A_176 = arith.muli %add3A, %mul3A_175 : i32
    %add3A_177 = arith.constant 1152 : i32
    %add3A_178 = arith.addi %mul3A_176, %add3A_177 : i32
    "tpu.region"() ({
      %run_scoped3A = tpu.sem_alloc : memref<!tpu.dma_semaphore, #tpu.memory_space<semaphore_mem>>
      %dma_start3A_719 = arith.constant 0 : i32
      %dma_start3A_720 = tpu.memref_slice %arg4[%add3A_178, %dma_start3A_719] : memref<163840x128xf32, #tpu.memory_space<hbm>> -> memref<128x128xf32, #tpu.memory_space<hbm>>
      %dma_start3A_721 = arith.constant 0 : i32
      %dma_start3A_722 = tpu.memref_slice %arg4[%add3A_178, %dma_start3A_721] : memref<163840x128xf32, #tpu.memory_space<hbm>> -> memref<128x128xf32, #tpu.memory_space<hbm>>
      tpu.enqueue_dma source(%arg7 : memref<128x128xf32, #tpu.memory_space<vmem>>) target(%dma_start3A_722 : memref<128x128xf32, #tpu.memory_space<hbm>>) target_semaphore(%run_scoped3A : memref<!tpu.dma_semaphore, #tpu.memory_space<semaphore_mem>>)
      %dma_wait3A_723 = arith.constant 0 : i32
      %dma_wait3A_724 = tpu.memref_slice %arg4[%add3A_178, %dma_wait3A_723] : memref<163840x128xf32, #tpu.memory_space<hbm>> -> memref<128x128xf32, #tpu.memory_space<hbm>>
      %dma_wait3A_725 = arith.constant 0 : i32
      %dma_wait3A_726 = tpu.memref_slice %arg4[%add3A_178, %dma_wait3A_725] : memref<163840x128xf32, #tpu.memory_space<hbm>> -> memref<128x128xf32, #tpu.memory_space<hbm>>
      tpu.wait_dma2 semaphore(%run_scoped3A : memref<!tpu.dma_semaphore, #tpu.memory_space<semaphore_mem>>) src(%arg7 : memref<128x128xf32, #tpu.memory_space<vmem>>) dst(%dma_wait3A_726 : memref<128x128xf32, #tpu.memory_space<hbm>>)
      tpu.yield
    }) : () -> ()
    %dma_start3A_179 = arith.constant 10 : i32
    %dma_start3A_180 = arith.constant 0 : i32
    %dma_start3A_181 = tpu.memref_slice %arg5[%dma_start3A_179, %dma_start3A_180] : memref<40x128xi32, #tpu.memory_space<vmem>> -> memref<1x128xi32, #tpu.memory_space<vmem>>
    %dma_start3A_182 = tpu.memref_squeeze %dma_start3A_181 : memref<1x128xi32, #tpu.memory_space<vmem>> -> memref<128xi32, #tpu.memory_space<vmem>>
    %dma_start3A_183 = arith.constant 0 : i32
    %dma_start3A_184 = arith.constant 0 : i32
    %dma_start3A_185 = tpu.memref_slice %arg2[%dma_start3A_183, %dma_start3A_184] : memref<1984x128xf32, #tpu.memory_space<hbm>> -> memref<1984x128xf32, #tpu.memory_space<hbm>>
    tpu.enqueue_indirect_dma source(%dma_start3A_185 : memref<1984x128xf32, #tpu.memory_space<hbm>>) target(%arg6 : memref<128x128xf32, #tpu.memory_space<vmem>>) offsets(%dma_start3A_182 : memref<128xi32, #tpu.memory_space<vmem>>) semaphore(%arg8 : memref<!tpu.dma_semaphore, #tpu.memory_space<semaphore_mem>>)
    %dma_wait3A_186 = arith.constant 10 : i32
    %dma_wait3A_187 = arith.constant 0 : i32
    %dma_wait3A_188 = tpu.memref_slice %arg5[%dma_wait3A_186, %dma_wait3A_187] : memref<40x128xi32, #tpu.memory_space<vmem>> -> memref<1x128xi32, #tpu.memory_space<vmem>>
    %dma_wait3A_189 = tpu.memref_squeeze %dma_wait3A_188 : memref<1x128xi32, #tpu.memory_space<vmem>> -> memref<128xi32, #tpu.memory_space<vmem>>
    %dma_wait3A_190 = arith.constant 0 : i32
    %dma_wait3A_191 = arith.constant 0 : i32
    %dma_wait3A_192 = tpu.memref_slice %arg2[%dma_wait3A_190, %dma_wait3A_191] : memref<1984x128xf32, #tpu.memory_space<hbm>> -> memref<1984x128xf32, #tpu.memory_space<hbm>>
    tpu.wait_indirect_dma semaphore(%arg8 : memref<!tpu.dma_semaphore, #tpu.memory_space<semaphore_mem>>) src(%dma_wait3A_192 : memref<1984x128xf32, #tpu.memory_space<hbm>>) dst(%arg6 : memref<128x128xf32, #tpu.memory_space<vmem>>)
    %mul3A_193 = arith.constant 5120 : i32
    %mul3A_194 = arith.muli %add3A, %mul3A_193 : i32
    %add3A_195 = arith.constant 1280 : i32
    %add3A_196 = arith.addi %mul3A_194, %add3A_195 : i32
    "tpu.region"() ({
      %run_scoped3A = tpu.sem_alloc : memref<!tpu.dma_semaphore, #tpu.memory_space<semaphore_mem>>
      %dma_start3A_719 = arith.constant 0 : i32
      %dma_start3A_720 = tpu.memref_slice %arg4[%add3A_196, %dma_start3A_719] : memref<163840x128xf32, #tpu.memory_space<hbm>> -> memref<128x128xf32, #tpu.memory_space<hbm>>
      %dma_start3A_721 = arith.constant 0 : i32
      %dma_start3A_722 = tpu.memref_slice %arg4[%add3A_196, %dma_start3A_721] : memref<163840x128xf32, #tpu.memory_space<hbm>> -> memref<128x128xf32, #tpu.memory_space<hbm>>
      tpu.enqueue_dma source(%arg6 : memref<128x128xf32, #tpu.memory_space<vmem>>) target(%dma_start3A_722 : memref<128x128xf32, #tpu.memory_space<hbm>>) target_semaphore(%run_scoped3A : memref<!tpu.dma_semaphore, #tpu.memory_space<semaphore_mem>>)
      %dma_wait3A_723 = arith.constant 0 : i32
      %dma_wait3A_724 = tpu.memref_slice %arg4[%add3A_196, %dma_wait3A_723] : memref<163840x128xf32, #tpu.memory_space<hbm>> -> memref<128x128xf32, #tpu.memory_space<hbm>>
      %dma_wait3A_725 = arith.constant 0 : i32
      %dma_wait3A_726 = tpu.memref_slice %arg4[%add3A_196, %dma_wait3A_725] : memref<163840x128xf32, #tpu.memory_space<hbm>> -> memref<128x128xf32, #tpu.memory_space<hbm>>
      tpu.wait_dma2 semaphore(%run_scoped3A : memref<!tpu.dma_semaphore, #tpu.memory_space<semaphore_mem>>) src(%arg6 : memref<128x128xf32, #tpu.memory_space<vmem>>) dst(%dma_wait3A_726 : memref<128x128xf32, #tpu.memory_space<hbm>>)
      tpu.yield
    }) : () -> ()
    %dma_start3A_197 = arith.constant 11 : i32
    %dma_start3A_198 = arith.constant 0 : i32
    %dma_start3A_199 = tpu.memref_slice %arg5[%dma_start3A_197, %dma_start3A_198] : memref<40x128xi32, #tpu.memory_space<vmem>> -> memref<1x128xi32, #tpu.memory_space<vmem>>
    %dma_start3A_200 = tpu.memref_squeeze %dma_start3A_199 : memref<1x128xi32, #tpu.memory_space<vmem>> -> memref<128xi32, #tpu.memory_space<vmem>>
    %dma_start3A_201 = arith.constant 0 : i32
    %dma_start3A_202 = arith.constant 0 : i32
    %dma_start3A_203 = tpu.memref_slice %arg2[%dma_start3A_201, %dma_start3A_202] : memref<1984x128xf32, #tpu.memory_space<hbm>> -> memref<1984x128xf32, #tpu.memory_space<hbm>>
    tpu.enqueue_indirect_dma source(%dma_start3A_203 : memref<1984x128xf32, #tpu.memory_space<hbm>>) target(%arg7 : memref<128x128xf32, #tpu.memory_space<vmem>>) offsets(%dma_start3A_200 : memref<128xi32, #tpu.memory_space<vmem>>) semaphore(%arg9 : memref<!tpu.dma_semaphore, #tpu.memory_space<semaphore_mem>>)
    %dma_wait3A_204 = arith.constant 11 : i32
    %dma_wait3A_205 = arith.constant 0 : i32
    %dma_wait3A_206 = tpu.memref_slice %arg5[%dma_wait3A_204, %dma_wait3A_205] : memref<40x128xi32, #tpu.memory_space<vmem>> -> memref<1x128xi32, #tpu.memory_space<vmem>>
    %dma_wait3A_207 = tpu.memref_squeeze %dma_wait3A_206 : memref<1x128xi32, #tpu.memory_space<vmem>> -> memref<128xi32, #tpu.memory_space<vmem>>
    %dma_wait3A_208 = arith.constant 0 : i32
    %dma_wait3A_209 = arith.constant 0 : i32
    %dma_wait3A_210 = tpu.memref_slice %arg2[%dma_wait3A_208, %dma_wait3A_209] : memref<1984x128xf32, #tpu.memory_space<hbm>> -> memref<1984x128xf32, #tpu.memory_space<hbm>>
    tpu.wait_indirect_dma semaphore(%arg9 : memref<!tpu.dma_semaphore, #tpu.memory_space<semaphore_mem>>) src(%dma_wait3A_210 : memref<1984x128xf32, #tpu.memory_space<hbm>>) dst(%arg7 : memref<128x128xf32, #tpu.memory_space<vmem>>)
    %mul3A_211 = arith.constant 5120 : i32
    %mul3A_212 = arith.muli %add3A, %mul3A_211 : i32
    %add3A_213 = arith.constant 1408 : i32
    %add3A_214 = arith.addi %mul3A_212, %add3A_213 : i32
    "tpu.region"() ({
      %run_scoped3A = tpu.sem_alloc : memref<!tpu.dma_semaphore, #tpu.memory_space<semaphore_mem>>
      %dma_start3A_719 = arith.constant 0 : i32
      %dma_start3A_720 = tpu.memref_slice %arg4[%add3A_214, %dma_start3A_719] : memref<163840x128xf32, #tpu.memory_space<hbm>> -> memref<128x128xf32, #tpu.memory_space<hbm>>
      %dma_start3A_721 = arith.constant 0 : i32
      %dma_start3A_722 = tpu.memref_slice %arg4[%add3A_214, %dma_start3A_721] : memref<163840x128xf32, #tpu.memory_space<hbm>> -> memref<128x128xf32, #tpu.memory_space<hbm>>
      tpu.enqueue_dma source(%arg7 : memref<128x128xf32, #tpu.memory_space<vmem>>) target(%dma_start3A_722 : memref<128x128xf32, #tpu.memory_space<hbm>>) target_semaphore(%run_scoped3A : memref<!tpu.dma_semaphore, #tpu.memory_space<semaphore_mem>>)
      %dma_wait3A_723 = arith.constant 0 : i32
      %dma_wait3A_724 = tpu.memref_slice %arg4[%add3A_214, %dma_wait3A_723] : memref<163840x128xf32, #tpu.memory_space<hbm>> -> memref<128x128xf32, #tpu.memory_space<hbm>>
      %dma_wait3A_725 = arith.constant 0 : i32
      %dma_wait3A_726 = tpu.memref_slice %arg4[%add3A_214, %dma_wait3A_725] : memref<163840x128xf32, #tpu.memory_space<hbm>> -> memref<128x128xf32, #tpu.memory_space<hbm>>
      tpu.wait_dma2 semaphore(%run_scoped3A : memref<!tpu.dma_semaphore, #tpu.memory_space<semaphore_mem>>) src(%arg7 : memref<128x128xf32, #tpu.memory_space<vmem>>) dst(%dma_wait3A_726 : memref<128x128xf32, #tpu.memory_space<hbm>>)
      tpu.yield
    }) : () -> ()
    %dma_start3A_215 = arith.constant 12 : i32
    %dma_start3A_216 = arith.constant 0 : i32
    %dma_start3A_217 = tpu.memref_slice %arg5[%dma_start3A_215, %dma_start3A_216] : memref<40x128xi32, #tpu.memory_space<vmem>> -> memref<1x128xi32, #tpu.memory_space<vmem>>
    %dma_start3A_218 = tpu.memref_squeeze %dma_start3A_217 : memref<1x128xi32, #tpu.memory_space<vmem>> -> memref<128xi32, #tpu.memory_space<vmem>>
    %dma_start3A_219 = arith.constant 0 : i32
    %dma_start3A_220 = arith.constant 0 : i32
    %dma_start3A_221 = tpu.memref_slice %arg2[%dma_start3A_219, %dma_start3A_220] : memref<1984x128xf32, #tpu.memory_space<hbm>> -> memref<1984x128xf32, #tpu.memory_space<hbm>>
    tpu.enqueue_indirect_dma source(%dma_start3A_221 : memref<1984x128xf32, #tpu.memory_space<hbm>>) target(%arg6 : memref<128x128xf32, #tpu.memory_space<vmem>>) offsets(%dma_start3A_218 : memref<128xi32, #tpu.memory_space<vmem>>) semaphore(%arg8 : memref<!tpu.dma_semaphore, #tpu.memory_space<semaphore_mem>>)
    %dma_wait3A_222 = arith.constant 12 : i32
    %dma_wait3A_223 = arith.constant 0 : i32
    %dma_wait3A_224 = tpu.memref_slice %arg5[%dma_wait3A_222, %dma_wait3A_223] : memref<40x128xi32, #tpu.memory_space<vmem>> -> memref<1x128xi32, #tpu.memory_space<vmem>>
    %dma_wait3A_225 = tpu.memref_squeeze %dma_wait3A_224 : memref<1x128xi32, #tpu.memory_space<vmem>> -> memref<128xi32, #tpu.memory_space<vmem>>
    %dma_wait3A_226 = arith.constant 0 : i32
    %dma_wait3A_227 = arith.constant 0 : i32
    %dma_wait3A_228 = tpu.memref_slice %arg2[%dma_wait3A_226, %dma_wait3A_227] : memref<1984x128xf32, #tpu.memory_space<hbm>> -> memref<1984x128xf32, #tpu.memory_space<hbm>>
    tpu.wait_indirect_dma semaphore(%arg8 : memref<!tpu.dma_semaphore, #tpu.memory_space<semaphore_mem>>) src(%dma_wait3A_228 : memref<1984x128xf32, #tpu.memory_space<hbm>>) dst(%arg6 : memref<128x128xf32, #tpu.memory_space<vmem>>)
    %mul3A_229 = arith.constant 5120 : i32
    %mul3A_230 = arith.muli %add3A, %mul3A_229 : i32
    %add3A_231 = arith.constant 1536 : i32
    %add3A_232 = arith.addi %mul3A_230, %add3A_231 : i32
    "tpu.region"() ({
      %run_scoped3A = tpu.sem_alloc : memref<!tpu.dma_semaphore, #tpu.memory_space<semaphore_mem>>
      %dma_start3A_719 = arith.constant 0 : i32
      %dma_start3A_720 = tpu.memref_slice %arg4[%add3A_232, %dma_start3A_719] : memref<163840x128xf32, #tpu.memory_space<hbm>> -> memref<128x128xf32, #tpu.memory_space<hbm>>
      %dma_start3A_721 = arith.constant 0 : i32
      %dma_start3A_722 = tpu.memref_slice %arg4[%add3A_232, %dma_start3A_721] : memref<163840x128xf32, #tpu.memory_space<hbm>> -> memref<128x128xf32, #tpu.memory_space<hbm>>
      tpu.enqueue_dma source(%arg6 : memref<128x128xf32, #tpu.memory_space<vmem>>) target(%dma_start3A_722 : memref<128x128xf32, #tpu.memory_space<hbm>>) target_semaphore(%run_scoped3A : memref<!tpu.dma_semaphore, #tpu.memory_space<semaphore_mem>>)
      %dma_wait3A_723 = arith.constant 0 : i32
      %dma_wait3A_724 = tpu.memref_slice %arg4[%add3A_232, %dma_wait3A_723] : memref<163840x128xf32, #tpu.memory_space<hbm>> -> memref<128x128xf32, #tpu.memory_space<hbm>>
      %dma_wait3A_725 = arith.constant 0 : i32
      %dma_wait3A_726 = tpu.memref_slice %arg4[%add3A_232, %dma_wait3A_725] : memref<163840x128xf32, #tpu.memory_space<hbm>> -> memref<128x128xf32, #tpu.memory_space<hbm>>
      tpu.wait_dma2 semaphore(%run_scoped3A : memref<!tpu.dma_semaphore, #tpu.memory_space<semaphore_mem>>) src(%arg6 : memref<128x128xf32, #tpu.memory_space<vmem>>) dst(%dma_wait3A_726 : memref<128x128xf32, #tpu.memory_space<hbm>>)
      tpu.yield
    }) : () -> ()
    %dma_start3A_233 = arith.constant 13 : i32
    %dma_start3A_234 = arith.constant 0 : i32
    %dma_start3A_235 = tpu.memref_slice %arg5[%dma_start3A_233, %dma_start3A_234] : memref<40x128xi32, #tpu.memory_space<vmem>> -> memref<1x128xi32, #tpu.memory_space<vmem>>
    %dma_start3A_236 = tpu.memref_squeeze %dma_start3A_235 : memref<1x128xi32, #tpu.memory_space<vmem>> -> memref<128xi32, #tpu.memory_space<vmem>>
    %dma_start3A_237 = arith.constant 0 : i32
    %dma_start3A_238 = arith.constant 0 : i32
    %dma_start3A_239 = tpu.memref_slice %arg2[%dma_start3A_237, %dma_start3A_238] : memref<1984x128xf32, #tpu.memory_space<hbm>> -> memref<1984x128xf32, #tpu.memory_space<hbm>>
    tpu.enqueue_indirect_dma source(%dma_start3A_239 : memref<1984x128xf32, #tpu.memory_space<hbm>>) target(%arg7 : memref<128x128xf32, #tpu.memory_space<vmem>>) offsets(%dma_start3A_236 : memref<128xi32, #tpu.memory_space<vmem>>) semaphore(%arg9 : memref<!tpu.dma_semaphore, #tpu.memory_space<semaphore_mem>>)
    %dma_wait3A_240 = arith.constant 13 : i32
    %dma_wait3A_241 = arith.constant 0 : i32
    %dma_wait3A_242 = tpu.memref_slice %arg5[%dma_wait3A_240, %dma_wait3A_241] : memref<40x128xi32, #tpu.memory_space<vmem>> -> memref<1x128xi32, #tpu.memory_space<vmem>>
    %dma_wait3A_243 = tpu.memref_squeeze %dma_wait3A_242 : memref<1x128xi32, #tpu.memory_space<vmem>> -> memref<128xi32, #tpu.memory_space<vmem>>
    %dma_wait3A_244 = arith.constant 0 : i32
    %dma_wait3A_245 = arith.constant 0 : i32
    %dma_wait3A_246 = tpu.memref_slice %arg2[%dma_wait3A_244, %dma_wait3A_245] : memref<1984x128xf32, #tpu.memory_space<hbm>> -> memref<1984x128xf32, #tpu.memory_space<hbm>>
    tpu.wait_indirect_dma semaphore(%arg9 : memref<!tpu.dma_semaphore, #tpu.memory_space<semaphore_mem>>) src(%dma_wait3A_246 : memref<1984x128xf32, #tpu.memory_space<hbm>>) dst(%arg7 : memref<128x128xf32, #tpu.memory_space<vmem>>)
    %mul3A_247 = arith.constant 5120 : i32
    %mul3A_248 = arith.muli %add3A, %mul3A_247 : i32
    %add3A_249 = arith.constant 1664 : i32
    %add3A_250 = arith.addi %mul3A_248, %add3A_249 : i32
    "tpu.region"() ({
      %run_scoped3A = tpu.sem_alloc : memref<!tpu.dma_semaphore, #tpu.memory_space<semaphore_mem>>
      %dma_start3A_719 = arith.constant 0 : i32
      %dma_start3A_720 = tpu.memref_slice %arg4[%add3A_250, %dma_start3A_719] : memref<163840x128xf32, #tpu.memory_space<hbm>> -> memref<128x128xf32, #tpu.memory_space<hbm>>
      %dma_start3A_721 = arith.constant 0 : i32
      %dma_start3A_722 = tpu.memref_slice %arg4[%add3A_250, %dma_start3A_721] : memref<163840x128xf32, #tpu.memory_space<hbm>> -> memref<128x128xf32, #tpu.memory_space<hbm>>
      tpu.enqueue_dma source(%arg7 : memref<128x128xf32, #tpu.memory_space<vmem>>) target(%dma_start3A_722 : memref<128x128xf32, #tpu.memory_space<hbm>>) target_semaphore(%run_scoped3A : memref<!tpu.dma_semaphore, #tpu.memory_space<semaphore_mem>>)
      %dma_wait3A_723 = arith.constant 0 : i32
      %dma_wait3A_724 = tpu.memref_slice %arg4[%add3A_250, %dma_wait3A_723] : memref<163840x128xf32, #tpu.memory_space<hbm>> -> memref<128x128xf32, #tpu.memory_space<hbm>>
      %dma_wait3A_725 = arith.constant 0 : i32
      %dma_wait3A_726 = tpu.memref_slice %arg4[%add3A_250, %dma_wait3A_725] : memref<163840x128xf32, #tpu.memory_space<hbm>> -> memref<128x128xf32, #tpu.memory_space<hbm>>
      tpu.wait_dma2 semaphore(%run_scoped3A : memref<!tpu.dma_semaphore, #tpu.memory_space<semaphore_mem>>) src(%arg7 : memref<128x128xf32, #tpu.memory_space<vmem>>) dst(%dma_wait3A_726 : memref<128x128xf32, #tpu.memory_space<hbm>>)
      tpu.yield
    }) : () -> ()
    %dma_start3A_251 = arith.constant 14 : i32
    %dma_start3A_252 = arith.constant 0 : i32
    %dma_start3A_253 = tpu.memref_slice %arg5[%dma_start3A_251, %dma_start3A_252] : memref<40x128xi32, #tpu.memory_space<vmem>> -> memref<1x128xi32, #tpu.memory_space<vmem>>
    %dma_start3A_254 = tpu.memref_squeeze %dma_start3A_253 : memref<1x128xi32, #tpu.memory_space<vmem>> -> memref<128xi32, #tpu.memory_space<vmem>>
    %dma_start3A_255 = arith.constant 0 : i32
    %dma_start3A_256 = arith.constant 0 : i32
    %dma_start3A_257 = tpu.memref_slice %arg2[%dma_start3A_255, %dma_start3A_256] : memref<1984x128xf32, #tpu.memory_space<hbm>> -> memref<1984x128xf32, #tpu.memory_space<hbm>>
    tpu.enqueue_indirect_dma source(%dma_start3A_257 : memref<1984x128xf32, #tpu.memory_space<hbm>>) target(%arg6 : memref<128x128xf32, #tpu.memory_space<vmem>>) offsets(%dma_start3A_254 : memref<128xi32, #tpu.memory_space<vmem>>) semaphore(%arg8 : memref<!tpu.dma_semaphore, #tpu.memory_space<semaphore_mem>>)
    %dma_wait3A_258 = arith.constant 14 : i32
    %dma_wait3A_259 = arith.constant 0 : i32
    %dma_wait3A_260 = tpu.memref_slice %arg5[%dma_wait3A_258, %dma_wait3A_259] : memref<40x128xi32, #tpu.memory_space<vmem>> -> memref<1x128xi32, #tpu.memory_space<vmem>>
    %dma_wait3A_261 = tpu.memref_squeeze %dma_wait3A_260 : memref<1x128xi32, #tpu.memory_space<vmem>> -> memref<128xi32, #tpu.memory_space<vmem>>
    %dma_wait3A_262 = arith.constant 0 : i32
    %dma_wait3A_263 = arith.constant 0 : i32
    %dma_wait3A_264 = tpu.memref_slice %arg2[%dma_wait3A_262, %dma_wait3A_263] : memref<1984x128xf32, #tpu.memory_space<hbm>> -> memref<1984x128xf32, #tpu.memory_space<hbm>>
    tpu.wait_indirect_dma semaphore(%arg8 : memref<!tpu.dma_semaphore, #tpu.memory_space<semaphore_mem>>) src(%dma_wait3A_264 : memref<1984x128xf32, #tpu.memory_space<hbm>>) dst(%arg6 : memref<128x128xf32, #tpu.memory_space<vmem>>)
    %mul3A_265 = arith.constant 5120 : i32
    %mul3A_266 = arith.muli %add3A, %mul3A_265 : i32
    %add3A_267 = arith.constant 1792 : i32
    %add3A_268 = arith.addi %mul3A_266, %add3A_267 : i32
    "tpu.region"() ({
      %run_scoped3A = tpu.sem_alloc : memref<!tpu.dma_semaphore, #tpu.memory_space<semaphore_mem>>
      %dma_start3A_719 = arith.constant 0 : i32
      %dma_start3A_720 = tpu.memref_slice %arg4[%add3A_268, %dma_start3A_719] : memref<163840x128xf32, #tpu.memory_space<hbm>> -> memref<128x128xf32, #tpu.memory_space<hbm>>
      %dma_start3A_721 = arith.constant 0 : i32
      %dma_start3A_722 = tpu.memref_slice %arg4[%add3A_268, %dma_start3A_721] : memref<163840x128xf32, #tpu.memory_space<hbm>> -> memref<128x128xf32, #tpu.memory_space<hbm>>
      tpu.enqueue_dma source(%arg6 : memref<128x128xf32, #tpu.memory_space<vmem>>) target(%dma_start3A_722 : memref<128x128xf32, #tpu.memory_space<hbm>>) target_semaphore(%run_scoped3A : memref<!tpu.dma_semaphore, #tpu.memory_space<semaphore_mem>>)
      %dma_wait3A_723 = arith.constant 0 : i32
      %dma_wait3A_724 = tpu.memref_slice %arg4[%add3A_268, %dma_wait3A_723] : memref<163840x128xf32, #tpu.memory_space<hbm>> -> memref<128x128xf32, #tpu.memory_space<hbm>>
      %dma_wait3A_725 = arith.constant 0 : i32
      %dma_wait3A_726 = tpu.memref_slice %arg4[%add3A_268, %dma_wait3A_725] : memref<163840x128xf32, #tpu.memory_space<hbm>> -> memref<128x128xf32, #tpu.memory_space<hbm>>
      tpu.wait_dma2 semaphore(%run_scoped3A : memref<!tpu.dma_semaphore, #tpu.memory_space<semaphore_mem>>) src(%arg6 : memref<128x128xf32, #tpu.memory_space<vmem>>) dst(%dma_wait3A_726 : memref<128x128xf32, #tpu.memory_space<hbm>>)
      tpu.yield
    }) : () -> ()
    %dma_start3A_269 = arith.constant 15 : i32
    %dma_start3A_270 = arith.constant 0 : i32
    %dma_start3A_271 = tpu.memref_slice %arg5[%dma_start3A_269, %dma_start3A_270] : memref<40x128xi32, #tpu.memory_space<vmem>> -> memref<1x128xi32, #tpu.memory_space<vmem>>
    %dma_start3A_272 = tpu.memref_squeeze %dma_start3A_271 : memref<1x128xi32, #tpu.memory_space<vmem>> -> memref<128xi32, #tpu.memory_space<vmem>>
    %dma_start3A_273 = arith.constant 0 : i32
    %dma_start3A_274 = arith.constant 0 : i32
    %dma_start3A_275 = tpu.memref_slice %arg2[%dma_start3A_273, %dma_start3A_274] : memref<1984x128xf32, #tpu.memory_space<hbm>> -> memref<1984x128xf32, #tpu.memory_space<hbm>>
    tpu.enqueue_indirect_dma source(%dma_start3A_275 : memref<1984x128xf32, #tpu.memory_space<hbm>>) target(%arg7 : memref<128x128xf32, #tpu.memory_space<vmem>>) offsets(%dma_start3A_272 : memref<128xi32, #tpu.memory_space<vmem>>) semaphore(%arg9 : memref<!tpu.dma_semaphore, #tpu.memory_space<semaphore_mem>>)
    %dma_wait3A_276 = arith.constant 15 : i32
    %dma_wait3A_277 = arith.constant 0 : i32
    %dma_wait3A_278 = tpu.memref_slice %arg5[%dma_wait3A_276, %dma_wait3A_277] : memref<40x128xi32, #tpu.memory_space<vmem>> -> memref<1x128xi32, #tpu.memory_space<vmem>>
    %dma_wait3A_279 = tpu.memref_squeeze %dma_wait3A_278 : memref<1x128xi32, #tpu.memory_space<vmem>> -> memref<128xi32, #tpu.memory_space<vmem>>
    %dma_wait3A_280 = arith.constant 0 : i32
    %dma_wait3A_281 = arith.constant 0 : i32
    %dma_wait3A_282 = tpu.memref_slice %arg2[%dma_wait3A_280, %dma_wait3A_281] : memref<1984x128xf32, #tpu.memory_space<hbm>> -> memref<1984x128xf32, #tpu.memory_space<hbm>>
    tpu.wait_indirect_dma semaphore(%arg9 : memref<!tpu.dma_semaphore, #tpu.memory_space<semaphore_mem>>) src(%dma_wait3A_282 : memref<1984x128xf32, #tpu.memory_space<hbm>>) dst(%arg7 : memref<128x128xf32, #tpu.memory_space<vmem>>)
    %mul3A_283 = arith.constant 5120 : i32
    %mul3A_284 = arith.muli %add3A, %mul3A_283 : i32
    %add3A_285 = arith.constant 1920 : i32
    %add3A_286 = arith.addi %mul3A_284, %add3A_285 : i32
    "tpu.region"() ({
      %run_scoped3A = tpu.sem_alloc : memref<!tpu.dma_semaphore, #tpu.memory_space<semaphore_mem>>
      %dma_start3A_719 = arith.constant 0 : i32
      %dma_start3A_720 = tpu.memref_slice %arg4[%add3A_286, %dma_start3A_719] : memref<163840x128xf32, #tpu.memory_space<hbm>> -> memref<128x128xf32, #tpu.memory_space<hbm>>
      %dma_start3A_721 = arith.constant 0 : i32
      %dma_start3A_722 = tpu.memref_slice %arg4[%add3A_286, %dma_start3A_721] : memref<163840x128xf32, #tpu.memory_space<hbm>> -> memref<128x128xf32, #tpu.memory_space<hbm>>
      tpu.enqueue_dma source(%arg7 : memref<128x128xf32, #tpu.memory_space<vmem>>) target(%dma_start3A_722 : memref<128x128xf32, #tpu.memory_space<hbm>>) target_semaphore(%run_scoped3A : memref<!tpu.dma_semaphore, #tpu.memory_space<semaphore_mem>>)
      %dma_wait3A_723 = arith.constant 0 : i32
      %dma_wait3A_724 = tpu.memref_slice %arg4[%add3A_286, %dma_wait3A_723] : memref<163840x128xf32, #tpu.memory_space<hbm>> -> memref<128x128xf32, #tpu.memory_space<hbm>>
      %dma_wait3A_725 = arith.constant 0 : i32
      %dma_wait3A_726 = tpu.memref_slice %arg4[%add3A_286, %dma_wait3A_725] : memref<163840x128xf32, #tpu.memory_space<hbm>> -> memref<128x128xf32, #tpu.memory_space<hbm>>
      tpu.wait_dma2 semaphore(%run_scoped3A : memref<!tpu.dma_semaphore, #tpu.memory_space<semaphore_mem>>) src(%arg7 : memref<128x128xf32, #tpu.memory_space<vmem>>) dst(%dma_wait3A_726 : memref<128x128xf32, #tpu.memory_space<hbm>>)
      tpu.yield
    }) : () -> ()
    %dma_start3A_287 = arith.constant 16 : i32
    %dma_start3A_288 = arith.constant 0 : i32
    %dma_start3A_289 = tpu.memref_slice %arg5[%dma_start3A_287, %dma_start3A_288] : memref<40x128xi32, #tpu.memory_space<vmem>> -> memref<1x128xi32, #tpu.memory_space<vmem>>
    %dma_start3A_290 = tpu.memref_squeeze %dma_start3A_289 : memref<1x128xi32, #tpu.memory_space<vmem>> -> memref<128xi32, #tpu.memory_space<vmem>>
    %dma_start3A_291 = arith.constant 0 : i32
    %dma_start3A_292 = arith.constant 0 : i32
    %dma_start3A_293 = tpu.memref_slice %arg2[%dma_start3A_291, %dma_start3A_292] : memref<1984x128xf32, #tpu.memory_space<hbm>> -> memref<1984x128xf32, #tpu.memory_space<hbm>>
    tpu.enqueue_indirect_dma source(%dma_start3A_293 : memref<1984x128xf32, #tpu.memory_space<hbm>>) target(%arg6 : memref<128x128xf32, #tpu.memory_space<vmem>>) offsets(%dma_start3A_290 : memref<128xi32, #tpu.memory_space<vmem>>) semaphore(%arg8 : memref<!tpu.dma_semaphore, #tpu.memory_space<semaphore_mem>>)
    %dma_wait3A_294 = arith.constant 16 : i32
    %dma_wait3A_295 = arith.constant 0 : i32
    %dma_wait3A_296 = tpu.memref_slice %arg5[%dma_wait3A_294, %dma_wait3A_295] : memref<40x128xi32, #tpu.memory_space<vmem>> -> memref<1x128xi32, #tpu.memory_space<vmem>>
    %dma_wait3A_297 = tpu.memref_squeeze %dma_wait3A_296 : memref<1x128xi32, #tpu.memory_space<vmem>> -> memref<128xi32, #tpu.memory_space<vmem>>
    %dma_wait3A_298 = arith.constant 0 : i32
    %dma_wait3A_299 = arith.constant 0 : i32
    %dma_wait3A_300 = tpu.memref_slice %arg2[%dma_wait3A_298, %dma_wait3A_299] : memref<1984x128xf32, #tpu.memory_space<hbm>> -> memref<1984x128xf32, #tpu.memory_space<hbm>>
    tpu.wait_indirect_dma semaphore(%arg8 : memref<!tpu.dma_semaphore, #tpu.memory_space<semaphore_mem>>) src(%dma_wait3A_300 : memref<1984x128xf32, #tpu.memory_space<hbm>>) dst(%arg6 : memref<128x128xf32, #tpu.memory_space<vmem>>)
    %mul3A_301 = arith.constant 5120 : i32
    %mul3A_302 = arith.muli %add3A, %mul3A_301 : i32
    %add3A_303 = arith.constant 2048 : i32
    %add3A_304 = arith.addi %mul3A_302, %add3A_303 : i32
    "tpu.region"() ({
      %run_scoped3A = tpu.sem_alloc : memref<!tpu.dma_semaphore, #tpu.memory_space<semaphore_mem>>
      %dma_start3A_719 = arith.constant 0 : i32
      %dma_start3A_720 = tpu.memref_slice %arg4[%add3A_304, %dma_start3A_719] : memref<163840x128xf32, #tpu.memory_space<hbm>> -> memref<128x128xf32, #tpu.memory_space<hbm>>
      %dma_start3A_721 = arith.constant 0 : i32
      %dma_start3A_722 = tpu.memref_slice %arg4[%add3A_304, %dma_start3A_721] : memref<163840x128xf32, #tpu.memory_space<hbm>> -> memref<128x128xf32, #tpu.memory_space<hbm>>
      tpu.enqueue_dma source(%arg6 : memref<128x128xf32, #tpu.memory_space<vmem>>) target(%dma_start3A_722 : memref<128x128xf32, #tpu.memory_space<hbm>>) target_semaphore(%run_scoped3A : memref<!tpu.dma_semaphore, #tpu.memory_space<semaphore_mem>>)
      %dma_wait3A_723 = arith.constant 0 : i32
      %dma_wait3A_724 = tpu.memref_slice %arg4[%add3A_304, %dma_wait3A_723] : memref<163840x128xf32, #tpu.memory_space<hbm>> -> memref<128x128xf32, #tpu.memory_space<hbm>>
      %dma_wait3A_725 = arith.constant 0 : i32
      %dma_wait3A_726 = tpu.memref_slice %arg4[%add3A_304, %dma_wait3A_725] : memref<163840x128xf32, #tpu.memory_space<hbm>> -> memref<128x128xf32, #tpu.memory_space<hbm>>
      tpu.wait_dma2 semaphore(%run_scoped3A : memref<!tpu.dma_semaphore, #tpu.memory_space<semaphore_mem>>) src(%arg6 : memref<128x128xf32, #tpu.memory_space<vmem>>) dst(%dma_wait3A_726 : memref<128x128xf32, #tpu.memory_space<hbm>>)
      tpu.yield
    }) : () -> ()
    %dma_start3A_305 = arith.constant 17 : i32
    %dma_start3A_306 = arith.constant 0 : i32
    %dma_start3A_307 = tpu.memref_slice %arg5[%dma_start3A_305, %dma_start3A_306] : memref<40x128xi32, #tpu.memory_space<vmem>> -> memref<1x128xi32, #tpu.memory_space<vmem>>
    %dma_start3A_308 = tpu.memref_squeeze %dma_start3A_307 : memref<1x128xi32, #tpu.memory_space<vmem>> -> memref<128xi32, #tpu.memory_space<vmem>>
    %dma_start3A_309 = arith.constant 0 : i32
    %dma_start3A_310 = arith.constant 0 : i32
    %dma_start3A_311 = tpu.memref_slice %arg2[%dma_start3A_309, %dma_start3A_310] : memref<1984x128xf32, #tpu.memory_space<hbm>> -> memref<1984x128xf32, #tpu.memory_space<hbm>>
    tpu.enqueue_indirect_dma source(%dma_start3A_311 : memref<1984x128xf32, #tpu.memory_space<hbm>>) target(%arg7 : memref<128x128xf32, #tpu.memory_space<vmem>>) offsets(%dma_start3A_308 : memref<128xi32, #tpu.memory_space<vmem>>) semaphore(%arg9 : memref<!tpu.dma_semaphore, #tpu.memory_space<semaphore_mem>>)
    %dma_wait3A_312 = arith.constant 17 : i32
    %dma_wait3A_313 = arith.constant 0 : i32
    %dma_wait3A_314 = tpu.memref_slice %arg5[%dma_wait3A_312, %dma_wait3A_313] : memref<40x128xi32, #tpu.memory_space<vmem>> -> memref<1x128xi32, #tpu.memory_space<vmem>>
    %dma_wait3A_315 = tpu.memref_squeeze %dma_wait3A_314 : memref<1x128xi32, #tpu.memory_space<vmem>> -> memref<128xi32, #tpu.memory_space<vmem>>
    %dma_wait3A_316 = arith.constant 0 : i32
    %dma_wait3A_317 = arith.constant 0 : i32
    %dma_wait3A_318 = tpu.memref_slice %arg2[%dma_wait3A_316, %dma_wait3A_317] : memref<1984x128xf32, #tpu.memory_space<hbm>> -> memref<1984x128xf32, #tpu.memory_space<hbm>>
    tpu.wait_indirect_dma semaphore(%arg9 : memref<!tpu.dma_semaphore, #tpu.memory_space<semaphore_mem>>) src(%dma_wait3A_318 : memref<1984x128xf32, #tpu.memory_space<hbm>>) dst(%arg7 : memref<128x128xf32, #tpu.memory_space<vmem>>)
    %mul3A_319 = arith.constant 5120 : i32
    %mul3A_320 = arith.muli %add3A, %mul3A_319 : i32
    %add3A_321 = arith.constant 2176 : i32
    %add3A_322 = arith.addi %mul3A_320, %add3A_321 : i32
    "tpu.region"() ({
      %run_scoped3A = tpu.sem_alloc : memref<!tpu.dma_semaphore, #tpu.memory_space<semaphore_mem>>
      %dma_start3A_719 = arith.constant 0 : i32
      %dma_start3A_720 = tpu.memref_slice %arg4[%add3A_322, %dma_start3A_719] : memref<163840x128xf32, #tpu.memory_space<hbm>> -> memref<128x128xf32, #tpu.memory_space<hbm>>
      %dma_start3A_721 = arith.constant 0 : i32
      %dma_start3A_722 = tpu.memref_slice %arg4[%add3A_322, %dma_start3A_721] : memref<163840x128xf32, #tpu.memory_space<hbm>> -> memref<128x128xf32, #tpu.memory_space<hbm>>
      tpu.enqueue_dma source(%arg7 : memref<128x128xf32, #tpu.memory_space<vmem>>) target(%dma_start3A_722 : memref<128x128xf32, #tpu.memory_space<hbm>>) target_semaphore(%run_scoped3A : memref<!tpu.dma_semaphore, #tpu.memory_space<semaphore_mem>>)
      %dma_wait3A_723 = arith.constant 0 : i32
      %dma_wait3A_724 = tpu.memref_slice %arg4[%add3A_322, %dma_wait3A_723] : memref<163840x128xf32, #tpu.memory_space<hbm>> -> memref<128x128xf32, #tpu.memory_space<hbm>>
      %dma_wait3A_725 = arith.constant 0 : i32
      %dma_wait3A_726 = tpu.memref_slice %arg4[%add3A_322, %dma_wait3A_725] : memref<163840x128xf32, #tpu.memory_space<hbm>> -> memref<128x128xf32, #tpu.memory_space<hbm>>
      tpu.wait_dma2 semaphore(%run_scoped3A : memref<!tpu.dma_semaphore, #tpu.memory_space<semaphore_mem>>) src(%arg7 : memref<128x128xf32, #tpu.memory_space<vmem>>) dst(%dma_wait3A_726 : memref<128x128xf32, #tpu.memory_space<hbm>>)
      tpu.yield
    }) : () -> ()
    %dma_start3A_323 = arith.constant 18 : i32
    %dma_start3A_324 = arith.constant 0 : i32
    %dma_start3A_325 = tpu.memref_slice %arg5[%dma_start3A_323, %dma_start3A_324] : memref<40x128xi32, #tpu.memory_space<vmem>> -> memref<1x128xi32, #tpu.memory_space<vmem>>
    %dma_start3A_326 = tpu.memref_squeeze %dma_start3A_325 : memref<1x128xi32, #tpu.memory_space<vmem>> -> memref<128xi32, #tpu.memory_space<vmem>>
    %dma_start3A_327 = arith.constant 0 : i32
    %dma_start3A_328 = arith.constant 0 : i32
    %dma_start3A_329 = tpu.memref_slice %arg2[%dma_start3A_327, %dma_start3A_328] : memref<1984x128xf32, #tpu.memory_space<hbm>> -> memref<1984x128xf32, #tpu.memory_space<hbm>>
    tpu.enqueue_indirect_dma source(%dma_start3A_329 : memref<1984x128xf32, #tpu.memory_space<hbm>>) target(%arg6 : memref<128x128xf32, #tpu.memory_space<vmem>>) offsets(%dma_start3A_326 : memref<128xi32, #tpu.memory_space<vmem>>) semaphore(%arg8 : memref<!tpu.dma_semaphore, #tpu.memory_space<semaphore_mem>>)
    %dma_wait3A_330 = arith.constant 18 : i32
    %dma_wait3A_331 = arith.constant 0 : i32
    %dma_wait3A_332 = tpu.memref_slice %arg5[%dma_wait3A_330, %dma_wait3A_331] : memref<40x128xi32, #tpu.memory_space<vmem>> -> memref<1x128xi32, #tpu.memory_space<vmem>>
    %dma_wait3A_333 = tpu.memref_squeeze %dma_wait3A_332 : memref<1x128xi32, #tpu.memory_space<vmem>> -> memref<128xi32, #tpu.memory_space<vmem>>
    %dma_wait3A_334 = arith.constant 0 : i32
    %dma_wait3A_335 = arith.constant 0 : i32
    %dma_wait3A_336 = tpu.memref_slice %arg2[%dma_wait3A_334, %dma_wait3A_335] : memref<1984x128xf32, #tpu.memory_space<hbm>> -> memref<1984x128xf32, #tpu.memory_space<hbm>>
    tpu.wait_indirect_dma semaphore(%arg8 : memref<!tpu.dma_semaphore, #tpu.memory_space<semaphore_mem>>) src(%dma_wait3A_336 : memref<1984x128xf32, #tpu.memory_space<hbm>>) dst(%arg6 : memref<128x128xf32, #tpu.memory_space<vmem>>)
    %mul3A_337 = arith.constant 5120 : i32
    %mul3A_338 = arith.muli %add3A, %mul3A_337 : i32
    %add3A_339 = arith.constant 2304 : i32
    %add3A_340 = arith.addi %mul3A_338, %add3A_339 : i32
    "tpu.region"() ({
      %run_scoped3A = tpu.sem_alloc : memref<!tpu.dma_semaphore, #tpu.memory_space<semaphore_mem>>
      %dma_start3A_719 = arith.constant 0 : i32
      %dma_start3A_720 = tpu.memref_slice %arg4[%add3A_340, %dma_start3A_719] : memref<163840x128xf32, #tpu.memory_space<hbm>> -> memref<128x128xf32, #tpu.memory_space<hbm>>
      %dma_start3A_721 = arith.constant 0 : i32
      %dma_start3A_722 = tpu.memref_slice %arg4[%add3A_340, %dma_start3A_721] : memref<163840x128xf32, #tpu.memory_space<hbm>> -> memref<128x128xf32, #tpu.memory_space<hbm>>
      tpu.enqueue_dma source(%arg6 : memref<128x128xf32, #tpu.memory_space<vmem>>) target(%dma_start3A_722 : memref<128x128xf32, #tpu.memory_space<hbm>>) target_semaphore(%run_scoped3A : memref<!tpu.dma_semaphore, #tpu.memory_space<semaphore_mem>>)
      %dma_wait3A_723 = arith.constant 0 : i32
      %dma_wait3A_724 = tpu.memref_slice %arg4[%add3A_340, %dma_wait3A_723] : memref<163840x128xf32, #tpu.memory_space<hbm>> -> memref<128x128xf32, #tpu.memory_space<hbm>>
      %dma_wait3A_725 = arith.constant 0 : i32
      %dma_wait3A_726 = tpu.memref_slice %arg4[%add3A_340, %dma_wait3A_725] : memref<163840x128xf32, #tpu.memory_space<hbm>> -> memref<128x128xf32, #tpu.memory_space<hbm>>
      tpu.wait_dma2 semaphore(%run_scoped3A : memref<!tpu.dma_semaphore, #tpu.memory_space<semaphore_mem>>) src(%arg6 : memref<128x128xf32, #tpu.memory_space<vmem>>) dst(%dma_wait3A_726 : memref<128x128xf32, #tpu.memory_space<hbm>>)
      tpu.yield
    }) : () -> ()
    %dma_start3A_341 = arith.constant 19 : i32
    %dma_start3A_342 = arith.constant 0 : i32
    %dma_start3A_343 = tpu.memref_slice %arg5[%dma_start3A_341, %dma_start3A_342] : memref<40x128xi32, #tpu.memory_space<vmem>> -> memref<1x128xi32, #tpu.memory_space<vmem>>
    %dma_start3A_344 = tpu.memref_squeeze %dma_start3A_343 : memref<1x128xi32, #tpu.memory_space<vmem>> -> memref<128xi32, #tpu.memory_space<vmem>>
    %dma_start3A_345 = arith.constant 0 : i32
    %dma_start3A_346 = arith.constant 0 : i32
    %dma_start3A_347 = tpu.memref_slice %arg2[%dma_start3A_345, %dma_start3A_346] : memref<1984x128xf32, #tpu.memory_space<hbm>> -> memref<1984x128xf32, #tpu.memory_space<hbm>>
    tpu.enqueue_indirect_dma source(%dma_start3A_347 : memref<1984x128xf32, #tpu.memory_space<hbm>>) target(%arg7 : memref<128x128xf32, #tpu.memory_space<vmem>>) offsets(%dma_start3A_344 : memref<128xi32, #tpu.memory_space<vmem>>) semaphore(%arg9 : memref<!tpu.dma_semaphore, #tpu.memory_space<semaphore_mem>>)
    %dma_wait3A_348 = arith.constant 19 : i32
    %dma_wait3A_349 = arith.constant 0 : i32
    %dma_wait3A_350 = tpu.memref_slice %arg5[%dma_wait3A_348, %dma_wait3A_349] : memref<40x128xi32, #tpu.memory_space<vmem>> -> memref<1x128xi32, #tpu.memory_space<vmem>>
    %dma_wait3A_351 = tpu.memref_squeeze %dma_wait3A_350 : memref<1x128xi32, #tpu.memory_space<vmem>> -> memref<128xi32, #tpu.memory_space<vmem>>
    %dma_wait3A_352 = arith.constant 0 : i32
    %dma_wait3A_353 = arith.constant 0 : i32
    %dma_wait3A_354 = tpu.memref_slice %arg2[%dma_wait3A_352, %dma_wait3A_353] : memref<1984x128xf32, #tpu.memory_space<hbm>> -> memref<1984x128xf32, #tpu.memory_space<hbm>>
    tpu.wait_indirect_dma semaphore(%arg9 : memref<!tpu.dma_semaphore, #tpu.memory_space<semaphore_mem>>) src(%dma_wait3A_354 : memref<1984x128xf32, #tpu.memory_space<hbm>>) dst(%arg7 : memref<128x128xf32, #tpu.memory_space<vmem>>)
    %mul3A_355 = arith.constant 5120 : i32
    %mul3A_356 = arith.muli %add3A, %mul3A_355 : i32
    %add3A_357 = arith.constant 2432 : i32
    %add3A_358 = arith.addi %mul3A_356, %add3A_357 : i32
    "tpu.region"() ({
      %run_scoped3A = tpu.sem_alloc : memref<!tpu.dma_semaphore, #tpu.memory_space<semaphore_mem>>
      %dma_start3A_719 = arith.constant 0 : i32
      %dma_start3A_720 = tpu.memref_slice %arg4[%add3A_358, %dma_start3A_719] : memref<163840x128xf32, #tpu.memory_space<hbm>> -> memref<128x128xf32, #tpu.memory_space<hbm>>
      %dma_start3A_721 = arith.constant 0 : i32
      %dma_start3A_722 = tpu.memref_slice %arg4[%add3A_358, %dma_start3A_721] : memref<163840x128xf32, #tpu.memory_space<hbm>> -> memref<128x128xf32, #tpu.memory_space<hbm>>
      tpu.enqueue_dma source(%arg7 : memref<128x128xf32, #tpu.memory_space<vmem>>) target(%dma_start3A_722 : memref<128x128xf32, #tpu.memory_space<hbm>>) target_semaphore(%run_scoped3A : memref<!tpu.dma_semaphore, #tpu.memory_space<semaphore_mem>>)
      %dma_wait3A_723 = arith.constant 0 : i32
      %dma_wait3A_724 = tpu.memref_slice %arg4[%add3A_358, %dma_wait3A_723] : memref<163840x128xf32, #tpu.memory_space<hbm>> -> memref<128x128xf32, #tpu.memory_space<hbm>>
      %dma_wait3A_725 = arith.constant 0 : i32
      %dma_wait3A_726 = tpu.memref_slice %arg4[%add3A_358, %dma_wait3A_725] : memref<163840x128xf32, #tpu.memory_space<hbm>> -> memref<128x128xf32, #tpu.memory_space<hbm>>
      tpu.wait_dma2 semaphore(%run_scoped3A : memref<!tpu.dma_semaphore, #tpu.memory_space<semaphore_mem>>) src(%arg7 : memref<128x128xf32, #tpu.memory_space<vmem>>) dst(%dma_wait3A_726 : memref<128x128xf32, #tpu.memory_space<hbm>>)
      tpu.yield
    }) : () -> ()
    %dma_start3A_359 = arith.constant 20 : i32
    %dma_start3A_360 = arith.constant 0 : i32
    %dma_start3A_361 = tpu.memref_slice %arg5[%dma_start3A_359, %dma_start3A_360] : memref<40x128xi32, #tpu.memory_space<vmem>> -> memref<1x128xi32, #tpu.memory_space<vmem>>
    %dma_start3A_362 = tpu.memref_squeeze %dma_start3A_361 : memref<1x128xi32, #tpu.memory_space<vmem>> -> memref<128xi32, #tpu.memory_space<vmem>>
    %dma_start3A_363 = arith.constant 0 : i32
    %dma_start3A_364 = arith.constant 0 : i32
    %dma_start3A_365 = tpu.memref_slice %arg2[%dma_start3A_363, %dma_start3A_364] : memref<1984x128xf32, #tpu.memory_space<hbm>> -> memref<1984x128xf32, #tpu.memory_space<hbm>>
    tpu.enqueue_indirect_dma source(%dma_start3A_365 : memref<1984x128xf32, #tpu.memory_space<hbm>>) target(%arg6 : memref<128x128xf32, #tpu.memory_space<vmem>>) offsets(%dma_start3A_362 : memref<128xi32, #tpu.memory_space<vmem>>) semaphore(%arg8 : memref<!tpu.dma_semaphore, #tpu.memory_space<semaphore_mem>>)
    %dma_wait3A_366 = arith.constant 20 : i32
    %dma_wait3A_367 = arith.constant 0 : i32
    %dma_wait3A_368 = tpu.memref_slice %arg5[%dma_wait3A_366, %dma_wait3A_367] : memref<40x128xi32, #tpu.memory_space<vmem>> -> memref<1x128xi32, #tpu.memory_space<vmem>>
    %dma_wait3A_369 = tpu.memref_squeeze %dma_wait3A_368 : memref<1x128xi32, #tpu.memory_space<vmem>> -> memref<128xi32, #tpu.memory_space<vmem>>
    %dma_wait3A_370 = arith.constant 0 : i32
    %dma_wait3A_371 = arith.constant 0 : i32
    %dma_wait3A_372 = tpu.memref_slice %arg2[%dma_wait3A_370, %dma_wait3A_371] : memref<1984x128xf32, #tpu.memory_space<hbm>> -> memref<1984x128xf32, #tpu.memory_space<hbm>>
    tpu.wait_indirect_dma semaphore(%arg8 : memref<!tpu.dma_semaphore, #tpu.memory_space<semaphore_mem>>) src(%dma_wait3A_372 : memref<1984x128xf32, #tpu.memory_space<hbm>>) dst(%arg6 : memref<128x128xf32, #tpu.memory_space<vmem>>)
    %mul3A_373 = arith.constant 5120 : i32
    %mul3A_374 = arith.muli %add3A, %mul3A_373 : i32
    %add3A_375 = arith.constant 2560 : i32
    %add3A_376 = arith.addi %mul3A_374, %add3A_375 : i32
    "tpu.region"() ({
      %run_scoped3A = tpu.sem_alloc : memref<!tpu.dma_semaphore, #tpu.memory_space<semaphore_mem>>
      %dma_start3A_719 = arith.constant 0 : i32
      %dma_start3A_720 = tpu.memref_slice %arg4[%add3A_376, %dma_start3A_719] : memref<163840x128xf32, #tpu.memory_space<hbm>> -> memref<128x128xf32, #tpu.memory_space<hbm>>
      %dma_start3A_721 = arith.constant 0 : i32
      %dma_start3A_722 = tpu.memref_slice %arg4[%add3A_376, %dma_start3A_721] : memref<163840x128xf32, #tpu.memory_space<hbm>> -> memref<128x128xf32, #tpu.memory_space<hbm>>
      tpu.enqueue_dma source(%arg6 : memref<128x128xf32, #tpu.memory_space<vmem>>) target(%dma_start3A_722 : memref<128x128xf32, #tpu.memory_space<hbm>>) target_semaphore(%run_scoped3A : memref<!tpu.dma_semaphore, #tpu.memory_space<semaphore_mem>>)
      %dma_wait3A_723 = arith.constant 0 : i32
      %dma_wait3A_724 = tpu.memref_slice %arg4[%add3A_376, %dma_wait3A_723] : memref<163840x128xf32, #tpu.memory_space<hbm>> -> memref<128x128xf32, #tpu.memory_space<hbm>>
      %dma_wait3A_725 = arith.constant 0 : i32
      %dma_wait3A_726 = tpu.memref_slice %arg4[%add3A_376, %dma_wait3A_725] : memref<163840x128xf32, #tpu.memory_space<hbm>> -> memref<128x128xf32, #tpu.memory_space<hbm>>
      tpu.wait_dma2 semaphore(%run_scoped3A : memref<!tpu.dma_semaphore, #tpu.memory_space<semaphore_mem>>) src(%arg6 : memref<128x128xf32, #tpu.memory_space<vmem>>) dst(%dma_wait3A_726 : memref<128x128xf32, #tpu.memory_space<hbm>>)
      tpu.yield
    }) : () -> ()
    %dma_start3A_377 = arith.constant 21 : i32
    %dma_start3A_378 = arith.constant 0 : i32
    %dma_start3A_379 = tpu.memref_slice %arg5[%dma_start3A_377, %dma_start3A_378] : memref<40x128xi32, #tpu.memory_space<vmem>> -> memref<1x128xi32, #tpu.memory_space<vmem>>
    %dma_start3A_380 = tpu.memref_squeeze %dma_start3A_379 : memref<1x128xi32, #tpu.memory_space<vmem>> -> memref<128xi32, #tpu.memory_space<vmem>>
    %dma_start3A_381 = arith.constant 0 : i32
    %dma_start3A_382 = arith.constant 0 : i32
    %dma_start3A_383 = tpu.memref_slice %arg2[%dma_start3A_381, %dma_start3A_382] : memref<1984x128xf32, #tpu.memory_space<hbm>> -> memref<1984x128xf32, #tpu.memory_space<hbm>>
    tpu.enqueue_indirect_dma source(%dma_start3A_383 : memref<1984x128xf32, #tpu.memory_space<hbm>>) target(%arg7 : memref<128x128xf32, #tpu.memory_space<vmem>>) offsets(%dma_start3A_380 : memref<128xi32, #tpu.memory_space<vmem>>) semaphore(%arg9 : memref<!tpu.dma_semaphore, #tpu.memory_space<semaphore_mem>>)
    %dma_wait3A_384 = arith.constant 21 : i32
    %dma_wait3A_385 = arith.constant 0 : i32
    %dma_wait3A_386 = tpu.memref_slice %arg5[%dma_wait3A_384, %dma_wait3A_385] : memref<40x128xi32, #tpu.memory_space<vmem>> -> memref<1x128xi32, #tpu.memory_space<vmem>>
    %dma_wait3A_387 = tpu.memref_squeeze %dma_wait3A_386 : memref<1x128xi32, #tpu.memory_space<vmem>> -> memref<128xi32, #tpu.memory_space<vmem>>
    %dma_wait3A_388 = arith.constant 0 : i32
    %dma_wait3A_389 = arith.constant 0 : i32
    %dma_wait3A_390 = tpu.memref_slice %arg2[%dma_wait3A_388, %dma_wait3A_389] : memref<1984x128xf32, #tpu.memory_space<hbm>> -> memref<1984x128xf32, #tpu.memory_space<hbm>>
    tpu.wait_indirect_dma semaphore(%arg9 : memref<!tpu.dma_semaphore, #tpu.memory_space<semaphore_mem>>) src(%dma_wait3A_390 : memref<1984x128xf32, #tpu.memory_space<hbm>>) dst(%arg7 : memref<128x128xf32, #tpu.memory_space<vmem>>)
    %mul3A_391 = arith.constant 5120 : i32
    %mul3A_392 = arith.muli %add3A, %mul3A_391 : i32
    %add3A_393 = arith.constant 2688 : i32
    %add3A_394 = arith.addi %mul3A_392, %add3A_393 : i32
    "tpu.region"() ({
      %run_scoped3A = tpu.sem_alloc : memref<!tpu.dma_semaphore, #tpu.memory_space<semaphore_mem>>
      %dma_start3A_719 = arith.constant 0 : i32
      %dma_start3A_720 = tpu.memref_slice %arg4[%add3A_394, %dma_start3A_719] : memref<163840x128xf32, #tpu.memory_space<hbm>> -> memref<128x128xf32, #tpu.memory_space<hbm>>
      %dma_start3A_721 = arith.constant 0 : i32
      %dma_start3A_722 = tpu.memref_slice %arg4[%add3A_394, %dma_start3A_721] : memref<163840x128xf32, #tpu.memory_space<hbm>> -> memref<128x128xf32, #tpu.memory_space<hbm>>
      tpu.enqueue_dma source(%arg7 : memref<128x128xf32, #tpu.memory_space<vmem>>) target(%dma_start3A_722 : memref<128x128xf32, #tpu.memory_space<hbm>>) target_semaphore(%run_scoped3A : memref<!tpu.dma_semaphore, #tpu.memory_space<semaphore_mem>>)
      %dma_wait3A_723 = arith.constant 0 : i32
      %dma_wait3A_724 = tpu.memref_slice %arg4[%add3A_394, %dma_wait3A_723] : memref<163840x128xf32, #tpu.memory_space<hbm>> -> memref<128x128xf32, #tpu.memory_space<hbm>>
      %dma_wait3A_725 = arith.constant 0 : i32
      %dma_wait3A_726 = tpu.memref_slice %arg4[%add3A_394, %dma_wait3A_725] : memref<163840x128xf32, #tpu.memory_space<hbm>> -> memref<128x128xf32, #tpu.memory_space<hbm>>
      tpu.wait_dma2 semaphore(%run_scoped3A : memref<!tpu.dma_semaphore, #tpu.memory_space<semaphore_mem>>) src(%arg7 : memref<128x128xf32, #tpu.memory_space<vmem>>) dst(%dma_wait3A_726 : memref<128x128xf32, #tpu.memory_space<hbm>>)
      tpu.yield
    }) : () -> ()
    %dma_start3A_395 = arith.constant 22 : i32
    %dma_start3A_396 = arith.constant 0 : i32
    %dma_start3A_397 = tpu.memref_slice %arg5[%dma_start3A_395, %dma_start3A_396] : memref<40x128xi32, #tpu.memory_space<vmem>> -> memref<1x128xi32, #tpu.memory_space<vmem>>
    %dma_start3A_398 = tpu.memref_squeeze %dma_start3A_397 : memref<1x128xi32, #tpu.memory_space<vmem>> -> memref<128xi32, #tpu.memory_space<vmem>>
    %dma_start3A_399 = arith.constant 0 : i32
    %dma_start3A_400 = arith.constant 0 : i32
    %dma_start3A_401 = tpu.memref_slice %arg2[%dma_start3A_399, %dma_start3A_400] : memref<1984x128xf32, #tpu.memory_space<hbm>> -> memref<1984x128xf32, #tpu.memory_space<hbm>>
    tpu.enqueue_indirect_dma source(%dma_start3A_401 : memref<1984x128xf32, #tpu.memory_space<hbm>>) target(%arg6 : memref<128x128xf32, #tpu.memory_space<vmem>>) offsets(%dma_start3A_398 : memref<128xi32, #tpu.memory_space<vmem>>) semaphore(%arg8 : memref<!tpu.dma_semaphore, #tpu.memory_space<semaphore_mem>>)
    %dma_wait3A_402 = arith.constant 22 : i32
    %dma_wait3A_403 = arith.constant 0 : i32
    %dma_wait3A_404 = tpu.memref_slice %arg5[%dma_wait3A_402, %dma_wait3A_403] : memref<40x128xi32, #tpu.memory_space<vmem>> -> memref<1x128xi32, #tpu.memory_space<vmem>>
    %dma_wait3A_405 = tpu.memref_squeeze %dma_wait3A_404 : memref<1x128xi32, #tpu.memory_space<vmem>> -> memref<128xi32, #tpu.memory_space<vmem>>
    %dma_wait3A_406 = arith.constant 0 : i32
    %dma_wait3A_407 = arith.constant 0 : i32
    %dma_wait3A_408 = tpu.memref_slice %arg2[%dma_wait3A_406, %dma_wait3A_407] : memref<1984x128xf32, #tpu.memory_space<hbm>> -> memref<1984x128xf32, #tpu.memory_space<hbm>>
    tpu.wait_indirect_dma semaphore(%arg8 : memref<!tpu.dma_semaphore, #tpu.memory_space<semaphore_mem>>) src(%dma_wait3A_408 : memref<1984x128xf32, #tpu.memory_space<hbm>>) dst(%arg6 : memref<128x128xf32, #tpu.memory_space<vmem>>)
    %mul3A_409 = arith.constant 5120 : i32
    %mul3A_410 = arith.muli %add3A, %mul3A_409 : i32
    %add3A_411 = arith.constant 2816 : i32
    %add3A_412 = arith.addi %mul3A_410, %add3A_411 : i32
    "tpu.region"() ({
      %run_scoped3A = tpu.sem_alloc : memref<!tpu.dma_semaphore, #tpu.memory_space<semaphore_mem>>
      %dma_start3A_719 = arith.constant 0 : i32
      %dma_start3A_720 = tpu.memref_slice %arg4[%add3A_412, %dma_start3A_719] : memref<163840x128xf32, #tpu.memory_space<hbm>> -> memref<128x128xf32, #tpu.memory_space<hbm>>
      %dma_start3A_721 = arith.constant 0 : i32
      %dma_start3A_722 = tpu.memref_slice %arg4[%add3A_412, %dma_start3A_721] : memref<163840x128xf32, #tpu.memory_space<hbm>> -> memref<128x128xf32, #tpu.memory_space<hbm>>
      tpu.enqueue_dma source(%arg6 : memref<128x128xf32, #tpu.memory_space<vmem>>) target(%dma_start3A_722 : memref<128x128xf32, #tpu.memory_space<hbm>>) target_semaphore(%run_scoped3A : memref<!tpu.dma_semaphore, #tpu.memory_space<semaphore_mem>>)
      %dma_wait3A_723 = arith.constant 0 : i32
      %dma_wait3A_724 = tpu.memref_slice %arg4[%add3A_412, %dma_wait3A_723] : memref<163840x128xf32, #tpu.memory_space<hbm>> -> memref<128x128xf32, #tpu.memory_space<hbm>>
      %dma_wait3A_725 = arith.constant 0 : i32
      %dma_wait3A_726 = tpu.memref_slice %arg4[%add3A_412, %dma_wait3A_725] : memref<163840x128xf32, #tpu.memory_space<hbm>> -> memref<128x128xf32, #tpu.memory_space<hbm>>
      tpu.wait_dma2 semaphore(%run_scoped3A : memref<!tpu.dma_semaphore, #tpu.memory_space<semaphore_mem>>) src(%arg6 : memref<128x128xf32, #tpu.memory_space<vmem>>) dst(%dma_wait3A_726 : memref<128x128xf32, #tpu.memory_space<hbm>>)
      tpu.yield
    }) : () -> ()
    %dma_start3A_413 = arith.constant 23 : i32
    %dma_start3A_414 = arith.constant 0 : i32
    %dma_start3A_415 = tpu.memref_slice %arg5[%dma_start3A_413, %dma_start3A_414] : memref<40x128xi32, #tpu.memory_space<vmem>> -> memref<1x128xi32, #tpu.memory_space<vmem>>
    %dma_start3A_416 = tpu.memref_squeeze %dma_start3A_415 : memref<1x128xi32, #tpu.memory_space<vmem>> -> memref<128xi32, #tpu.memory_space<vmem>>
    %dma_start3A_417 = arith.constant 0 : i32
    %dma_start3A_418 = arith.constant 0 : i32
    %dma_start3A_419 = tpu.memref_slice %arg2[%dma_start3A_417, %dma_start3A_418] : memref<1984x128xf32, #tpu.memory_space<hbm>> -> memref<1984x128xf32, #tpu.memory_space<hbm>>
    tpu.enqueue_indirect_dma source(%dma_start3A_419 : memref<1984x128xf32, #tpu.memory_space<hbm>>) target(%arg7 : memref<128x128xf32, #tpu.memory_space<vmem>>) offsets(%dma_start3A_416 : memref<128xi32, #tpu.memory_space<vmem>>) semaphore(%arg9 : memref<!tpu.dma_semaphore, #tpu.memory_space<semaphore_mem>>)
    %dma_wait3A_420 = arith.constant 23 : i32
    %dma_wait3A_421 = arith.constant 0 : i32
    %dma_wait3A_422 = tpu.memref_slice %arg5[%dma_wait3A_420, %dma_wait3A_421] : memref<40x128xi32, #tpu.memory_space<vmem>> -> memref<1x128xi32, #tpu.memory_space<vmem>>
    %dma_wait3A_423 = tpu.memref_squeeze %dma_wait3A_422 : memref<1x128xi32, #tpu.memory_space<vmem>> -> memref<128xi32, #tpu.memory_space<vmem>>
    %dma_wait3A_424 = arith.constant 0 : i32
    %dma_wait3A_425 = arith.constant 0 : i32
    %dma_wait3A_426 = tpu.memref_slice %arg2[%dma_wait3A_424, %dma_wait3A_425] : memref<1984x128xf32, #tpu.memory_space<hbm>> -> memref<1984x128xf32, #tpu.memory_space<hbm>>
    tpu.wait_indirect_dma semaphore(%arg9 : memref<!tpu.dma_semaphore, #tpu.memory_space<semaphore_mem>>) src(%dma_wait3A_426 : memref<1984x128xf32, #tpu.memory_space<hbm>>) dst(%arg7 : memref<128x128xf32, #tpu.memory_space<vmem>>)
    %mul3A_427 = arith.constant 5120 : i32
    %mul3A_428 = arith.muli %add3A, %mul3A_427 : i32
    %add3A_429 = arith.constant 2944 : i32
    %add3A_430 = arith.addi %mul3A_428, %add3A_429 : i32
    "tpu.region"() ({
      %run_scoped3A = tpu.sem_alloc : memref<!tpu.dma_semaphore, #tpu.memory_space<semaphore_mem>>
      %dma_start3A_719 = arith.constant 0 : i32
      %dma_start3A_720 = tpu.memref_slice %arg4[%add3A_430, %dma_start3A_719] : memref<163840x128xf32, #tpu.memory_space<hbm>> -> memref<128x128xf32, #tpu.memory_space<hbm>>
      %dma_start3A_721 = arith.constant 0 : i32
      %dma_start3A_722 = tpu.memref_slice %arg4[%add3A_430, %dma_start3A_721] : memref<163840x128xf32, #tpu.memory_space<hbm>> -> memref<128x128xf32, #tpu.memory_space<hbm>>
      tpu.enqueue_dma source(%arg7 : memref<128x128xf32, #tpu.memory_space<vmem>>) target(%dma_start3A_722 : memref<128x128xf32, #tpu.memory_space<hbm>>) target_semaphore(%run_scoped3A : memref<!tpu.dma_semaphore, #tpu.memory_space<semaphore_mem>>)
      %dma_wait3A_723 = arith.constant 0 : i32
      %dma_wait3A_724 = tpu.memref_slice %arg4[%add3A_430, %dma_wait3A_723] : memref<163840x128xf32, #tpu.memory_space<hbm>> -> memref<128x128xf32, #tpu.memory_space<hbm>>
      %dma_wait3A_725 = arith.constant 0 : i32
      %dma_wait3A_726 = tpu.memref_slice %arg4[%add3A_430, %dma_wait3A_725] : memref<163840x128xf32, #tpu.memory_space<hbm>> -> memref<128x128xf32, #tpu.memory_space<hbm>>
      tpu.wait_dma2 semaphore(%run_scoped3A : memref<!tpu.dma_semaphore, #tpu.memory_space<semaphore_mem>>) src(%arg7 : memref<128x128xf32, #tpu.memory_space<vmem>>) dst(%dma_wait3A_726 : memref<128x128xf32, #tpu.memory_space<hbm>>)
      tpu.yield
    }) : () -> ()
    %dma_start3A_431 = arith.constant 24 : i32
    %dma_start3A_432 = arith.constant 0 : i32
    %dma_start3A_433 = tpu.memref_slice %arg5[%dma_start3A_431, %dma_start3A_432] : memref<40x128xi32, #tpu.memory_space<vmem>> -> memref<1x128xi32, #tpu.memory_space<vmem>>
    %dma_start3A_434 = tpu.memref_squeeze %dma_start3A_433 : memref<1x128xi32, #tpu.memory_space<vmem>> -> memref<128xi32, #tpu.memory_space<vmem>>
    %dma_start3A_435 = arith.constant 0 : i32
    %dma_start3A_436 = arith.constant 0 : i32
    %dma_start3A_437 = tpu.memref_slice %arg2[%dma_start3A_435, %dma_start3A_436] : memref<1984x128xf32, #tpu.memory_space<hbm>> -> memref<1984x128xf32, #tpu.memory_space<hbm>>
    tpu.enqueue_indirect_dma source(%dma_start3A_437 : memref<1984x128xf32, #tpu.memory_space<hbm>>) target(%arg6 : memref<128x128xf32, #tpu.memory_space<vmem>>) offsets(%dma_start3A_434 : memref<128xi32, #tpu.memory_space<vmem>>) semaphore(%arg8 : memref<!tpu.dma_semaphore, #tpu.memory_space<semaphore_mem>>)
    %dma_wait3A_438 = arith.constant 24 : i32
    %dma_wait3A_439 = arith.constant 0 : i32
    %dma_wait3A_440 = tpu.memref_slice %arg5[%dma_wait3A_438, %dma_wait3A_439] : memref<40x128xi32, #tpu.memory_space<vmem>> -> memref<1x128xi32, #tpu.memory_space<vmem>>
    %dma_wait3A_441 = tpu.memref_squeeze %dma_wait3A_440 : memref<1x128xi32, #tpu.memory_space<vmem>> -> memref<128xi32, #tpu.memory_space<vmem>>
    %dma_wait3A_442 = arith.constant 0 : i32
    %dma_wait3A_443 = arith.constant 0 : i32
    %dma_wait3A_444 = tpu.memref_slice %arg2[%dma_wait3A_442, %dma_wait3A_443] : memref<1984x128xf32, #tpu.memory_space<hbm>> -> memref<1984x128xf32, #tpu.memory_space<hbm>>
    tpu.wait_indirect_dma semaphore(%arg8 : memref<!tpu.dma_semaphore, #tpu.memory_space<semaphore_mem>>) src(%dma_wait3A_444 : memref<1984x128xf32, #tpu.memory_space<hbm>>) dst(%arg6 : memref<128x128xf32, #tpu.memory_space<vmem>>)
    %mul3A_445 = arith.constant 5120 : i32
    %mul3A_446 = arith.muli %add3A, %mul3A_445 : i32
    %add3A_447 = arith.constant 3072 : i32
    %add3A_448 = arith.addi %mul3A_446, %add3A_447 : i32
    "tpu.region"() ({
      %run_scoped3A = tpu.sem_alloc : memref<!tpu.dma_semaphore, #tpu.memory_space<semaphore_mem>>
      %dma_start3A_719 = arith.constant 0 : i32
      %dma_start3A_720 = tpu.memref_slice %arg4[%add3A_448, %dma_start3A_719] : memref<163840x128xf32, #tpu.memory_space<hbm>> -> memref<128x128xf32, #tpu.memory_space<hbm>>
      %dma_start3A_721 = arith.constant 0 : i32
      %dma_start3A_722 = tpu.memref_slice %arg4[%add3A_448, %dma_start3A_721] : memref<163840x128xf32, #tpu.memory_space<hbm>> -> memref<128x128xf32, #tpu.memory_space<hbm>>
      tpu.enqueue_dma source(%arg6 : memref<128x128xf32, #tpu.memory_space<vmem>>) target(%dma_start3A_722 : memref<128x128xf32, #tpu.memory_space<hbm>>) target_semaphore(%run_scoped3A : memref<!tpu.dma_semaphore, #tpu.memory_space<semaphore_mem>>)
      %dma_wait3A_723 = arith.constant 0 : i32
      %dma_wait3A_724 = tpu.memref_slice %arg4[%add3A_448, %dma_wait3A_723] : memref<163840x128xf32, #tpu.memory_space<hbm>> -> memref<128x128xf32, #tpu.memory_space<hbm>>
      %dma_wait3A_725 = arith.constant 0 : i32
      %dma_wait3A_726 = tpu.memref_slice %arg4[%add3A_448, %dma_wait3A_725] : memref<163840x128xf32, #tpu.memory_space<hbm>> -> memref<128x128xf32, #tpu.memory_space<hbm>>
      tpu.wait_dma2 semaphore(%run_scoped3A : memref<!tpu.dma_semaphore, #tpu.memory_space<semaphore_mem>>) src(%arg6 : memref<128x128xf32, #tpu.memory_space<vmem>>) dst(%dma_wait3A_726 : memref<128x128xf32, #tpu.memory_space<hbm>>)
      tpu.yield
    }) : () -> ()
    %dma_start3A_449 = arith.constant 25 : i32
    %dma_start3A_450 = arith.constant 0 : i32
    %dma_start3A_451 = tpu.memref_slice %arg5[%dma_start3A_449, %dma_start3A_450] : memref<40x128xi32, #tpu.memory_space<vmem>> -> memref<1x128xi32, #tpu.memory_space<vmem>>
    %dma_start3A_452 = tpu.memref_squeeze %dma_start3A_451 : memref<1x128xi32, #tpu.memory_space<vmem>> -> memref<128xi32, #tpu.memory_space<vmem>>
    %dma_start3A_453 = arith.constant 0 : i32
    %dma_start3A_454 = arith.constant 0 : i32
    %dma_start3A_455 = tpu.memref_slice %arg2[%dma_start3A_453, %dma_start3A_454] : memref<1984x128xf32, #tpu.memory_space<hbm>> -> memref<1984x128xf32, #tpu.memory_space<hbm>>
    tpu.enqueue_indirect_dma source(%dma_start3A_455 : memref<1984x128xf32, #tpu.memory_space<hbm>>) target(%arg7 : memref<128x128xf32, #tpu.memory_space<vmem>>) offsets(%dma_start3A_452 : memref<128xi32, #tpu.memory_space<vmem>>) semaphore(%arg9 : memref<!tpu.dma_semaphore, #tpu.memory_space<semaphore_mem>>)
    %dma_wait3A_456 = arith.constant 25 : i32
    %dma_wait3A_457 = arith.constant 0 : i32
    %dma_wait3A_458 = tpu.memref_slice %arg5[%dma_wait3A_456, %dma_wait3A_457] : memref<40x128xi32, #tpu.memory_space<vmem>> -> memref<1x128xi32, #tpu.memory_space<vmem>>
    %dma_wait3A_459 = tpu.memref_squeeze %dma_wait3A_458 : memref<1x128xi32, #tpu.memory_space<vmem>> -> memref<128xi32, #tpu.memory_space<vmem>>
    %dma_wait3A_460 = arith.constant 0 : i32
    %dma_wait3A_461 = arith.constant 0 : i32
    %dma_wait3A_462 = tpu.memref_slice %arg2[%dma_wait3A_460, %dma_wait3A_461] : memref<1984x128xf32, #tpu.memory_space<hbm>> -> memref<1984x128xf32, #tpu.memory_space<hbm>>
    tpu.wait_indirect_dma semaphore(%arg9 : memref<!tpu.dma_semaphore, #tpu.memory_space<semaphore_mem>>) src(%dma_wait3A_462 : memref<1984x128xf32, #tpu.memory_space<hbm>>) dst(%arg7 : memref<128x128xf32, #tpu.memory_space<vmem>>)
    %mul3A_463 = arith.constant 5120 : i32
    %mul3A_464 = arith.muli %add3A, %mul3A_463 : i32
    %add3A_465 = arith.constant 3200 : i32
    %add3A_466 = arith.addi %mul3A_464, %add3A_465 : i32
    "tpu.region"() ({
      %run_scoped3A = tpu.sem_alloc : memref<!tpu.dma_semaphore, #tpu.memory_space<semaphore_mem>>
      %dma_start3A_719 = arith.constant 0 : i32
      %dma_start3A_720 = tpu.memref_slice %arg4[%add3A_466, %dma_start3A_719] : memref<163840x128xf32, #tpu.memory_space<hbm>> -> memref<128x128xf32, #tpu.memory_space<hbm>>
      %dma_start3A_721 = arith.constant 0 : i32
      %dma_start3A_722 = tpu.memref_slice %arg4[%add3A_466, %dma_start3A_721] : memref<163840x128xf32, #tpu.memory_space<hbm>> -> memref<128x128xf32, #tpu.memory_space<hbm>>
      tpu.enqueue_dma source(%arg7 : memref<128x128xf32, #tpu.memory_space<vmem>>) target(%dma_start3A_722 : memref<128x128xf32, #tpu.memory_space<hbm>>) target_semaphore(%run_scoped3A : memref<!tpu.dma_semaphore, #tpu.memory_space<semaphore_mem>>)
      %dma_wait3A_723 = arith.constant 0 : i32
      %dma_wait3A_724 = tpu.memref_slice %arg4[%add3A_466, %dma_wait3A_723] : memref<163840x128xf32, #tpu.memory_space<hbm>> -> memref<128x128xf32, #tpu.memory_space<hbm>>
      %dma_wait3A_725 = arith.constant 0 : i32
      %dma_wait3A_726 = tpu.memref_slice %arg4[%add3A_466, %dma_wait3A_725] : memref<163840x128xf32, #tpu.memory_space<hbm>> -> memref<128x128xf32, #tpu.memory_space<hbm>>
      tpu.wait_dma2 semaphore(%run_scoped3A : memref<!tpu.dma_semaphore, #tpu.memory_space<semaphore_mem>>) src(%arg7 : memref<128x128xf32, #tpu.memory_space<vmem>>) dst(%dma_wait3A_726 : memref<128x128xf32, #tpu.memory_space<hbm>>)
      tpu.yield
    }) : () -> ()
    %dma_start3A_467 = arith.constant 26 : i32
    %dma_start3A_468 = arith.constant 0 : i32
    %dma_start3A_469 = tpu.memref_slice %arg5[%dma_start3A_467, %dma_start3A_468] : memref<40x128xi32, #tpu.memory_space<vmem>> -> memref<1x128xi32, #tpu.memory_space<vmem>>
    %dma_start3A_470 = tpu.memref_squeeze %dma_start3A_469 : memref<1x128xi32, #tpu.memory_space<vmem>> -> memref<128xi32, #tpu.memory_space<vmem>>
    %dma_start3A_471 = arith.constant 0 : i32
    %dma_start3A_472 = arith.constant 0 : i32
    %dma_start3A_473 = tpu.memref_slice %arg2[%dma_start3A_471, %dma_start3A_472] : memref<1984x128xf32, #tpu.memory_space<hbm>> -> memref<1984x128xf32, #tpu.memory_space<hbm>>
    tpu.enqueue_indirect_dma source(%dma_start3A_473 : memref<1984x128xf32, #tpu.memory_space<hbm>>) target(%arg6 : memref<128x128xf32, #tpu.memory_space<vmem>>) offsets(%dma_start3A_470 : memref<128xi32, #tpu.memory_space<vmem>>) semaphore(%arg8 : memref<!tpu.dma_semaphore, #tpu.memory_space<semaphore_mem>>)
    %dma_wait3A_474 = arith.constant 26 : i32
    %dma_wait3A_475 = arith.constant 0 : i32
    %dma_wait3A_476 = tpu.memref_slice %arg5[%dma_wait3A_474, %dma_wait3A_475] : memref<40x128xi32, #tpu.memory_space<vmem>> -> memref<1x128xi32, #tpu.memory_space<vmem>>
    %dma_wait3A_477 = tpu.memref_squeeze %dma_wait3A_476 : memref<1x128xi32, #tpu.memory_space<vmem>> -> memref<128xi32, #tpu.memory_space<vmem>>
    %dma_wait3A_478 = arith.constant 0 : i32
    %dma_wait3A_479 = arith.constant 0 : i32
    %dma_wait3A_480 = tpu.memref_slice %arg2[%dma_wait3A_478, %dma_wait3A_479] : memref<1984x128xf32, #tpu.memory_space<hbm>> -> memref<1984x128xf32, #tpu.memory_space<hbm>>
    tpu.wait_indirect_dma semaphore(%arg8 : memref<!tpu.dma_semaphore, #tpu.memory_space<semaphore_mem>>) src(%dma_wait3A_480 : memref<1984x128xf32, #tpu.memory_space<hbm>>) dst(%arg6 : memref<128x128xf32, #tpu.memory_space<vmem>>)
    %mul3A_481 = arith.constant 5120 : i32
    %mul3A_482 = arith.muli %add3A, %mul3A_481 : i32
    %add3A_483 = arith.constant 3328 : i32
    %add3A_484 = arith.addi %mul3A_482, %add3A_483 : i32
    "tpu.region"() ({
      %run_scoped3A = tpu.sem_alloc : memref<!tpu.dma_semaphore, #tpu.memory_space<semaphore_mem>>
      %dma_start3A_719 = arith.constant 0 : i32
      %dma_start3A_720 = tpu.memref_slice %arg4[%add3A_484, %dma_start3A_719] : memref<163840x128xf32, #tpu.memory_space<hbm>> -> memref<128x128xf32, #tpu.memory_space<hbm>>
      %dma_start3A_721 = arith.constant 0 : i32
      %dma_start3A_722 = tpu.memref_slice %arg4[%add3A_484, %dma_start3A_721] : memref<163840x128xf32, #tpu.memory_space<hbm>> -> memref<128x128xf32, #tpu.memory_space<hbm>>
      tpu.enqueue_dma source(%arg6 : memref<128x128xf32, #tpu.memory_space<vmem>>) target(%dma_start3A_722 : memref<128x128xf32, #tpu.memory_space<hbm>>) target_semaphore(%run_scoped3A : memref<!tpu.dma_semaphore, #tpu.memory_space<semaphore_mem>>)
      %dma_wait3A_723 = arith.constant 0 : i32
      %dma_wait3A_724 = tpu.memref_slice %arg4[%add3A_484, %dma_wait3A_723] : memref<163840x128xf32, #tpu.memory_space<hbm>> -> memref<128x128xf32, #tpu.memory_space<hbm>>
      %dma_wait3A_725 = arith.constant 0 : i32
      %dma_wait3A_726 = tpu.memref_slice %arg4[%add3A_484, %dma_wait3A_725] : memref<163840x128xf32, #tpu.memory_space<hbm>> -> memref<128x128xf32, #tpu.memory_space<hbm>>
      tpu.wait_dma2 semaphore(%run_scoped3A : memref<!tpu.dma_semaphore, #tpu.memory_space<semaphore_mem>>) src(%arg6 : memref<128x128xf32, #tpu.memory_space<vmem>>) dst(%dma_wait3A_726 : memref<128x128xf32, #tpu.memory_space<hbm>>)
      tpu.yield
    }) : () -> ()
    %dma_start3A_485 = arith.constant 27 : i32
    %dma_start3A_486 = arith.constant 0 : i32
    %dma_start3A_487 = tpu.memref_slice %arg5[%dma_start3A_485, %dma_start3A_486] : memref<40x128xi32, #tpu.memory_space<vmem>> -> memref<1x128xi32, #tpu.memory_space<vmem>>
    %dma_start3A_488 = tpu.memref_squeeze %dma_start3A_487 : memref<1x128xi32, #tpu.memory_space<vmem>> -> memref<128xi32, #tpu.memory_space<vmem>>
    %dma_start3A_489 = arith.constant 0 : i32
    %dma_start3A_490 = arith.constant 0 : i32
    %dma_start3A_491 = tpu.memref_slice %arg2[%dma_start3A_489, %dma_start3A_490] : memref<1984x128xf32, #tpu.memory_space<hbm>> -> memref<1984x128xf32, #tpu.memory_space<hbm>>
    tpu.enqueue_indirect_dma source(%dma_start3A_491 : memref<1984x128xf32, #tpu.memory_space<hbm>>) target(%arg7 : memref<128x128xf32, #tpu.memory_space<vmem>>) offsets(%dma_start3A_488 : memref<128xi32, #tpu.memory_space<vmem>>) semaphore(%arg9 : memref<!tpu.dma_semaphore, #tpu.memory_space<semaphore_mem>>)
    %dma_wait3A_492 = arith.constant 27 : i32
    %dma_wait3A_493 = arith.constant 0 : i32
    %dma_wait3A_494 = tpu.memref_slice %arg5[%dma_wait3A_492, %dma_wait3A_493] : memref<40x128xi32, #tpu.memory_space<vmem>> -> memref<1x128xi32, #tpu.memory_space<vmem>>
    %dma_wait3A_495 = tpu.memref_squeeze %dma_wait3A_494 : memref<1x128xi32, #tpu.memory_space<vmem>> -> memref<128xi32, #tpu.memory_space<vmem>>
    %dma_wait3A_496 = arith.constant 0 : i32
    %dma_wait3A_497 = arith.constant 0 : i32
    %dma_wait3A_498 = tpu.memref_slice %arg2[%dma_wait3A_496, %dma_wait3A_497] : memref<1984x128xf32, #tpu.memory_space<hbm>> -> memref<1984x128xf32, #tpu.memory_space<hbm>>
    tpu.wait_indirect_dma semaphore(%arg9 : memref<!tpu.dma_semaphore, #tpu.memory_space<semaphore_mem>>) src(%dma_wait3A_498 : memref<1984x128xf32, #tpu.memory_space<hbm>>) dst(%arg7 : memref<128x128xf32, #tpu.memory_space<vmem>>)
    %mul3A_499 = arith.constant 5120 : i32
    %mul3A_500 = arith.muli %add3A, %mul3A_499 : i32
    %add3A_501 = arith.constant 3456 : i32
    %add3A_502 = arith.addi %mul3A_500, %add3A_501 : i32
    "tpu.region"() ({
      %run_scoped3A = tpu.sem_alloc : memref<!tpu.dma_semaphore, #tpu.memory_space<semaphore_mem>>
      %dma_start3A_719 = arith.constant 0 : i32
      %dma_start3A_720 = tpu.memref_slice %arg4[%add3A_502, %dma_start3A_719] : memref<163840x128xf32, #tpu.memory_space<hbm>> -> memref<128x128xf32, #tpu.memory_space<hbm>>
      %dma_start3A_721 = arith.constant 0 : i32
      %dma_start3A_722 = tpu.memref_slice %arg4[%add3A_502, %dma_start3A_721] : memref<163840x128xf32, #tpu.memory_space<hbm>> -> memref<128x128xf32, #tpu.memory_space<hbm>>
      tpu.enqueue_dma source(%arg7 : memref<128x128xf32, #tpu.memory_space<vmem>>) target(%dma_start3A_722 : memref<128x128xf32, #tpu.memory_space<hbm>>) target_semaphore(%run_scoped3A : memref<!tpu.dma_semaphore, #tpu.memory_space<semaphore_mem>>)
      %dma_wait3A_723 = arith.constant 0 : i32
      %dma_wait3A_724 = tpu.memref_slice %arg4[%add3A_502, %dma_wait3A_723] : memref<163840x128xf32, #tpu.memory_space<hbm>> -> memref<128x128xf32, #tpu.memory_space<hbm>>
      %dma_wait3A_725 = arith.constant 0 : i32
      %dma_wait3A_726 = tpu.memref_slice %arg4[%add3A_502, %dma_wait3A_725] : memref<163840x128xf32, #tpu.memory_space<hbm>> -> memref<128x128xf32, #tpu.memory_space<hbm>>
      tpu.wait_dma2 semaphore(%run_scoped3A : memref<!tpu.dma_semaphore, #tpu.memory_space<semaphore_mem>>) src(%arg7 : memref<128x128xf32, #tpu.memory_space<vmem>>) dst(%dma_wait3A_726 : memref<128x128xf32, #tpu.memory_space<hbm>>)
      tpu.yield
    }) : () -> ()
    %dma_start3A_503 = arith.constant 28 : i32
    %dma_start3A_504 = arith.constant 0 : i32
    %dma_start3A_505 = tpu.memref_slice %arg5[%dma_start3A_503, %dma_start3A_504] : memref<40x128xi32, #tpu.memory_space<vmem>> -> memref<1x128xi32, #tpu.memory_space<vmem>>
    %dma_start3A_506 = tpu.memref_squeeze %dma_start3A_505 : memref<1x128xi32, #tpu.memory_space<vmem>> -> memref<128xi32, #tpu.memory_space<vmem>>
    %dma_start3A_507 = arith.constant 0 : i32
    %dma_start3A_508 = arith.constant 0 : i32
    %dma_start3A_509 = tpu.memref_slice %arg2[%dma_start3A_507, %dma_start3A_508] : memref<1984x128xf32, #tpu.memory_space<hbm>> -> memref<1984x128xf32, #tpu.memory_space<hbm>>
    tpu.enqueue_indirect_dma source(%dma_start3A_509 : memref<1984x128xf32, #tpu.memory_space<hbm>>) target(%arg6 : memref<128x128xf32, #tpu.memory_space<vmem>>) offsets(%dma_start3A_506 : memref<128xi32, #tpu.memory_space<vmem>>) semaphore(%arg8 : memref<!tpu.dma_semaphore, #tpu.memory_space<semaphore_mem>>)
    %dma_wait3A_510 = arith.constant 28 : i32
    %dma_wait3A_511 = arith.constant 0 : i32
    %dma_wait3A_512 = tpu.memref_slice %arg5[%dma_wait3A_510, %dma_wait3A_511] : memref<40x128xi32, #tpu.memory_space<vmem>> -> memref<1x128xi32, #tpu.memory_space<vmem>>
    %dma_wait3A_513 = tpu.memref_squeeze %dma_wait3A_512 : memref<1x128xi32, #tpu.memory_space<vmem>> -> memref<128xi32, #tpu.memory_space<vmem>>
    %dma_wait3A_514 = arith.constant 0 : i32
    %dma_wait3A_515 = arith.constant 0 : i32
    %dma_wait3A_516 = tpu.memref_slice %arg2[%dma_wait3A_514, %dma_wait3A_515] : memref<1984x128xf32, #tpu.memory_space<hbm>> -> memref<1984x128xf32, #tpu.memory_space<hbm>>
    tpu.wait_indirect_dma semaphore(%arg8 : memref<!tpu.dma_semaphore, #tpu.memory_space<semaphore_mem>>) src(%dma_wait3A_516 : memref<1984x128xf32, #tpu.memory_space<hbm>>) dst(%arg6 : memref<128x128xf32, #tpu.memory_space<vmem>>)
    %mul3A_517 = arith.constant 5120 : i32
    %mul3A_518 = arith.muli %add3A, %mul3A_517 : i32
    %add3A_519 = arith.constant 3584 : i32
    %add3A_520 = arith.addi %mul3A_518, %add3A_519 : i32
    "tpu.region"() ({
      %run_scoped3A = tpu.sem_alloc : memref<!tpu.dma_semaphore, #tpu.memory_space<semaphore_mem>>
      %dma_start3A_719 = arith.constant 0 : i32
      %dma_start3A_720 = tpu.memref_slice %arg4[%add3A_520, %dma_start3A_719] : memref<163840x128xf32, #tpu.memory_space<hbm>> -> memref<128x128xf32, #tpu.memory_space<hbm>>
      %dma_start3A_721 = arith.constant 0 : i32
      %dma_start3A_722 = tpu.memref_slice %arg4[%add3A_520, %dma_start3A_721] : memref<163840x128xf32, #tpu.memory_space<hbm>> -> memref<128x128xf32, #tpu.memory_space<hbm>>
      tpu.enqueue_dma source(%arg6 : memref<128x128xf32, #tpu.memory_space<vmem>>) target(%dma_start3A_722 : memref<128x128xf32, #tpu.memory_space<hbm>>) target_semaphore(%run_scoped3A : memref<!tpu.dma_semaphore, #tpu.memory_space<semaphore_mem>>)
      %dma_wait3A_723 = arith.constant 0 : i32
      %dma_wait3A_724 = tpu.memref_slice %arg4[%add3A_520, %dma_wait3A_723] : memref<163840x128xf32, #tpu.memory_space<hbm>> -> memref<128x128xf32, #tpu.memory_space<hbm>>
      %dma_wait3A_725 = arith.constant 0 : i32
      %dma_wait3A_726 = tpu.memref_slice %arg4[%add3A_520, %dma_wait3A_725] : memref<163840x128xf32, #tpu.memory_space<hbm>> -> memref<128x128xf32, #tpu.memory_space<hbm>>
      tpu.wait_dma2 semaphore(%run_scoped3A : memref<!tpu.dma_semaphore, #tpu.memory_space<semaphore_mem>>) src(%arg6 : memref<128x128xf32, #tpu.memory_space<vmem>>) dst(%dma_wait3A_726 : memref<128x128xf32, #tpu.memory_space<hbm>>)
      tpu.yield
    }) : () -> ()
    %dma_start3A_521 = arith.constant 29 : i32
    %dma_start3A_522 = arith.constant 0 : i32
    %dma_start3A_523 = tpu.memref_slice %arg5[%dma_start3A_521, %dma_start3A_522] : memref<40x128xi32, #tpu.memory_space<vmem>> -> memref<1x128xi32, #tpu.memory_space<vmem>>
    %dma_start3A_524 = tpu.memref_squeeze %dma_start3A_523 : memref<1x128xi32, #tpu.memory_space<vmem>> -> memref<128xi32, #tpu.memory_space<vmem>>
    %dma_start3A_525 = arith.constant 0 : i32
    %dma_start3A_526 = arith.constant 0 : i32
    %dma_start3A_527 = tpu.memref_slice %arg2[%dma_start3A_525, %dma_start3A_526] : memref<1984x128xf32, #tpu.memory_space<hbm>> -> memref<1984x128xf32, #tpu.memory_space<hbm>>
    tpu.enqueue_indirect_dma source(%dma_start3A_527 : memref<1984x128xf32, #tpu.memory_space<hbm>>) target(%arg7 : memref<128x128xf32, #tpu.memory_space<vmem>>) offsets(%dma_start3A_524 : memref<128xi32, #tpu.memory_space<vmem>>) semaphore(%arg9 : memref<!tpu.dma_semaphore, #tpu.memory_space<semaphore_mem>>)
    %dma_wait3A_528 = arith.constant 29 : i32
    %dma_wait3A_529 = arith.constant 0 : i32
    %dma_wait3A_530 = tpu.memref_slice %arg5[%dma_wait3A_528, %dma_wait3A_529] : memref<40x128xi32, #tpu.memory_space<vmem>> -> memref<1x128xi32, #tpu.memory_space<vmem>>
    %dma_wait3A_531 = tpu.memref_squeeze %dma_wait3A_530 : memref<1x128xi32, #tpu.memory_space<vmem>> -> memref<128xi32, #tpu.memory_space<vmem>>
    %dma_wait3A_532 = arith.constant 0 : i32
    %dma_wait3A_533 = arith.constant 0 : i32
    %dma_wait3A_534 = tpu.memref_slice %arg2[%dma_wait3A_532, %dma_wait3A_533] : memref<1984x128xf32, #tpu.memory_space<hbm>> -> memref<1984x128xf32, #tpu.memory_space<hbm>>
    tpu.wait_indirect_dma semaphore(%arg9 : memref<!tpu.dma_semaphore, #tpu.memory_space<semaphore_mem>>) src(%dma_wait3A_534 : memref<1984x128xf32, #tpu.memory_space<hbm>>) dst(%arg7 : memref<128x128xf32, #tpu.memory_space<vmem>>)
    %mul3A_535 = arith.constant 5120 : i32
    %mul3A_536 = arith.muli %add3A, %mul3A_535 : i32
    %add3A_537 = arith.constant 3712 : i32
    %add3A_538 = arith.addi %mul3A_536, %add3A_537 : i32
    "tpu.region"() ({
      %run_scoped3A = tpu.sem_alloc : memref<!tpu.dma_semaphore, #tpu.memory_space<semaphore_mem>>
      %dma_start3A_719 = arith.constant 0 : i32
      %dma_start3A_720 = tpu.memref_slice %arg4[%add3A_538, %dma_start3A_719] : memref<163840x128xf32, #tpu.memory_space<hbm>> -> memref<128x128xf32, #tpu.memory_space<hbm>>
      %dma_start3A_721 = arith.constant 0 : i32
      %dma_start3A_722 = tpu.memref_slice %arg4[%add3A_538, %dma_start3A_721] : memref<163840x128xf32, #tpu.memory_space<hbm>> -> memref<128x128xf32, #tpu.memory_space<hbm>>
      tpu.enqueue_dma source(%arg7 : memref<128x128xf32, #tpu.memory_space<vmem>>) target(%dma_start3A_722 : memref<128x128xf32, #tpu.memory_space<hbm>>) target_semaphore(%run_scoped3A : memref<!tpu.dma_semaphore, #tpu.memory_space<semaphore_mem>>)
      %dma_wait3A_723 = arith.constant 0 : i32
      %dma_wait3A_724 = tpu.memref_slice %arg4[%add3A_538, %dma_wait3A_723] : memref<163840x128xf32, #tpu.memory_space<hbm>> -> memref<128x128xf32, #tpu.memory_space<hbm>>
      %dma_wait3A_725 = arith.constant 0 : i32
      %dma_wait3A_726 = tpu.memref_slice %arg4[%add3A_538, %dma_wait3A_725] : memref<163840x128xf32, #tpu.memory_space<hbm>> -> memref<128x128xf32, #tpu.memory_space<hbm>>
      tpu.wait_dma2 semaphore(%run_scoped3A : memref<!tpu.dma_semaphore, #tpu.memory_space<semaphore_mem>>) src(%arg7 : memref<128x128xf32, #tpu.memory_space<vmem>>) dst(%dma_wait3A_726 : memref<128x128xf32, #tpu.memory_space<hbm>>)
      tpu.yield
    }) : () -> ()
    %dma_start3A_539 = arith.constant 30 : i32
    %dma_start3A_540 = arith.constant 0 : i32
    %dma_start3A_541 = tpu.memref_slice %arg5[%dma_start3A_539, %dma_start3A_540] : memref<40x128xi32, #tpu.memory_space<vmem>> -> memref<1x128xi32, #tpu.memory_space<vmem>>
    %dma_start3A_542 = tpu.memref_squeeze %dma_start3A_541 : memref<1x128xi32, #tpu.memory_space<vmem>> -> memref<128xi32, #tpu.memory_space<vmem>>
    %dma_start3A_543 = arith.constant 0 : i32
    %dma_start3A_544 = arith.constant 0 : i32
    %dma_start3A_545 = tpu.memref_slice %arg2[%dma_start3A_543, %dma_start3A_544] : memref<1984x128xf32, #tpu.memory_space<hbm>> -> memref<1984x128xf32, #tpu.memory_space<hbm>>
    tpu.enqueue_indirect_dma source(%dma_start3A_545 : memref<1984x128xf32, #tpu.memory_space<hbm>>) target(%arg6 : memref<128x128xf32, #tpu.memory_space<vmem>>) offsets(%dma_start3A_542 : memref<128xi32, #tpu.memory_space<vmem>>) semaphore(%arg8 : memref<!tpu.dma_semaphore, #tpu.memory_space<semaphore_mem>>)
    %dma_wait3A_546 = arith.constant 30 : i32
    %dma_wait3A_547 = arith.constant 0 : i32
    %dma_wait3A_548 = tpu.memref_slice %arg5[%dma_wait3A_546, %dma_wait3A_547] : memref<40x128xi32, #tpu.memory_space<vmem>> -> memref<1x128xi32, #tpu.memory_space<vmem>>
    %dma_wait3A_549 = tpu.memref_squeeze %dma_wait3A_548 : memref<1x128xi32, #tpu.memory_space<vmem>> -> memref<128xi32, #tpu.memory_space<vmem>>
    %dma_wait3A_550 = arith.constant 0 : i32
    %dma_wait3A_551 = arith.constant 0 : i32
    %dma_wait3A_552 = tpu.memref_slice %arg2[%dma_wait3A_550, %dma_wait3A_551] : memref<1984x128xf32, #tpu.memory_space<hbm>> -> memref<1984x128xf32, #tpu.memory_space<hbm>>
    tpu.wait_indirect_dma semaphore(%arg8 : memref<!tpu.dma_semaphore, #tpu.memory_space<semaphore_mem>>) src(%dma_wait3A_552 : memref<1984x128xf32, #tpu.memory_space<hbm>>) dst(%arg6 : memref<128x128xf32, #tpu.memory_space<vmem>>)
    %mul3A_553 = arith.constant 5120 : i32
    %mul3A_554 = arith.muli %add3A, %mul3A_553 : i32
    %add3A_555 = arith.constant 3840 : i32
    %add3A_556 = arith.addi %mul3A_554, %add3A_555 : i32
    "tpu.region"() ({
      %run_scoped3A = tpu.sem_alloc : memref<!tpu.dma_semaphore, #tpu.memory_space<semaphore_mem>>
      %dma_start3A_719 = arith.constant 0 : i32
      %dma_start3A_720 = tpu.memref_slice %arg4[%add3A_556, %dma_start3A_719] : memref<163840x128xf32, #tpu.memory_space<hbm>> -> memref<128x128xf32, #tpu.memory_space<hbm>>
      %dma_start3A_721 = arith.constant 0 : i32
      %dma_start3A_722 = tpu.memref_slice %arg4[%add3A_556, %dma_start3A_721] : memref<163840x128xf32, #tpu.memory_space<hbm>> -> memref<128x128xf32, #tpu.memory_space<hbm>>
      tpu.enqueue_dma source(%arg6 : memref<128x128xf32, #tpu.memory_space<vmem>>) target(%dma_start3A_722 : memref<128x128xf32, #tpu.memory_space<hbm>>) target_semaphore(%run_scoped3A : memref<!tpu.dma_semaphore, #tpu.memory_space<semaphore_mem>>)
      %dma_wait3A_723 = arith.constant 0 : i32
      %dma_wait3A_724 = tpu.memref_slice %arg4[%add3A_556, %dma_wait3A_723] : memref<163840x128xf32, #tpu.memory_space<hbm>> -> memref<128x128xf32, #tpu.memory_space<hbm>>
      %dma_wait3A_725 = arith.constant 0 : i32
      %dma_wait3A_726 = tpu.memref_slice %arg4[%add3A_556, %dma_wait3A_725] : memref<163840x128xf32, #tpu.memory_space<hbm>> -> memref<128x128xf32, #tpu.memory_space<hbm>>
      tpu.wait_dma2 semaphore(%run_scoped3A : memref<!tpu.dma_semaphore, #tpu.memory_space<semaphore_mem>>) src(%arg6 : memref<128x128xf32, #tpu.memory_space<vmem>>) dst(%dma_wait3A_726 : memref<128x128xf32, #tpu.memory_space<hbm>>)
      tpu.yield
    }) : () -> ()
    %dma_start3A_557 = arith.constant 31 : i32
    %dma_start3A_558 = arith.constant 0 : i32
    %dma_start3A_559 = tpu.memref_slice %arg5[%dma_start3A_557, %dma_start3A_558] : memref<40x128xi32, #tpu.memory_space<vmem>> -> memref<1x128xi32, #tpu.memory_space<vmem>>
    %dma_start3A_560 = tpu.memref_squeeze %dma_start3A_559 : memref<1x128xi32, #tpu.memory_space<vmem>> -> memref<128xi32, #tpu.memory_space<vmem>>
    %dma_start3A_561 = arith.constant 0 : i32
    %dma_start3A_562 = arith.constant 0 : i32
    %dma_start3A_563 = tpu.memref_slice %arg2[%dma_start3A_561, %dma_start3A_562] : memref<1984x128xf32, #tpu.memory_space<hbm>> -> memref<1984x128xf32, #tpu.memory_space<hbm>>
    tpu.enqueue_indirect_dma source(%dma_start3A_563 : memref<1984x128xf32, #tpu.memory_space<hbm>>) target(%arg7 : memref<128x128xf32, #tpu.memory_space<vmem>>) offsets(%dma_start3A_560 : memref<128xi32, #tpu.memory_space<vmem>>) semaphore(%arg9 : memref<!tpu.dma_semaphore, #tpu.memory_space<semaphore_mem>>)
    %dma_wait3A_564 = arith.constant 31 : i32
    %dma_wait3A_565 = arith.constant 0 : i32
    %dma_wait3A_566 = tpu.memref_slice %arg5[%dma_wait3A_564, %dma_wait3A_565] : memref<40x128xi32, #tpu.memory_space<vmem>> -> memref<1x128xi32, #tpu.memory_space<vmem>>
    %dma_wait3A_567 = tpu.memref_squeeze %dma_wait3A_566 : memref<1x128xi32, #tpu.memory_space<vmem>> -> memref<128xi32, #tpu.memory_space<vmem>>
    %dma_wait3A_568 = arith.constant 0 : i32
    %dma_wait3A_569 = arith.constant 0 : i32
    %dma_wait3A_570 = tpu.memref_slice %arg2[%dma_wait3A_568, %dma_wait3A_569] : memref<1984x128xf32, #tpu.memory_space<hbm>> -> memref<1984x128xf32, #tpu.memory_space<hbm>>
    tpu.wait_indirect_dma semaphore(%arg9 : memref<!tpu.dma_semaphore, #tpu.memory_space<semaphore_mem>>) src(%dma_wait3A_570 : memref<1984x128xf32, #tpu.memory_space<hbm>>) dst(%arg7 : memref<128x128xf32, #tpu.memory_space<vmem>>)
    %mul3A_571 = arith.constant 5120 : i32
    %mul3A_572 = arith.muli %add3A, %mul3A_571 : i32
    %add3A_573 = arith.constant 3968 : i32
    %add3A_574 = arith.addi %mul3A_572, %add3A_573 : i32
    "tpu.region"() ({
      %run_scoped3A = tpu.sem_alloc : memref<!tpu.dma_semaphore, #tpu.memory_space<semaphore_mem>>
      %dma_start3A_719 = arith.constant 0 : i32
      %dma_start3A_720 = tpu.memref_slice %arg4[%add3A_574, %dma_start3A_719] : memref<163840x128xf32, #tpu.memory_space<hbm>> -> memref<128x128xf32, #tpu.memory_space<hbm>>
      %dma_start3A_721 = arith.constant 0 : i32
      %dma_start3A_722 = tpu.memref_slice %arg4[%add3A_574, %dma_start3A_721] : memref<163840x128xf32, #tpu.memory_space<hbm>> -> memref<128x128xf32, #tpu.memory_space<hbm>>
      tpu.enqueue_dma source(%arg7 : memref<128x128xf32, #tpu.memory_space<vmem>>) target(%dma_start3A_722 : memref<128x128xf32, #tpu.memory_space<hbm>>) target_semaphore(%run_scoped3A : memref<!tpu.dma_semaphore, #tpu.memory_space<semaphore_mem>>)
      %dma_wait3A_723 = arith.constant 0 : i32
      %dma_wait3A_724 = tpu.memref_slice %arg4[%add3A_574, %dma_wait3A_723] : memref<163840x128xf32, #tpu.memory_space<hbm>> -> memref<128x128xf32, #tpu.memory_space<hbm>>
      %dma_wait3A_725 = arith.constant 0 : i32
      %dma_wait3A_726 = tpu.memref_slice %arg4[%add3A_574, %dma_wait3A_725] : memref<163840x128xf32, #tpu.memory_space<hbm>> -> memref<128x128xf32, #tpu.memory_space<hbm>>
      tpu.wait_dma2 semaphore(%run_scoped3A : memref<!tpu.dma_semaphore, #tpu.memory_space<semaphore_mem>>) src(%arg7 : memref<128x128xf32, #tpu.memory_space<vmem>>) dst(%dma_wait3A_726 : memref<128x128xf32, #tpu.memory_space<hbm>>)
      tpu.yield
    }) : () -> ()
    %dma_start3A_575 = arith.constant 32 : i32
    %dma_start3A_576 = arith.constant 0 : i32
    %dma_start3A_577 = tpu.memref_slice %arg5[%dma_start3A_575, %dma_start3A_576] : memref<40x128xi32, #tpu.memory_space<vmem>> -> memref<1x128xi32, #tpu.memory_space<vmem>>
    %dma_start3A_578 = tpu.memref_squeeze %dma_start3A_577 : memref<1x128xi32, #tpu.memory_space<vmem>> -> memref<128xi32, #tpu.memory_space<vmem>>
    %dma_start3A_579 = arith.constant 0 : i32
    %dma_start3A_580 = arith.constant 0 : i32
    %dma_start3A_581 = tpu.memref_slice %arg2[%dma_start3A_579, %dma_start3A_580] : memref<1984x128xf32, #tpu.memory_space<hbm>> -> memref<1984x128xf32, #tpu.memory_space<hbm>>
    tpu.enqueue_indirect_dma source(%dma_start3A_581 : memref<1984x128xf32, #tpu.memory_space<hbm>>) target(%arg6 : memref<128x128xf32, #tpu.memory_space<vmem>>) offsets(%dma_start3A_578 : memref<128xi32, #tpu.memory_space<vmem>>) semaphore(%arg8 : memref<!tpu.dma_semaphore, #tpu.memory_space<semaphore_mem>>)
    %dma_wait3A_582 = arith.constant 32 : i32
    %dma_wait3A_583 = arith.constant 0 : i32
    %dma_wait3A_584 = tpu.memref_slice %arg5[%dma_wait3A_582, %dma_wait3A_583] : memref<40x128xi32, #tpu.memory_space<vmem>> -> memref<1x128xi32, #tpu.memory_space<vmem>>
    %dma_wait3A_585 = tpu.memref_squeeze %dma_wait3A_584 : memref<1x128xi32, #tpu.memory_space<vmem>> -> memref<128xi32, #tpu.memory_space<vmem>>
    %dma_wait3A_586 = arith.constant 0 : i32
    %dma_wait3A_587 = arith.constant 0 : i32
    %dma_wait3A_588 = tpu.memref_slice %arg2[%dma_wait3A_586, %dma_wait3A_587] : memref<1984x128xf32, #tpu.memory_space<hbm>> -> memref<1984x128xf32, #tpu.memory_space<hbm>>
    tpu.wait_indirect_dma semaphore(%arg8 : memref<!tpu.dma_semaphore, #tpu.memory_space<semaphore_mem>>) src(%dma_wait3A_588 : memref<1984x128xf32, #tpu.memory_space<hbm>>) dst(%arg6 : memref<128x128xf32, #tpu.memory_space<vmem>>)
    %mul3A_589 = arith.constant 5120 : i32
    %mul3A_590 = arith.muli %add3A, %mul3A_589 : i32
    %add3A_591 = arith.constant 4096 : i32
    %add3A_592 = arith.addi %mul3A_590, %add3A_591 : i32
    "tpu.region"() ({
      %run_scoped3A = tpu.sem_alloc : memref<!tpu.dma_semaphore, #tpu.memory_space<semaphore_mem>>
      %dma_start3A_719 = arith.constant 0 : i32
      %dma_start3A_720 = tpu.memref_slice %arg4[%add3A_592, %dma_start3A_719] : memref<163840x128xf32, #tpu.memory_space<hbm>> -> memref<128x128xf32, #tpu.memory_space<hbm>>
      %dma_start3A_721 = arith.constant 0 : i32
      %dma_start3A_722 = tpu.memref_slice %arg4[%add3A_592, %dma_start3A_721] : memref<163840x128xf32, #tpu.memory_space<hbm>> -> memref<128x128xf32, #tpu.memory_space<hbm>>
      tpu.enqueue_dma source(%arg6 : memref<128x128xf32, #tpu.memory_space<vmem>>) target(%dma_start3A_722 : memref<128x128xf32, #tpu.memory_space<hbm>>) target_semaphore(%run_scoped3A : memref<!tpu.dma_semaphore, #tpu.memory_space<semaphore_mem>>)
      %dma_wait3A_723 = arith.constant 0 : i32
      %dma_wait3A_724 = tpu.memref_slice %arg4[%add3A_592, %dma_wait3A_723] : memref<163840x128xf32, #tpu.memory_space<hbm>> -> memref<128x128xf32, #tpu.memory_space<hbm>>
      %dma_wait3A_725 = arith.constant 0 : i32
      %dma_wait3A_726 = tpu.memref_slice %arg4[%add3A_592, %dma_wait3A_725] : memref<163840x128xf32, #tpu.memory_space<hbm>> -> memref<128x128xf32, #tpu.memory_space<hbm>>
      tpu.wait_dma2 semaphore(%run_scoped3A : memref<!tpu.dma_semaphore, #tpu.memory_space<semaphore_mem>>) src(%arg6 : memref<128x128xf32, #tpu.memory_space<vmem>>) dst(%dma_wait3A_726 : memref<128x128xf32, #tpu.memory_space<hbm>>)
      tpu.yield
    }) : () -> ()
    %dma_start3A_593 = arith.constant 33 : i32
    %dma_start3A_594 = arith.constant 0 : i32
    %dma_start3A_595 = tpu.memref_slice %arg5[%dma_start3A_593, %dma_start3A_594] : memref<40x128xi32, #tpu.memory_space<vmem>> -> memref<1x128xi32, #tpu.memory_space<vmem>>
    %dma_start3A_596 = tpu.memref_squeeze %dma_start3A_595 : memref<1x128xi32, #tpu.memory_space<vmem>> -> memref<128xi32, #tpu.memory_space<vmem>>
    %dma_start3A_597 = arith.constant 0 : i32
    %dma_start3A_598 = arith.constant 0 : i32
    %dma_start3A_599 = tpu.memref_slice %arg2[%dma_start3A_597, %dma_start3A_598] : memref<1984x128xf32, #tpu.memory_space<hbm>> -> memref<1984x128xf32, #tpu.memory_space<hbm>>
    tpu.enqueue_indirect_dma source(%dma_start3A_599 : memref<1984x128xf32, #tpu.memory_space<hbm>>) target(%arg7 : memref<128x128xf32, #tpu.memory_space<vmem>>) offsets(%dma_start3A_596 : memref<128xi32, #tpu.memory_space<vmem>>) semaphore(%arg9 : memref<!tpu.dma_semaphore, #tpu.memory_space<semaphore_mem>>)
    %dma_wait3A_600 = arith.constant 33 : i32
    %dma_wait3A_601 = arith.constant 0 : i32
    %dma_wait3A_602 = tpu.memref_slice %arg5[%dma_wait3A_600, %dma_wait3A_601] : memref<40x128xi32, #tpu.memory_space<vmem>> -> memref<1x128xi32, #tpu.memory_space<vmem>>
    %dma_wait3A_603 = tpu.memref_squeeze %dma_wait3A_602 : memref<1x128xi32, #tpu.memory_space<vmem>> -> memref<128xi32, #tpu.memory_space<vmem>>
    %dma_wait3A_604 = arith.constant 0 : i32
    %dma_wait3A_605 = arith.constant 0 : i32
    %dma_wait3A_606 = tpu.memref_slice %arg2[%dma_wait3A_604, %dma_wait3A_605] : memref<1984x128xf32, #tpu.memory_space<hbm>> -> memref<1984x128xf32, #tpu.memory_space<hbm>>
    tpu.wait_indirect_dma semaphore(%arg9 : memref<!tpu.dma_semaphore, #tpu.memory_space<semaphore_mem>>) src(%dma_wait3A_606 : memref<1984x128xf32, #tpu.memory_space<hbm>>) dst(%arg7 : memref<128x128xf32, #tpu.memory_space<vmem>>)
    %mul3A_607 = arith.constant 5120 : i32
    %mul3A_608 = arith.muli %add3A, %mul3A_607 : i32
    %add3A_609 = arith.constant 4224 : i32
    %add3A_610 = arith.addi %mul3A_608, %add3A_609 : i32
    "tpu.region"() ({
      %run_scoped3A = tpu.sem_alloc : memref<!tpu.dma_semaphore, #tpu.memory_space<semaphore_mem>>
      %dma_start3A_719 = arith.constant 0 : i32
      %dma_start3A_720 = tpu.memref_slice %arg4[%add3A_610, %dma_start3A_719] : memref<163840x128xf32, #tpu.memory_space<hbm>> -> memref<128x128xf32, #tpu.memory_space<hbm>>
      %dma_start3A_721 = arith.constant 0 : i32
      %dma_start3A_722 = tpu.memref_slice %arg4[%add3A_610, %dma_start3A_721] : memref<163840x128xf32, #tpu.memory_space<hbm>> -> memref<128x128xf32, #tpu.memory_space<hbm>>
      tpu.enqueue_dma source(%arg7 : memref<128x128xf32, #tpu.memory_space<vmem>>) target(%dma_start3A_722 : memref<128x128xf32, #tpu.memory_space<hbm>>) target_semaphore(%run_scoped3A : memref<!tpu.dma_semaphore, #tpu.memory_space<semaphore_mem>>)
      %dma_wait3A_723 = arith.constant 0 : i32
      %dma_wait3A_724 = tpu.memref_slice %arg4[%add3A_610, %dma_wait3A_723] : memref<163840x128xf32, #tpu.memory_space<hbm>> -> memref<128x128xf32, #tpu.memory_space<hbm>>
      %dma_wait3A_725 = arith.constant 0 : i32
      %dma_wait3A_726 = tpu.memref_slice %arg4[%add3A_610, %dma_wait3A_725] : memref<163840x128xf32, #tpu.memory_space<hbm>> -> memref<128x128xf32, #tpu.memory_space<hbm>>
      tpu.wait_dma2 semaphore(%run_scoped3A : memref<!tpu.dma_semaphore, #tpu.memory_space<semaphore_mem>>) src(%arg7 : memref<128x128xf32, #tpu.memory_space<vmem>>) dst(%dma_wait3A_726 : memref<128x128xf32, #tpu.memory_space<hbm>>)
      tpu.yield
    }) : () -> ()
    %dma_start3A_611 = arith.constant 34 : i32
    %dma_start3A_612 = arith.constant 0 : i32
    %dma_start3A_613 = tpu.memref_slice %arg5[%dma_start3A_611, %dma_start3A_612] : memref<40x128xi32, #tpu.memory_space<vmem>> -> memref<1x128xi32, #tpu.memory_space<vmem>>
    %dma_start3A_614 = tpu.memref_squeeze %dma_start3A_613 : memref<1x128xi32, #tpu.memory_space<vmem>> -> memref<128xi32, #tpu.memory_space<vmem>>
    %dma_start3A_615 = arith.constant 0 : i32
    %dma_start3A_616 = arith.constant 0 : i32
    %dma_start3A_617 = tpu.memref_slice %arg2[%dma_start3A_615, %dma_start3A_616] : memref<1984x128xf32, #tpu.memory_space<hbm>> -> memref<1984x128xf32, #tpu.memory_space<hbm>>
    tpu.enqueue_indirect_dma source(%dma_start3A_617 : memref<1984x128xf32, #tpu.memory_space<hbm>>) target(%arg6 : memref<128x128xf32, #tpu.memory_space<vmem>>) offsets(%dma_start3A_614 : memref<128xi32, #tpu.memory_space<vmem>>) semaphore(%arg8 : memref<!tpu.dma_semaphore, #tpu.memory_space<semaphore_mem>>)
    %dma_wait3A_618 = arith.constant 34 : i32
    %dma_wait3A_619 = arith.constant 0 : i32
    %dma_wait3A_620 = tpu.memref_slice %arg5[%dma_wait3A_618, %dma_wait3A_619] : memref<40x128xi32, #tpu.memory_space<vmem>> -> memref<1x128xi32, #tpu.memory_space<vmem>>
    %dma_wait3A_621 = tpu.memref_squeeze %dma_wait3A_620 : memref<1x128xi32, #tpu.memory_space<vmem>> -> memref<128xi32, #tpu.memory_space<vmem>>
    %dma_wait3A_622 = arith.constant 0 : i32
    %dma_wait3A_623 = arith.constant 0 : i32
    %dma_wait3A_624 = tpu.memref_slice %arg2[%dma_wait3A_622, %dma_wait3A_623] : memref<1984x128xf32, #tpu.memory_space<hbm>> -> memref<1984x128xf32, #tpu.memory_space<hbm>>
    tpu.wait_indirect_dma semaphore(%arg8 : memref<!tpu.dma_semaphore, #tpu.memory_space<semaphore_mem>>) src(%dma_wait3A_624 : memref<1984x128xf32, #tpu.memory_space<hbm>>) dst(%arg6 : memref<128x128xf32, #tpu.memory_space<vmem>>)
    %mul3A_625 = arith.constant 5120 : i32
    %mul3A_626 = arith.muli %add3A, %mul3A_625 : i32
    %add3A_627 = arith.constant 4352 : i32
    %add3A_628 = arith.addi %mul3A_626, %add3A_627 : i32
    "tpu.region"() ({
      %run_scoped3A = tpu.sem_alloc : memref<!tpu.dma_semaphore, #tpu.memory_space<semaphore_mem>>
      %dma_start3A_719 = arith.constant 0 : i32
      %dma_start3A_720 = tpu.memref_slice %arg4[%add3A_628, %dma_start3A_719] : memref<163840x128xf32, #tpu.memory_space<hbm>> -> memref<128x128xf32, #tpu.memory_space<hbm>>
      %dma_start3A_721 = arith.constant 0 : i32
      %dma_start3A_722 = tpu.memref_slice %arg4[%add3A_628, %dma_start3A_721] : memref<163840x128xf32, #tpu.memory_space<hbm>> -> memref<128x128xf32, #tpu.memory_space<hbm>>
      tpu.enqueue_dma source(%arg6 : memref<128x128xf32, #tpu.memory_space<vmem>>) target(%dma_start3A_722 : memref<128x128xf32, #tpu.memory_space<hbm>>) target_semaphore(%run_scoped3A : memref<!tpu.dma_semaphore, #tpu.memory_space<semaphore_mem>>)
      %dma_wait3A_723 = arith.constant 0 : i32
      %dma_wait3A_724 = tpu.memref_slice %arg4[%add3A_628, %dma_wait3A_723] : memref<163840x128xf32, #tpu.memory_space<hbm>> -> memref<128x128xf32, #tpu.memory_space<hbm>>
      %dma_wait3A_725 = arith.constant 0 : i32
      %dma_wait3A_726 = tpu.memref_slice %arg4[%add3A_628, %dma_wait3A_725] : memref<163840x128xf32, #tpu.memory_space<hbm>> -> memref<128x128xf32, #tpu.memory_space<hbm>>
      tpu.wait_dma2 semaphore(%run_scoped3A : memref<!tpu.dma_semaphore, #tpu.memory_space<semaphore_mem>>) src(%arg6 : memref<128x128xf32, #tpu.memory_space<vmem>>) dst(%dma_wait3A_726 : memref<128x128xf32, #tpu.memory_space<hbm>>)
      tpu.yield
    }) : () -> ()
    %dma_start3A_629 = arith.constant 35 : i32
    %dma_start3A_630 = arith.constant 0 : i32
    %dma_start3A_631 = tpu.memref_slice %arg5[%dma_start3A_629, %dma_start3A_630] : memref<40x128xi32, #tpu.memory_space<vmem>> -> memref<1x128xi32, #tpu.memory_space<vmem>>
    %dma_start3A_632 = tpu.memref_squeeze %dma_start3A_631 : memref<1x128xi32, #tpu.memory_space<vmem>> -> memref<128xi32, #tpu.memory_space<vmem>>
    %dma_start3A_633 = arith.constant 0 : i32
    %dma_start3A_634 = arith.constant 0 : i32
    %dma_start3A_635 = tpu.memref_slice %arg2[%dma_start3A_633, %dma_start3A_634] : memref<1984x128xf32, #tpu.memory_space<hbm>> -> memref<1984x128xf32, #tpu.memory_space<hbm>>
    tpu.enqueue_indirect_dma source(%dma_start3A_635 : memref<1984x128xf32, #tpu.memory_space<hbm>>) target(%arg7 : memref<128x128xf32, #tpu.memory_space<vmem>>) offsets(%dma_start3A_632 : memref<128xi32, #tpu.memory_space<vmem>>) semaphore(%arg9 : memref<!tpu.dma_semaphore, #tpu.memory_space<semaphore_mem>>)
    %dma_wait3A_636 = arith.constant 35 : i32
    %dma_wait3A_637 = arith.constant 0 : i32
    %dma_wait3A_638 = tpu.memref_slice %arg5[%dma_wait3A_636, %dma_wait3A_637] : memref<40x128xi32, #tpu.memory_space<vmem>> -> memref<1x128xi32, #tpu.memory_space<vmem>>
    %dma_wait3A_639 = tpu.memref_squeeze %dma_wait3A_638 : memref<1x128xi32, #tpu.memory_space<vmem>> -> memref<128xi32, #tpu.memory_space<vmem>>
    %dma_wait3A_640 = arith.constant 0 : i32
    %dma_wait3A_641 = arith.constant 0 : i32
    %dma_wait3A_642 = tpu.memref_slice %arg2[%dma_wait3A_640, %dma_wait3A_641] : memref<1984x128xf32, #tpu.memory_space<hbm>> -> memref<1984x128xf32, #tpu.memory_space<hbm>>
    tpu.wait_indirect_dma semaphore(%arg9 : memref<!tpu.dma_semaphore, #tpu.memory_space<semaphore_mem>>) src(%dma_wait3A_642 : memref<1984x128xf32, #tpu.memory_space<hbm>>) dst(%arg7 : memref<128x128xf32, #tpu.memory_space<vmem>>)
    %mul3A_643 = arith.constant 5120 : i32
    %mul3A_644 = arith.muli %add3A, %mul3A_643 : i32
    %add3A_645 = arith.constant 4480 : i32
    %add3A_646 = arith.addi %mul3A_644, %add3A_645 : i32
    "tpu.region"() ({
      %run_scoped3A = tpu.sem_alloc : memref<!tpu.dma_semaphore, #tpu.memory_space<semaphore_mem>>
      %dma_start3A_719 = arith.constant 0 : i32
      %dma_start3A_720 = tpu.memref_slice %arg4[%add3A_646, %dma_start3A_719] : memref<163840x128xf32, #tpu.memory_space<hbm>> -> memref<128x128xf32, #tpu.memory_space<hbm>>
      %dma_start3A_721 = arith.constant 0 : i32
      %dma_start3A_722 = tpu.memref_slice %arg4[%add3A_646, %dma_start3A_721] : memref<163840x128xf32, #tpu.memory_space<hbm>> -> memref<128x128xf32, #tpu.memory_space<hbm>>
      tpu.enqueue_dma source(%arg7 : memref<128x128xf32, #tpu.memory_space<vmem>>) target(%dma_start3A_722 : memref<128x128xf32, #tpu.memory_space<hbm>>) target_semaphore(%run_scoped3A : memref<!tpu.dma_semaphore, #tpu.memory_space<semaphore_mem>>)
      %dma_wait3A_723 = arith.constant 0 : i32
      %dma_wait3A_724 = tpu.memref_slice %arg4[%add3A_646, %dma_wait3A_723] : memref<163840x128xf32, #tpu.memory_space<hbm>> -> memref<128x128xf32, #tpu.memory_space<hbm>>
      %dma_wait3A_725 = arith.constant 0 : i32
      %dma_wait3A_726 = tpu.memref_slice %arg4[%add3A_646, %dma_wait3A_725] : memref<163840x128xf32, #tpu.memory_space<hbm>> -> memref<128x128xf32, #tpu.memory_space<hbm>>
      tpu.wait_dma2 semaphore(%run_scoped3A : memref<!tpu.dma_semaphore, #tpu.memory_space<semaphore_mem>>) src(%arg7 : memref<128x128xf32, #tpu.memory_space<vmem>>) dst(%dma_wait3A_726 : memref<128x128xf32, #tpu.memory_space<hbm>>)
      tpu.yield
    }) : () -> ()
    %dma_start3A_647 = arith.constant 36 : i32
    %dma_start3A_648 = arith.constant 0 : i32
    %dma_start3A_649 = tpu.memref_slice %arg5[%dma_start3A_647, %dma_start3A_648] : memref<40x128xi32, #tpu.memory_space<vmem>> -> memref<1x128xi32, #tpu.memory_space<vmem>>
    %dma_start3A_650 = tpu.memref_squeeze %dma_start3A_649 : memref<1x128xi32, #tpu.memory_space<vmem>> -> memref<128xi32, #tpu.memory_space<vmem>>
    %dma_start3A_651 = arith.constant 0 : i32
    %dma_start3A_652 = arith.constant 0 : i32
    %dma_start3A_653 = tpu.memref_slice %arg2[%dma_start3A_651, %dma_start3A_652] : memref<1984x128xf32, #tpu.memory_space<hbm>> -> memref<1984x128xf32, #tpu.memory_space<hbm>>
    tpu.enqueue_indirect_dma source(%dma_start3A_653 : memref<1984x128xf32, #tpu.memory_space<hbm>>) target(%arg6 : memref<128x128xf32, #tpu.memory_space<vmem>>) offsets(%dma_start3A_650 : memref<128xi32, #tpu.memory_space<vmem>>) semaphore(%arg8 : memref<!tpu.dma_semaphore, #tpu.memory_space<semaphore_mem>>)
    %dma_wait3A_654 = arith.constant 36 : i32
    %dma_wait3A_655 = arith.constant 0 : i32
    %dma_wait3A_656 = tpu.memref_slice %arg5[%dma_wait3A_654, %dma_wait3A_655] : memref<40x128xi32, #tpu.memory_space<vmem>> -> memref<1x128xi32, #tpu.memory_space<vmem>>
    %dma_wait3A_657 = tpu.memref_squeeze %dma_wait3A_656 : memref<1x128xi32, #tpu.memory_space<vmem>> -> memref<128xi32, #tpu.memory_space<vmem>>
    %dma_wait3A_658 = arith.constant 0 : i32
    %dma_wait3A_659 = arith.constant 0 : i32
    %dma_wait3A_660 = tpu.memref_slice %arg2[%dma_wait3A_658, %dma_wait3A_659] : memref<1984x128xf32, #tpu.memory_space<hbm>> -> memref<1984x128xf32, #tpu.memory_space<hbm>>
    tpu.wait_indirect_dma semaphore(%arg8 : memref<!tpu.dma_semaphore, #tpu.memory_space<semaphore_mem>>) src(%dma_wait3A_660 : memref<1984x128xf32, #tpu.memory_space<hbm>>) dst(%arg6 : memref<128x128xf32, #tpu.memory_space<vmem>>)
    %mul3A_661 = arith.constant 5120 : i32
    %mul3A_662 = arith.muli %add3A, %mul3A_661 : i32
    %add3A_663 = arith.constant 4608 : i32
    %add3A_664 = arith.addi %mul3A_662, %add3A_663 : i32
    "tpu.region"() ({
      %run_scoped3A = tpu.sem_alloc : memref<!tpu.dma_semaphore, #tpu.memory_space<semaphore_mem>>
      %dma_start3A_719 = arith.constant 0 : i32
      %dma_start3A_720 = tpu.memref_slice %arg4[%add3A_664, %dma_start3A_719] : memref<163840x128xf32, #tpu.memory_space<hbm>> -> memref<128x128xf32, #tpu.memory_space<hbm>>
      %dma_start3A_721 = arith.constant 0 : i32
      %dma_start3A_722 = tpu.memref_slice %arg4[%add3A_664, %dma_start3A_721] : memref<163840x128xf32, #tpu.memory_space<hbm>> -> memref<128x128xf32, #tpu.memory_space<hbm>>
      tpu.enqueue_dma source(%arg6 : memref<128x128xf32, #tpu.memory_space<vmem>>) target(%dma_start3A_722 : memref<128x128xf32, #tpu.memory_space<hbm>>) target_semaphore(%run_scoped3A : memref<!tpu.dma_semaphore, #tpu.memory_space<semaphore_mem>>)
      %dma_wait3A_723 = arith.constant 0 : i32
      %dma_wait3A_724 = tpu.memref_slice %arg4[%add3A_664, %dma_wait3A_723] : memref<163840x128xf32, #tpu.memory_space<hbm>> -> memref<128x128xf32, #tpu.memory_space<hbm>>
      %dma_wait3A_725 = arith.constant 0 : i32
      %dma_wait3A_726 = tpu.memref_slice %arg4[%add3A_664, %dma_wait3A_725] : memref<163840x128xf32, #tpu.memory_space<hbm>> -> memref<128x128xf32, #tpu.memory_space<hbm>>
      tpu.wait_dma2 semaphore(%run_scoped3A : memref<!tpu.dma_semaphore, #tpu.memory_space<semaphore_mem>>) src(%arg6 : memref<128x128xf32, #tpu.memory_space<vmem>>) dst(%dma_wait3A_726 : memref<128x128xf32, #tpu.memory_space<hbm>>)
      tpu.yield
    }) : () -> ()
    %dma_start3A_665 = arith.constant 37 : i32
    %dma_start3A_666 = arith.constant 0 : i32
    %dma_start3A_667 = tpu.memref_slice %arg5[%dma_start3A_665, %dma_start3A_666] : memref<40x128xi32, #tpu.memory_space<vmem>> -> memref<1x128xi32, #tpu.memory_space<vmem>>
    %dma_start3A_668 = tpu.memref_squeeze %dma_start3A_667 : memref<1x128xi32, #tpu.memory_space<vmem>> -> memref<128xi32, #tpu.memory_space<vmem>>
    %dma_start3A_669 = arith.constant 0 : i32
    %dma_start3A_670 = arith.constant 0 : i32
    %dma_start3A_671 = tpu.memref_slice %arg2[%dma_start3A_669, %dma_start3A_670] : memref<1984x128xf32, #tpu.memory_space<hbm>> -> memref<1984x128xf32, #tpu.memory_space<hbm>>
    tpu.enqueue_indirect_dma source(%dma_start3A_671 : memref<1984x128xf32, #tpu.memory_space<hbm>>) target(%arg7 : memref<128x128xf32, #tpu.memory_space<vmem>>) offsets(%dma_start3A_668 : memref<128xi32, #tpu.memory_space<vmem>>) semaphore(%arg9 : memref<!tpu.dma_semaphore, #tpu.memory_space<semaphore_mem>>)
    %dma_wait3A_672 = arith.constant 37 : i32
    %dma_wait3A_673 = arith.constant 0 : i32
    %dma_wait3A_674 = tpu.memref_slice %arg5[%dma_wait3A_672, %dma_wait3A_673] : memref<40x128xi32, #tpu.memory_space<vmem>> -> memref<1x128xi32, #tpu.memory_space<vmem>>
    %dma_wait3A_675 = tpu.memref_squeeze %dma_wait3A_674 : memref<1x128xi32, #tpu.memory_space<vmem>> -> memref<128xi32, #tpu.memory_space<vmem>>
    %dma_wait3A_676 = arith.constant 0 : i32
    %dma_wait3A_677 = arith.constant 0 : i32
    %dma_wait3A_678 = tpu.memref_slice %arg2[%dma_wait3A_676, %dma_wait3A_677] : memref<1984x128xf32, #tpu.memory_space<hbm>> -> memref<1984x128xf32, #tpu.memory_space<hbm>>
    tpu.wait_indirect_dma semaphore(%arg9 : memref<!tpu.dma_semaphore, #tpu.memory_space<semaphore_mem>>) src(%dma_wait3A_678 : memref<1984x128xf32, #tpu.memory_space<hbm>>) dst(%arg7 : memref<128x128xf32, #tpu.memory_space<vmem>>)
    %mul3A_679 = arith.constant 5120 : i32
    %mul3A_680 = arith.muli %add3A, %mul3A_679 : i32
    %add3A_681 = arith.constant 4736 : i32
    %add3A_682 = arith.addi %mul3A_680, %add3A_681 : i32
    "tpu.region"() ({
      %run_scoped3A = tpu.sem_alloc : memref<!tpu.dma_semaphore, #tpu.memory_space<semaphore_mem>>
      %dma_start3A_719 = arith.constant 0 : i32
      %dma_start3A_720 = tpu.memref_slice %arg4[%add3A_682, %dma_start3A_719] : memref<163840x128xf32, #tpu.memory_space<hbm>> -> memref<128x128xf32, #tpu.memory_space<hbm>>
      %dma_start3A_721 = arith.constant 0 : i32
      %dma_start3A_722 = tpu.memref_slice %arg4[%add3A_682, %dma_start3A_721] : memref<163840x128xf32, #tpu.memory_space<hbm>> -> memref<128x128xf32, #tpu.memory_space<hbm>>
      tpu.enqueue_dma source(%arg7 : memref<128x128xf32, #tpu.memory_space<vmem>>) target(%dma_start3A_722 : memref<128x128xf32, #tpu.memory_space<hbm>>) target_semaphore(%run_scoped3A : memref<!tpu.dma_semaphore, #tpu.memory_space<semaphore_mem>>)
      %dma_wait3A_723 = arith.constant 0 : i32
      %dma_wait3A_724 = tpu.memref_slice %arg4[%add3A_682, %dma_wait3A_723] : memref<163840x128xf32, #tpu.memory_space<hbm>> -> memref<128x128xf32, #tpu.memory_space<hbm>>
      %dma_wait3A_725 = arith.constant 0 : i32
      %dma_wait3A_726 = tpu.memref_slice %arg4[%add3A_682, %dma_wait3A_725] : memref<163840x128xf32, #tpu.memory_space<hbm>> -> memref<128x128xf32, #tpu.memory_space<hbm>>
      tpu.wait_dma2 semaphore(%run_scoped3A : memref<!tpu.dma_semaphore, #tpu.memory_space<semaphore_mem>>) src(%arg7 : memref<128x128xf32, #tpu.memory_space<vmem>>) dst(%dma_wait3A_726 : memref<128x128xf32, #tpu.memory_space<hbm>>)
      tpu.yield
    }) : () -> ()
    %dma_start3A_683 = arith.constant 38 : i32
    %dma_start3A_684 = arith.constant 0 : i32
    %dma_start3A_685 = tpu.memref_slice %arg5[%dma_start3A_683, %dma_start3A_684] : memref<40x128xi32, #tpu.memory_space<vmem>> -> memref<1x128xi32, #tpu.memory_space<vmem>>
    %dma_start3A_686 = tpu.memref_squeeze %dma_start3A_685 : memref<1x128xi32, #tpu.memory_space<vmem>> -> memref<128xi32, #tpu.memory_space<vmem>>
    %dma_start3A_687 = arith.constant 0 : i32
    %dma_start3A_688 = arith.constant 0 : i32
    %dma_start3A_689 = tpu.memref_slice %arg2[%dma_start3A_687, %dma_start3A_688] : memref<1984x128xf32, #tpu.memory_space<hbm>> -> memref<1984x128xf32, #tpu.memory_space<hbm>>
    tpu.enqueue_indirect_dma source(%dma_start3A_689 : memref<1984x128xf32, #tpu.memory_space<hbm>>) target(%arg6 : memref<128x128xf32, #tpu.memory_space<vmem>>) offsets(%dma_start3A_686 : memref<128xi32, #tpu.memory_space<vmem>>) semaphore(%arg8 : memref<!tpu.dma_semaphore, #tpu.memory_space<semaphore_mem>>)
    %dma_wait3A_690 = arith.constant 38 : i32
    %dma_wait3A_691 = arith.constant 0 : i32
    %dma_wait3A_692 = tpu.memref_slice %arg5[%dma_wait3A_690, %dma_wait3A_691] : memref<40x128xi32, #tpu.memory_space<vmem>> -> memref<1x128xi32, #tpu.memory_space<vmem>>
    %dma_wait3A_693 = tpu.memref_squeeze %dma_wait3A_692 : memref<1x128xi32, #tpu.memory_space<vmem>> -> memref<128xi32, #tpu.memory_space<vmem>>
    %dma_wait3A_694 = arith.constant 0 : i32
    %dma_wait3A_695 = arith.constant 0 : i32
    %dma_wait3A_696 = tpu.memref_slice %arg2[%dma_wait3A_694, %dma_wait3A_695] : memref<1984x128xf32, #tpu.memory_space<hbm>> -> memref<1984x128xf32, #tpu.memory_space<hbm>>
    tpu.wait_indirect_dma semaphore(%arg8 : memref<!tpu.dma_semaphore, #tpu.memory_space<semaphore_mem>>) src(%dma_wait3A_696 : memref<1984x128xf32, #tpu.memory_space<hbm>>) dst(%arg6 : memref<128x128xf32, #tpu.memory_space<vmem>>)
    %mul3A_697 = arith.constant 5120 : i32
    %mul3A_698 = arith.muli %add3A, %mul3A_697 : i32
    %add3A_699 = arith.constant 4864 : i32
    %add3A_700 = arith.addi %mul3A_698, %add3A_699 : i32
    "tpu.region"() ({
      %run_scoped3A = tpu.sem_alloc : memref<!tpu.dma_semaphore, #tpu.memory_space<semaphore_mem>>
      %dma_start3A_719 = arith.constant 0 : i32
      %dma_start3A_720 = tpu.memref_slice %arg4[%add3A_700, %dma_start3A_719] : memref<163840x128xf32, #tpu.memory_space<hbm>> -> memref<128x128xf32, #tpu.memory_space<hbm>>
      %dma_start3A_721 = arith.constant 0 : i32
      %dma_start3A_722 = tpu.memref_slice %arg4[%add3A_700, %dma_start3A_721] : memref<163840x128xf32, #tpu.memory_space<hbm>> -> memref<128x128xf32, #tpu.memory_space<hbm>>
      tpu.enqueue_dma source(%arg6 : memref<128x128xf32, #tpu.memory_space<vmem>>) target(%dma_start3A_722 : memref<128x128xf32, #tpu.memory_space<hbm>>) target_semaphore(%run_scoped3A : memref<!tpu.dma_semaphore, #tpu.memory_space<semaphore_mem>>)
      %dma_wait3A_723 = arith.constant 0 : i32
      %dma_wait3A_724 = tpu.memref_slice %arg4[%add3A_700, %dma_wait3A_723] : memref<163840x128xf32, #tpu.memory_space<hbm>> -> memref<128x128xf32, #tpu.memory_space<hbm>>
      %dma_wait3A_725 = arith.constant 0 : i32
      %dma_wait3A_726 = tpu.memref_slice %arg4[%add3A_700, %dma_wait3A_725] : memref<163840x128xf32, #tpu.memory_space<hbm>> -> memref<128x128xf32, #tpu.memory_space<hbm>>
      tpu.wait_dma2 semaphore(%run_scoped3A : memref<!tpu.dma_semaphore, #tpu.memory_space<semaphore_mem>>) src(%arg6 : memref<128x128xf32, #tpu.memory_space<vmem>>) dst(%dma_wait3A_726 : memref<128x128xf32, #tpu.memory_space<hbm>>)
      tpu.yield
    }) : () -> ()
    %dma_start3A_701 = arith.constant 39 : i32
    %dma_start3A_702 = arith.constant 0 : i32
    %dma_start3A_703 = tpu.memref_slice %arg5[%dma_start3A_701, %dma_start3A_702] : memref<40x128xi32, #tpu.memory_space<vmem>> -> memref<1x128xi32, #tpu.memory_space<vmem>>
    %dma_start3A_704 = tpu.memref_squeeze %dma_start3A_703 : memref<1x128xi32, #tpu.memory_space<vmem>> -> memref<128xi32, #tpu.memory_space<vmem>>
    %dma_start3A_705 = arith.constant 0 : i32
    %dma_start3A_706 = arith.constant 0 : i32
    %dma_start3A_707 = tpu.memref_slice %arg2[%dma_start3A_705, %dma_start3A_706] : memref<1984x128xf32, #tpu.memory_space<hbm>> -> memref<1984x128xf32, #tpu.memory_space<hbm>>
    tpu.enqueue_indirect_dma source(%dma_start3A_707 : memref<1984x128xf32, #tpu.memory_space<hbm>>) target(%arg7 : memref<128x128xf32, #tpu.memory_space<vmem>>) offsets(%dma_start3A_704 : memref<128xi32, #tpu.memory_space<vmem>>) semaphore(%arg9 : memref<!tpu.dma_semaphore, #tpu.memory_space<semaphore_mem>>)
    %dma_wait3A_708 = arith.constant 39 : i32
    %dma_wait3A_709 = arith.constant 0 : i32
    %dma_wait3A_710 = tpu.memref_slice %arg5[%dma_wait3A_708, %dma_wait3A_709] : memref<40x128xi32, #tpu.memory_space<vmem>> -> memref<1x128xi32, #tpu.memory_space<vmem>>
    %dma_wait3A_711 = tpu.memref_squeeze %dma_wait3A_710 : memref<1x128xi32, #tpu.memory_space<vmem>> -> memref<128xi32, #tpu.memory_space<vmem>>
    %dma_wait3A_712 = arith.constant 0 : i32
    %dma_wait3A_713 = arith.constant 0 : i32
    %dma_wait3A_714 = tpu.memref_slice %arg2[%dma_wait3A_712, %dma_wait3A_713] : memref<1984x128xf32, #tpu.memory_space<hbm>> -> memref<1984x128xf32, #tpu.memory_space<hbm>>
    tpu.wait_indirect_dma semaphore(%arg9 : memref<!tpu.dma_semaphore, #tpu.memory_space<semaphore_mem>>) src(%dma_wait3A_714 : memref<1984x128xf32, #tpu.memory_space<hbm>>) dst(%arg7 : memref<128x128xf32, #tpu.memory_space<vmem>>)
    %mul3A_715 = arith.constant 5120 : i32
    %mul3A_716 = arith.muli %add3A, %mul3A_715 : i32
    %add3A_717 = arith.constant 4992 : i32
    %add3A_718 = arith.addi %mul3A_716, %add3A_717 : i32
    "tpu.region"() ({
      %run_scoped3A = tpu.sem_alloc : memref<!tpu.dma_semaphore, #tpu.memory_space<semaphore_mem>>
      %dma_start3A_719 = arith.constant 0 : i32
      %dma_start3A_720 = tpu.memref_slice %arg4[%add3A_718, %dma_start3A_719] : memref<163840x128xf32, #tpu.memory_space<hbm>> -> memref<128x128xf32, #tpu.memory_space<hbm>>
      %dma_start3A_721 = arith.constant 0 : i32
      %dma_start3A_722 = tpu.memref_slice %arg4[%add3A_718, %dma_start3A_721] : memref<163840x128xf32, #tpu.memory_space<hbm>> -> memref<128x128xf32, #tpu.memory_space<hbm>>
      tpu.enqueue_dma source(%arg7 : memref<128x128xf32, #tpu.memory_space<vmem>>) target(%dma_start3A_722 : memref<128x128xf32, #tpu.memory_space<hbm>>) target_semaphore(%run_scoped3A : memref<!tpu.dma_semaphore, #tpu.memory_space<semaphore_mem>>)
      %dma_wait3A_723 = arith.constant 0 : i32
      %dma_wait3A_724 = tpu.memref_slice %arg4[%add3A_718, %dma_wait3A_723] : memref<163840x128xf32, #tpu.memory_space<hbm>> -> memref<128x128xf32, #tpu.memory_space<hbm>>
      %dma_wait3A_725 = arith.constant 0 : i32
      %dma_wait3A_726 = tpu.memref_slice %arg4[%add3A_718, %dma_wait3A_725] : memref<163840x128xf32, #tpu.memory_space<hbm>> -> memref<128x128xf32, #tpu.memory_space<hbm>>
      tpu.wait_dma2 semaphore(%run_scoped3A : memref<!tpu.dma_semaphore, #tpu.memory_space<semaphore_mem>>) src(%arg7 : memref<128x128xf32, #tpu.memory_space<vmem>>) dst(%dma_wait3A_726 : memref<128x128xf32, #tpu.memory_space<hbm>>)
      tpu.yield
    }) : () -> ()
    return
  }
}

module attributes {stable_mosaic.version = 14 : i64} {
  func.func @_tile_kernel(%arg0: i32, %arg1: memref<8x2048xf32, #tpu.memory_space<vmem>>, %arg2: memref<96x128xbf16, #tpu.memory_space<vmem>>, %arg3: memref<16384x128xf32, #tpu.memory_space<vmem>>) attributes {dimension_semantics = [#tpu.dimension_semantics<arbitrary>], iteration_bounds = array<i64: 40>, scalar_prefetch = 0 : i64, scratch_operands = 0 : i64, tpu.core_type = #tpu.core_type<tc>, window_params = [{transform_indices = @transform_0, window_bounds = array<i64: 8, 2048>}, {pipeline_mode = #tpu.pipeline_mode<synchronous>, transform_indices = @transform_1, window_bounds = array<i64: 96, 128>}, {transform_indices = @transform_2, window_bounds = array<i64: 16384, 128>}]} {
    %get3A = arith.constant 0 : index
    %get3A_0 = arith.constant 0 : index
    %get3A_1 = vector.load %arg1[%get3A, %get3A_0] : memref<8x2048xf32, #tpu.memory_space<vmem>>, vector<8x2048xf32>
    %jit3A = arith.constant 1.000000e-10 : f32
    %jit3A_2 = arith.constant 1.000000e+20 : f32
    %max3A = vector.broadcast %jit3A : f32 to vector<8x2048xf32>
    %max3A_3 = arith.maximumf %max3A, %get3A_1 : vector<8x2048xf32>
    %min3A = vector.broadcast %jit3A_2 : f32 to vector<8x2048xf32>
    %min3A_4 = arith.minimumf %min3A, %max3A_3 : vector<8x2048xf32>
    %add3A = arith.constant 1.000000e-10 : f32
    %add3A_5 = vector.broadcast %add3A : f32 to vector<8x2048xf32>
    %add3A_6 = arith.addf %min3A_4, %add3A_5 : vector<8x2048xf32>
    %log3A = math.log %add3A_6 : vector<8x2048xf32>
    %mul3A = arith.constant 0.434294492 : f32
    %mul3A_7 = vector.broadcast %mul3A : f32 to vector<8x2048xf32>
    %mul3A_8 = arith.mulf %log3A, %mul3A_7 : vector<8x2048xf32>
    %floor3A = math.floor %mul3A_8 : vector<8x2048xf32>
    %mul3A_9 = arith.constant 2.30258512 : f32
    %mul3A_10 = vector.broadcast %mul3A_9 : f32 to vector<8x2048xf32>
    %mul3A_11 = arith.mulf %floor3A, %mul3A_10 : vector<8x2048xf32>
    %exp3A = math.exp %mul3A_11 : vector<8x2048xf32>
    %div3A = arith.divf %min3A_4, %exp3A : vector<8x2048xf32>
    %sub3A = arith.constant -1.000000e+01 : f32
    %sub3A_12 = vector.broadcast %sub3A : f32 to vector<8x2048xf32>
    %sub3A_13 = arith.subf %floor3A, %sub3A_12 : vector<8x2048xf32>
    %convert_element_type3A = arith.fptosi %sub3A_13 : vector<8x2048xf32> to vector<8x2048xi32>
    %ne3A = arith.constant 0.000000e+00 : f32
    %ne3A_14 = vector.broadcast %ne3A : f32 to vector<8x2048xf32>
    %ne3A_15 = arith.cmpf one, %get3A_1, %ne3A_14 : vector<8x2048xf32>
    %convert_element_type3A_16 = arith.extui %ne3A_15 : vector<8x2048xi1> to vector<8x2048xi32>
    %convert_element_type3A_17 = arith.sitofp %convert_element_type3A_16 : vector<8x2048xi32> to vector<8x2048xf32>
    %iota3A = tpu.iota {dimensions = array<i32: 0>} : vector<32x2048xi32>
    %iota3A_18 = tpu.iota {dimensions = array<i32: 0>} : vector<64x2048xi32>
    %convert_element_type3A_19 = arith.sitofp %iota3A_18 : vector<64x2048xi32> to vector<64x2048xf32>
    %mul3A_20 = arith.constant 0.317460328 : f32
    %mul3A_21 = vector.broadcast %mul3A_20 : f32 to vector<64x2048xf32>
    %mul3A_22 = arith.mulf %convert_element_type3A_19, %mul3A_21 : vector<64x2048xf32>
    %sub3A_23 = arith.constant 1.000000e+01 : f32
    %sub3A_24 = vector.broadcast %sub3A_23 : f32 to vector<64x2048xf32>
    %sub3A_25 = arith.subf %mul3A_22, %sub3A_24 : vector<64x2048xf32>
    %get3A_26 = arith.constant 0 : index
    %get3A_27 = arith.constant 0 : index
    %get3A_28 = vector.load %arg2[%get3A_26, %get3A_27] : memref<96x128xbf16, #tpu.memory_space<vmem>>, vector<96x128xbf16>
    %slice3A = vector.extract_strided_slice %convert_element_type3A {offsets = [0, 0], sizes = [1, 2048], strides = [1, 1]} : vector<8x2048xi32> to vector<1x2048xi32>
    %broadcast_in_dim3A = vector.shape_cast %slice3A : vector<1x2048xi32> to vector<1x2048xi32>
    %broadcast_in_dim3A_29 = vector.broadcast %broadcast_in_dim3A : vector<1x2048xi32> to vector<32x2048xi32>
    %slice3A_30 = vector.extract_strided_slice %div3A {offsets = [0, 0], sizes = [1, 2048], strides = [1, 1]} : vector<8x2048xf32> to vector<1x2048xf32>
    %broadcast_in_dim3A_31 = vector.shape_cast %slice3A_30 : vector<1x2048xf32> to vector<1x2048xf32>
    %broadcast_in_dim3A_32 = vector.broadcast %broadcast_in_dim3A_31 : vector<1x2048xf32> to vector<64x2048xf32>
    %slice3A_33 = vector.extract_strided_slice %convert_element_type3A_17 {offsets = [0, 0], sizes = [1, 2048], strides = [1, 1]} : vector<8x2048xf32> to vector<1x2048xf32>
    %broadcast_in_dim3A_34 = vector.shape_cast %slice3A_33 : vector<1x2048xf32> to vector<1x2048xf32>
    %broadcast_in_dim3A_35 = vector.broadcast %broadcast_in_dim3A_34 : vector<1x2048xf32> to vector<96x2048xf32>
    %eq3A = arith.cmpi eq, %iota3A, %broadcast_in_dim3A_29 : vector<32x2048xi32>
    %convert_element_type3A_36 = arith.extui %eq3A : vector<32x2048xi1> to vector<32x2048xi32>
    %convert_element_type3A_37 = arith.sitofp %convert_element_type3A_36 : vector<32x2048xi32> to vector<32x2048xf32>
    %sub3A_38 = arith.subf %broadcast_in_dim3A_32, %sub3A_25 : vector<64x2048xf32>
    %neg3A = arith.constant 0.000000e+00 : f32
    %neg3A_39 = vector.broadcast %neg3A : f32 to vector<64x2048xf32>
    %neg3A_40 = arith.subf %neg3A_39, %sub3A_38 : vector<64x2048xf32>
    %mul3A_41 = arith.mulf %neg3A_40, %sub3A_38 : vector<64x2048xf32>
    %exp3A_42 = math.exp %mul3A_41 : vector<64x2048xf32>
    %concatenate3A = tpu.concatenate %convert_element_type3A_37, %exp3A_42 in 0 : vector<32x2048xf32>, vector<64x2048xf32> -> vector<96x2048xf32>
    %mul3A_43 = arith.mulf %concatenate3A, %broadcast_in_dim3A_35 : vector<96x2048xf32>
    %convert_element_type3A_44 = arith.truncf %mul3A_43 : vector<96x2048xf32> to vector<96x2048xbf16>
    %dot_general3A = arith.constant dense<0.000000e+00> : vector<2048x128xf32>
    %dot_general3A_45 = tpu.matmul %convert_element_type3A_44, %get3A_28, %dot_general3A {dimension_numbers = #tpu.dot_dimension_numbers<[0], [0], [1], [1], [0, 1, 1, 1], [], []>, transpose_lhs_hint = false} : vector<96x2048xbf16>, vector<96x128xbf16>, vector<2048x128xf32> -> vector<2048x128xf32>
    %swap3A = arith.constant 0 : index
    %swap3A_46 = arith.constant 0 : index
    %swap3A_47 = vector.load %arg3[%swap3A, %swap3A_46] : memref<16384x128xf32, #tpu.memory_space<vmem>>, vector<2048x128xf32>
    tpu.vector_store %arg3[%swap3A, %swap3A_46], %dot_general3A_45 {strides = array<i32>} : memref<16384x128xf32, #tpu.memory_space<vmem>>, vector<2048x128xf32>,
    %slice3A_48 = vector.extract_strided_slice %convert_element_type3A {offsets = [1, 0], sizes = [1, 2048], strides = [1, 1]} : vector<8x2048xi32> to vector<1x2048xi32>
    %broadcast_in_dim3A_49 = vector.shape_cast %slice3A_48 : vector<1x2048xi32> to vector<1x2048xi32>
    %broadcast_in_dim3A_50 = vector.broadcast %broadcast_in_dim3A_49 : vector<1x2048xi32> to vector<32x2048xi32>
    %slice3A_51 = vector.extract_strided_slice %div3A {offsets = [1, 0], sizes = [1, 2048], strides = [1, 1]} : vector<8x2048xf32> to vector<1x2048xf32>
    %broadcast_in_dim3A_52 = vector.shape_cast %slice3A_51 : vector<1x2048xf32> to vector<1x2048xf32>
    %broadcast_in_dim3A_53 = vector.broadcast %broadcast_in_dim3A_52 : vector<1x2048xf32> to vector<64x2048xf32>
    %slice3A_54 = vector.extract_strided_slice %convert_element_type3A_17 {offsets = [1, 0], sizes = [1, 2048], strides = [1, 1]} : vector<8x2048xf32> to vector<1x2048xf32>
    %broadcast_in_dim3A_55 = vector.shape_cast %slice3A_54 : vector<1x2048xf32> to vector<1x2048xf32>
    %broadcast_in_dim3A_56 = vector.broadcast %broadcast_in_dim3A_55 : vector<1x2048xf32> to vector<96x2048xf32>
    %eq3A_57 = arith.cmpi eq, %iota3A, %broadcast_in_dim3A_50 : vector<32x2048xi32>
    %convert_element_type3A_58 = arith.extui %eq3A_57 : vector<32x2048xi1> to vector<32x2048xi32>
    %convert_element_type3A_59 = arith.sitofp %convert_element_type3A_58 : vector<32x2048xi32> to vector<32x2048xf32>
    %sub3A_60 = arith.subf %broadcast_in_dim3A_53, %sub3A_25 : vector<64x2048xf32>
    %neg3A_61 = arith.constant 0.000000e+00 : f32
    %neg3A_62 = vector.broadcast %neg3A_61 : f32 to vector<64x2048xf32>
    %neg3A_63 = arith.subf %neg3A_62, %sub3A_60 : vector<64x2048xf32>
    %mul3A_64 = arith.mulf %neg3A_63, %sub3A_60 : vector<64x2048xf32>
    %exp3A_65 = math.exp %mul3A_64 : vector<64x2048xf32>
    %concatenate3A_66 = tpu.concatenate %convert_element_type3A_59, %exp3A_65 in 0 : vector<32x2048xf32>, vector<64x2048xf32> -> vector<96x2048xf32>
    %mul3A_67 = arith.mulf %concatenate3A_66, %broadcast_in_dim3A_56 : vector<96x2048xf32>
    %convert_element_type3A_68 = arith.truncf %mul3A_67 : vector<96x2048xf32> to vector<96x2048xbf16>
    %dot_general3A_69 = arith.constant dense<0.000000e+00> : vector<2048x128xf32>
    %dot_general3A_70 = tpu.matmul %convert_element_type3A_68, %get3A_28, %dot_general3A_69 {dimension_numbers = #tpu.dot_dimension_numbers<[0], [0], [1], [1], [0, 1, 1, 1], [], []>, transpose_lhs_hint = false} : vector<96x2048xbf16>, vector<96x128xbf16>, vector<2048x128xf32> -> vector<2048x128xf32>
    %swap3A_71 = arith.constant 2048 : index
    %swap3A_72 = arith.constant 0 : index
    %swap3A_73 = vector.load %arg3[%swap3A_71, %swap3A_72] : memref<16384x128xf32, #tpu.memory_space<vmem>>, vector<2048x128xf32>
    tpu.vector_store %arg3[%swap3A_71, %swap3A_72], %dot_general3A_70 {strides = array<i32>} : memref<16384x128xf32, #tpu.memory_space<vmem>>, vector<2048x128xf32>,
    %slice3A_74 = vector.extract_strided_slice %convert_element_type3A {offsets = [2, 0], sizes = [1, 2048], strides = [1, 1]} : vector<8x2048xi32> to vector<1x2048xi32>
    %broadcast_in_dim3A_75 = vector.shape_cast %slice3A_74 : vector<1x2048xi32> to vector<1x2048xi32>
    %broadcast_in_dim3A_76 = vector.broadcast %broadcast_in_dim3A_75 : vector<1x2048xi32> to vector<32x2048xi32>
    %slice3A_77 = vector.extract_strided_slice %div3A {offsets = [2, 0], sizes = [1, 2048], strides = [1, 1]} : vector<8x2048xf32> to vector<1x2048xf32>
    %broadcast_in_dim3A_78 = vector.shape_cast %slice3A_77 : vector<1x2048xf32> to vector<1x2048xf32>
    %broadcast_in_dim3A_79 = vector.broadcast %broadcast_in_dim3A_78 : vector<1x2048xf32> to vector<64x2048xf32>
    %slice3A_80 = vector.extract_strided_slice %convert_element_type3A_17 {offsets = [2, 0], sizes = [1, 2048], strides = [1, 1]} : vector<8x2048xf32> to vector<1x2048xf32>
    %broadcast_in_dim3A_81 = vector.shape_cast %slice3A_80 : vector<1x2048xf32> to vector<1x2048xf32>
    %broadcast_in_dim3A_82 = vector.broadcast %broadcast_in_dim3A_81 : vector<1x2048xf32> to vector<96x2048xf32>
    %eq3A_83 = arith.cmpi eq, %iota3A, %broadcast_in_dim3A_76 : vector<32x2048xi32>
    %convert_element_type3A_84 = arith.extui %eq3A_83 : vector<32x2048xi1> to vector<32x2048xi32>
    %convert_element_type3A_85 = arith.sitofp %convert_element_type3A_84 : vector<32x2048xi32> to vector<32x2048xf32>
    %sub3A_86 = arith.subf %broadcast_in_dim3A_79, %sub3A_25 : vector<64x2048xf32>
    %neg3A_87 = arith.constant 0.000000e+00 : f32
    %neg3A_88 = vector.broadcast %neg3A_87 : f32 to vector<64x2048xf32>
    %neg3A_89 = arith.subf %neg3A_88, %sub3A_86 : vector<64x2048xf32>
    %mul3A_90 = arith.mulf %neg3A_89, %sub3A_86 : vector<64x2048xf32>
    %exp3A_91 = math.exp %mul3A_90 : vector<64x2048xf32>
    %concatenate3A_92 = tpu.concatenate %convert_element_type3A_85, %exp3A_91 in 0 : vector<32x2048xf32>, vector<64x2048xf32> -> vector<96x2048xf32>
    %mul3A_93 = arith.mulf %concatenate3A_92, %broadcast_in_dim3A_82 : vector<96x2048xf32>
    %convert_element_type3A_94 = arith.truncf %mul3A_93 : vector<96x2048xf32> to vector<96x2048xbf16>
    %dot_general3A_95 = arith.constant dense<0.000000e+00> : vector<2048x128xf32>
    %dot_general3A_96 = tpu.matmul %convert_element_type3A_94, %get3A_28, %dot_general3A_95 {dimension_numbers = #tpu.dot_dimension_numbers<[0], [0], [1], [1], [0, 1, 1, 1], [], []>, transpose_lhs_hint = false} : vector<96x2048xbf16>, vector<96x128xbf16>, vector<2048x128xf32> -> vector<2048x128xf32>
    %swap3A_97 = arith.constant 4096 : index
    %swap3A_98 = arith.constant 0 : index
    %swap3A_99 = vector.load %arg3[%swap3A_97, %swap3A_98] : memref<16384x128xf32, #tpu.memory_space<vmem>>, vector<2048x128xf32>
    tpu.vector_store %arg3[%swap3A_97, %swap3A_98], %dot_general3A_96 {strides = array<i32>} : memref<16384x128xf32, #tpu.memory_space<vmem>>, vector<2048x128xf32>,
    %slice3A_100 = vector.extract_strided_slice %convert_element_type3A {offsets = [3, 0], sizes = [1, 2048], strides = [1, 1]} : vector<8x2048xi32> to vector<1x2048xi32>
    %broadcast_in_dim3A_101 = vector.shape_cast %slice3A_100 : vector<1x2048xi32> to vector<1x2048xi32>
    %broadcast_in_dim3A_102 = vector.broadcast %broadcast_in_dim3A_101 : vector<1x2048xi32> to vector<32x2048xi32>
    %slice3A_103 = vector.extract_strided_slice %div3A {offsets = [3, 0], sizes = [1, 2048], strides = [1, 1]} : vector<8x2048xf32> to vector<1x2048xf32>
    %broadcast_in_dim3A_104 = vector.shape_cast %slice3A_103 : vector<1x2048xf32> to vector<1x2048xf32>
    %broadcast_in_dim3A_105 = vector.broadcast %broadcast_in_dim3A_104 : vector<1x2048xf32> to vector<64x2048xf32>
    %slice3A_106 = vector.extract_strided_slice %convert_element_type3A_17 {offsets = [3, 0], sizes = [1, 2048], strides = [1, 1]} : vector<8x2048xf32> to vector<1x2048xf32>
    %broadcast_in_dim3A_107 = vector.shape_cast %slice3A_106 : vector<1x2048xf32> to vector<1x2048xf32>
    %broadcast_in_dim3A_108 = vector.broadcast %broadcast_in_dim3A_107 : vector<1x2048xf32> to vector<96x2048xf32>
    %eq3A_109 = arith.cmpi eq, %iota3A, %broadcast_in_dim3A_102 : vector<32x2048xi32>
    %convert_element_type3A_110 = arith.extui %eq3A_109 : vector<32x2048xi1> to vector<32x2048xi32>
    %convert_element_type3A_111 = arith.sitofp %convert_element_type3A_110 : vector<32x2048xi32> to vector<32x2048xf32>
    %sub3A_112 = arith.subf %broadcast_in_dim3A_105, %sub3A_25 : vector<64x2048xf32>
    %neg3A_113 = arith.constant 0.000000e+00 : f32
    %neg3A_114 = vector.broadcast %neg3A_113 : f32 to vector<64x2048xf32>
    %neg3A_115 = arith.subf %neg3A_114, %sub3A_112 : vector<64x2048xf32>
    %mul3A_116 = arith.mulf %neg3A_115, %sub3A_112 : vector<64x2048xf32>
    %exp3A_117 = math.exp %mul3A_116 : vector<64x2048xf32>
    %concatenate3A_118 = tpu.concatenate %convert_element_type3A_111, %exp3A_117 in 0 : vector<32x2048xf32>, vector<64x2048xf32> -> vector<96x2048xf32>
    %mul3A_119 = arith.mulf %concatenate3A_118, %broadcast_in_dim3A_108 : vector<96x2048xf32>
    %convert_element_type3A_120 = arith.truncf %mul3A_119 : vector<96x2048xf32> to vector<96x2048xbf16>
    %dot_general3A_121 = arith.constant dense<0.000000e+00> : vector<2048x128xf32>
    %dot_general3A_122 = tpu.matmul %convert_element_type3A_120, %get3A_28, %dot_general3A_121 {dimension_numbers = #tpu.dot_dimension_numbers<[0], [0], [1], [1], [0, 1, 1, 1], [], []>, transpose_lhs_hint = false} : vector<96x2048xbf16>, vector<96x128xbf16>, vector<2048x128xf32> -> vector<2048x128xf32>
    %swap3A_123 = arith.constant 6144 : index
    %swap3A_124 = arith.constant 0 : index
    %swap3A_125 = vector.load %arg3[%swap3A_123, %swap3A_124] : memref<16384x128xf32, #tpu.memory_space<vmem>>, vector<2048x128xf32>
    tpu.vector_store %arg3[%swap3A_123, %swap3A_124], %dot_general3A_122 {strides = array<i32>} : memref<16384x128xf32, #tpu.memory_space<vmem>>, vector<2048x128xf32>,
    %slice3A_126 = vector.extract_strided_slice %convert_element_type3A {offsets = [4, 0], sizes = [1, 2048], strides = [1, 1]} : vector<8x2048xi32> to vector<1x2048xi32>
    %broadcast_in_dim3A_127 = vector.shape_cast %slice3A_126 : vector<1x2048xi32> to vector<1x2048xi32>
    %broadcast_in_dim3A_128 = vector.broadcast %broadcast_in_dim3A_127 : vector<1x2048xi32> to vector<32x2048xi32>
    %slice3A_129 = vector.extract_strided_slice %div3A {offsets = [4, 0], sizes = [1, 2048], strides = [1, 1]} : vector<8x2048xf32> to vector<1x2048xf32>
    %broadcast_in_dim3A_130 = vector.shape_cast %slice3A_129 : vector<1x2048xf32> to vector<1x2048xf32>
    %broadcast_in_dim3A_131 = vector.broadcast %broadcast_in_dim3A_130 : vector<1x2048xf32> to vector<64x2048xf32>
    %slice3A_132 = vector.extract_strided_slice %convert_element_type3A_17 {offsets = [4, 0], sizes = [1, 2048], strides = [1, 1]} : vector<8x2048xf32> to vector<1x2048xf32>
    %broadcast_in_dim3A_133 = vector.shape_cast %slice3A_132 : vector<1x2048xf32> to vector<1x2048xf32>
    %broadcast_in_dim3A_134 = vector.broadcast %broadcast_in_dim3A_133 : vector<1x2048xf32> to vector<96x2048xf32>
    %eq3A_135 = arith.cmpi eq, %iota3A, %broadcast_in_dim3A_128 : vector<32x2048xi32>
    %convert_element_type3A_136 = arith.extui %eq3A_135 : vector<32x2048xi1> to vector<32x2048xi32>
    %convert_element_type3A_137 = arith.sitofp %convert_element_type3A_136 : vector<32x2048xi32> to vector<32x2048xf32>
    %sub3A_138 = arith.subf %broadcast_in_dim3A_131, %sub3A_25 : vector<64x2048xf32>
    %neg3A_139 = arith.constant 0.000000e+00 : f32
    %neg3A_140 = vector.broadcast %neg3A_139 : f32 to vector<64x2048xf32>
    %neg3A_141 = arith.subf %neg3A_140, %sub3A_138 : vector<64x2048xf32>
    %mul3A_142 = arith.mulf %neg3A_141, %sub3A_138 : vector<64x2048xf32>
    %exp3A_143 = math.exp %mul3A_142 : vector<64x2048xf32>
    %concatenate3A_144 = tpu.concatenate %convert_element_type3A_137, %exp3A_143 in 0 : vector<32x2048xf32>, vector<64x2048xf32> -> vector<96x2048xf32>
    %mul3A_145 = arith.mulf %concatenate3A_144, %broadcast_in_dim3A_134 : vector<96x2048xf32>
    %convert_element_type3A_146 = arith.truncf %mul3A_145 : vector<96x2048xf32> to vector<96x2048xbf16>
    %dot_general3A_147 = arith.constant dense<0.000000e+00> : vector<2048x128xf32>
    %dot_general3A_148 = tpu.matmul %convert_element_type3A_146, %get3A_28, %dot_general3A_147 {dimension_numbers = #tpu.dot_dimension_numbers<[0], [0], [1], [1], [0, 1, 1, 1], [], []>, transpose_lhs_hint = false} : vector<96x2048xbf16>, vector<96x128xbf16>, vector<2048x128xf32> -> vector<2048x128xf32>
    %swap3A_149 = arith.constant 8192 : index
    %swap3A_150 = arith.constant 0 : index
    %swap3A_151 = vector.load %arg3[%swap3A_149, %swap3A_150] : memref<16384x128xf32, #tpu.memory_space<vmem>>, vector<2048x128xf32>
    tpu.vector_store %arg3[%swap3A_149, %swap3A_150], %dot_general3A_148 {strides = array<i32>} : memref<16384x128xf32, #tpu.memory_space<vmem>>, vector<2048x128xf32>,
    %slice3A_152 = vector.extract_strided_slice %convert_element_type3A {offsets = [5, 0], sizes = [1, 2048], strides = [1, 1]} : vector<8x2048xi32> to vector<1x2048xi32>
    %broadcast_in_dim3A_153 = vector.shape_cast %slice3A_152 : vector<1x2048xi32> to vector<1x2048xi32>
    %broadcast_in_dim3A_154 = vector.broadcast %broadcast_in_dim3A_153 : vector<1x2048xi32> to vector<32x2048xi32>
    %slice3A_155 = vector.extract_strided_slice %div3A {offsets = [5, 0], sizes = [1, 2048], strides = [1, 1]} : vector<8x2048xf32> to vector<1x2048xf32>
    %broadcast_in_dim3A_156 = vector.shape_cast %slice3A_155 : vector<1x2048xf32> to vector<1x2048xf32>
    %broadcast_in_dim3A_157 = vector.broadcast %broadcast_in_dim3A_156 : vector<1x2048xf32> to vector<64x2048xf32>
    %slice3A_158 = vector.extract_strided_slice %convert_element_type3A_17 {offsets = [5, 0], sizes = [1, 2048], strides = [1, 1]} : vector<8x2048xf32> to vector<1x2048xf32>
    %broadcast_in_dim3A_159 = vector.shape_cast %slice3A_158 : vector<1x2048xf32> to vector<1x2048xf32>
    %broadcast_in_dim3A_160 = vector.broadcast %broadcast_in_dim3A_159 : vector<1x2048xf32> to vector<96x2048xf32>
    %eq3A_161 = arith.cmpi eq, %iota3A, %broadcast_in_dim3A_154 : vector<32x2048xi32>
    %convert_element_type3A_162 = arith.extui %eq3A_161 : vector<32x2048xi1> to vector<32x2048xi32>
    %convert_element_type3A_163 = arith.sitofp %convert_element_type3A_162 : vector<32x2048xi32> to vector<32x2048xf32>
    %sub3A_164 = arith.subf %broadcast_in_dim3A_157, %sub3A_25 : vector<64x2048xf32>
    %neg3A_165 = arith.constant 0.000000e+00 : f32
    %neg3A_166 = vector.broadcast %neg3A_165 : f32 to vector<64x2048xf32>
    %neg3A_167 = arith.subf %neg3A_166, %sub3A_164 : vector<64x2048xf32>
    %mul3A_168 = arith.mulf %neg3A_167, %sub3A_164 : vector<64x2048xf32>
    %exp3A_169 = math.exp %mul3A_168 : vector<64x2048xf32>
    %concatenate3A_170 = tpu.concatenate %convert_element_type3A_163, %exp3A_169 in 0 : vector<32x2048xf32>, vector<64x2048xf32> -> vector<96x2048xf32>
    %mul3A_171 = arith.mulf %concatenate3A_170, %broadcast_in_dim3A_160 : vector<96x2048xf32>
    %convert_element_type3A_172 = arith.truncf %mul3A_171 : vector<96x2048xf32> to vector<96x2048xbf16>
    %dot_general3A_173 = arith.constant dense<0.000000e+00> : vector<2048x128xf32>
    %dot_general3A_174 = tpu.matmul %convert_element_type3A_172, %get3A_28, %dot_general3A_173 {dimension_numbers = #tpu.dot_dimension_numbers<[0], [0], [1], [1], [0, 1, 1, 1], [], []>, transpose_lhs_hint = false} : vector<96x2048xbf16>, vector<96x128xbf16>, vector<2048x128xf32> -> vector<2048x128xf32>
    %swap3A_175 = arith.constant 10240 : index
    %swap3A_176 = arith.constant 0 : index
    %swap3A_177 = vector.load %arg3[%swap3A_175, %swap3A_176] : memref<16384x128xf32, #tpu.memory_space<vmem>>, vector<2048x128xf32>
    tpu.vector_store %arg3[%swap3A_175, %swap3A_176], %dot_general3A_174 {strides = array<i32>} : memref<16384x128xf32, #tpu.memory_space<vmem>>, vector<2048x128xf32>,
    %slice3A_178 = vector.extract_strided_slice %convert_element_type3A {offsets = [6, 0], sizes = [1, 2048], strides = [1, 1]} : vector<8x2048xi32> to vector<1x2048xi32>
    %broadcast_in_dim3A_179 = vector.shape_cast %slice3A_178 : vector<1x2048xi32> to vector<1x2048xi32>
    %broadcast_in_dim3A_180 = vector.broadcast %broadcast_in_dim3A_179 : vector<1x2048xi32> to vector<32x2048xi32>
    %slice3A_181 = vector.extract_strided_slice %div3A {offsets = [6, 0], sizes = [1, 2048], strides = [1, 1]} : vector<8x2048xf32> to vector<1x2048xf32>
    %broadcast_in_dim3A_182 = vector.shape_cast %slice3A_181 : vector<1x2048xf32> to vector<1x2048xf32>
    %broadcast_in_dim3A_183 = vector.broadcast %broadcast_in_dim3A_182 : vector<1x2048xf32> to vector<64x2048xf32>
    %slice3A_184 = vector.extract_strided_slice %convert_element_type3A_17 {offsets = [6, 0], sizes = [1, 2048], strides = [1, 1]} : vector<8x2048xf32> to vector<1x2048xf32>
    %broadcast_in_dim3A_185 = vector.shape_cast %slice3A_184 : vector<1x2048xf32> to vector<1x2048xf32>
    %broadcast_in_dim3A_186 = vector.broadcast %broadcast_in_dim3A_185 : vector<1x2048xf32> to vector<96x2048xf32>
    %eq3A_187 = arith.cmpi eq, %iota3A, %broadcast_in_dim3A_180 : vector<32x2048xi32>
    %convert_element_type3A_188 = arith.extui %eq3A_187 : vector<32x2048xi1> to vector<32x2048xi32>
    %convert_element_type3A_189 = arith.sitofp %convert_element_type3A_188 : vector<32x2048xi32> to vector<32x2048xf32>
    %sub3A_190 = arith.subf %broadcast_in_dim3A_183, %sub3A_25 : vector<64x2048xf32>
    %neg3A_191 = arith.constant 0.000000e+00 : f32
    %neg3A_192 = vector.broadcast %neg3A_191 : f32 to vector<64x2048xf32>
    %neg3A_193 = arith.subf %neg3A_192, %sub3A_190 : vector<64x2048xf32>
    %mul3A_194 = arith.mulf %neg3A_193, %sub3A_190 : vector<64x2048xf32>
    %exp3A_195 = math.exp %mul3A_194 : vector<64x2048xf32>
    %concatenate3A_196 = tpu.concatenate %convert_element_type3A_189, %exp3A_195 in 0 : vector<32x2048xf32>, vector<64x2048xf32> -> vector<96x2048xf32>
    %mul3A_197 = arith.mulf %concatenate3A_196, %broadcast_in_dim3A_186 : vector<96x2048xf32>
    %convert_element_type3A_198 = arith.truncf %mul3A_197 : vector<96x2048xf32> to vector<96x2048xbf16>
    %dot_general3A_199 = arith.constant dense<0.000000e+00> : vector<2048x128xf32>
    %dot_general3A_200 = tpu.matmul %convert_element_type3A_198, %get3A_28, %dot_general3A_199 {dimension_numbers = #tpu.dot_dimension_numbers<[0], [0], [1], [1], [0, 1, 1, 1], [], []>, transpose_lhs_hint = false} : vector<96x2048xbf16>, vector<96x128xbf16>, vector<2048x128xf32> -> vector<2048x128xf32>
    %swap3A_201 = arith.constant 12288 : index
    %swap3A_202 = arith.constant 0 : index
    %swap3A_203 = vector.load %arg3[%swap3A_201, %swap3A_202] : memref<16384x128xf32, #tpu.memory_space<vmem>>, vector<2048x128xf32>
    tpu.vector_store %arg3[%swap3A_201, %swap3A_202], %dot_general3A_200 {strides = array<i32>} : memref<16384x128xf32, #tpu.memory_space<vmem>>, vector<2048x128xf32>,
    %slice3A_204 = vector.extract_strided_slice %convert_element_type3A {offsets = [7, 0], sizes = [1, 2048], strides = [1, 1]} : vector<8x2048xi32> to vector<1x2048xi32>
    %broadcast_in_dim3A_205 = vector.shape_cast %slice3A_204 : vector<1x2048xi32> to vector<1x2048xi32>
    %broadcast_in_dim3A_206 = vector.broadcast %broadcast_in_dim3A_205 : vector<1x2048xi32> to vector<32x2048xi32>
    %slice3A_207 = vector.extract_strided_slice %div3A {offsets = [7, 0], sizes = [1, 2048], strides = [1, 1]} : vector<8x2048xf32> to vector<1x2048xf32>
    %broadcast_in_dim3A_208 = vector.shape_cast %slice3A_207 : vector<1x2048xf32> to vector<1x2048xf32>
    %broadcast_in_dim3A_209 = vector.broadcast %broadcast_in_dim3A_208 : vector<1x2048xf32> to vector<64x2048xf32>
    %slice3A_210 = vector.extract_strided_slice %convert_element_type3A_17 {offsets = [7, 0], sizes = [1, 2048], strides = [1, 1]} : vector<8x2048xf32> to vector<1x2048xf32>
    %broadcast_in_dim3A_211 = vector.shape_cast %slice3A_210 : vector<1x2048xf32> to vector<1x2048xf32>
    %broadcast_in_dim3A_212 = vector.broadcast %broadcast_in_dim3A_211 : vector<1x2048xf32> to vector<96x2048xf32>
    %eq3A_213 = arith.cmpi eq, %iota3A, %broadcast_in_dim3A_206 : vector<32x2048xi32>
    %convert_element_type3A_214 = arith.extui %eq3A_213 : vector<32x2048xi1> to vector<32x2048xi32>
    %convert_element_type3A_215 = arith.sitofp %convert_element_type3A_214 : vector<32x2048xi32> to vector<32x2048xf32>
    %sub3A_216 = arith.subf %broadcast_in_dim3A_209, %sub3A_25 : vector<64x2048xf32>
    %neg3A_217 = arith.constant 0.000000e+00 : f32
    %neg3A_218 = vector.broadcast %neg3A_217 : f32 to vector<64x2048xf32>
    %neg3A_219 = arith.subf %neg3A_218, %sub3A_216 : vector<64x2048xf32>
    %mul3A_220 = arith.mulf %neg3A_219, %sub3A_216 : vector<64x2048xf32>
    %exp3A_221 = math.exp %mul3A_220 : vector<64x2048xf32>
    %concatenate3A_222 = tpu.concatenate %convert_element_type3A_215, %exp3A_221 in 0 : vector<32x2048xf32>, vector<64x2048xf32> -> vector<96x2048xf32>
    %mul3A_223 = arith.mulf %concatenate3A_222, %broadcast_in_dim3A_212 : vector<96x2048xf32>
    %convert_element_type3A_224 = arith.truncf %mul3A_223 : vector<96x2048xf32> to vector<96x2048xbf16>
    %dot_general3A_225 = arith.constant dense<0.000000e+00> : vector<2048x128xf32>
    %dot_general3A_226 = tpu.matmul %convert_element_type3A_224, %get3A_28, %dot_general3A_225 {dimension_numbers = #tpu.dot_dimension_numbers<[0], [0], [1], [1], [0, 1, 1, 1], [], []>, transpose_lhs_hint = false} : vector<96x2048xbf16>, vector<96x128xbf16>, vector<2048x128xf32> -> vector<2048x128xf32>
    %swap3A_227 = arith.constant 14336 : index
    %swap3A_228 = arith.constant 0 : index
    %swap3A_229 = vector.load %arg3[%swap3A_227, %swap3A_228] : memref<16384x128xf32, #tpu.memory_space<vmem>>, vector<2048x128xf32>
    tpu.vector_store %arg3[%swap3A_227, %swap3A_228], %dot_general3A_226 {strides = array<i32>} : memref<16384x128xf32, #tpu.memory_space<vmem>>, vector<2048x128xf32>,
    return
  }
  func.func @transform_0(%arg0: i32) -> (i32, i32) {
    %c0_i32 = arith.constant 0 : i32
    %c0_i32_0 = arith.constant 0 : i32
    return %arg0, %c0_i32 : i32, i32
  }
  func.func @transform_1(%arg0: i32) -> (i32, i32) {
    %c0_i32 = arith.constant 0 : i32
    %c0_i32_0 = arith.constant 0 : i32
    %c0_i32_1 = arith.constant 0 : i32
    return %c0_i32, %c0_i32_0 : i32, i32
  }
  func.func @transform_2(%arg0: i32) -> (i32, i32) {
    %c0_i32 = arith.constant 0 : i32
    %c0_i32_0 = arith.constant 0 : i32
    return %arg0, %c0_i32 : i32, i32
  }
}

</mosaic_0001>

<sc_bundles>
// kernel: kernel.4.cloned.1.call-start
scs
__scs_entry_jumppad:
0x0: {  	(pc) =	sbr.rel $0x88, $3  }
0x1: {  	(tag) =	ssettag $0x0;
	lr =	simm.s32 $0x1  }
0x2: {  	[smem:$0x3F9F] =	sst lr;
	_ =	strace $0xD0000000  }
0x3: {  	_ = 	snop  }
0x4: {  	_ = 	snop  }
0x5: {  	_ = 	snop  }
0x6: {  	_ = 	snop  }
0x7: {  	_ = 	snop  }
__scs_overlays_trampoline_lowered:
0x8: {  	[smem:$0x3FAE] =	sst s0  }
0x9: {  	[smem:$0x3FAF] =	sst s1  }
0xa: {  	[smem:$0x3FB0] =	sst s2  }
0xb: {  	[smem:$0x3FB1] =	sst s3  }
0xc: {  	[smem:$0x3FB2] =	sst s4  }
0xd: {  	[smem:$0x3FB3] =	sst s5  }
0xe: {  	[smem:$0x3FB4] =	sst s6  }
0xf: {  	[smem:$0x3FB5] =	sst s7  }
0x10: {  	[smem:$0x3FB6] =	sst s8  }
0x11: {  	[smem:$0x3FB7] =	sst s9;
	s0 =	simm.s32 @!p0 $0x0  }
0x12: {  	s1 =	sld [smem:$0x3F9D];
	s0 =	simm.s32 @p0 $0x1  }
0x13: {  	[smem:$0x3FB8] =	sst s0;
	s0 =	simm.s32 @!p1 $0x0  }
0x14: {  	s2 =	sld [smem:$0x3F9C];
	s0 =	simm.s32 @p1 $0x1  }
0x15: {  	[smem:$0x3FB9] =	sst s0;
	s0 =	simm.s32 @!p2 $0x0  }
0x16: {  	s3 =	sld [smem:$0x3FDB];
	s0 =	simm.s32 @p2 $0x1  }
0x17: {  	s4 =	simm.s32 $0x1BF5;
	[smem:$0x3FBB] =	sst s0  }
0x18: {  	s0 =	sld [smem:$0x3F9E];
	_ =	swait.ge [sflag:s4], $0x0  }
0x19: {  	s7 =	sld [smem:$0x3F9F]  }
0x1a: {  	s8 =	sadd.s32 $0xFFFFE003, lr  }
0x1b: {  	s9 =	sadd.s32 $0xFFFFFEF7, lr;
	s5 =	simm.s32 $0xFFFFFFFF;
	p2 =	slt.u32 s8, $0xFFFFF086  }
0x1c: {  	p1 =	slt.u32 s9, $0xF7A;
	s5 =	simm.s32 @!p2 $0x0  }
0x1d: {  	s5 =	simm.s32 @p1 $0x1;
	p0 =	seq.s32 s7, s2  }
0x1e: {  	s7 =	smul.u32 @!p0 $0xF7A, s2;
	p2 =	seq.s32 @!p0 s5, $0x0  }
0x1f: {  	s9 =	smul.u32 $0xF7A, s1;
	s8 =	simm.s32 @!p0 $0x1BF5;
	p2 =	por !p2, p0  }
0x20: {  	[sflag:s8] =	ssyncset.s32 @!p0 $0xFFFFF086;
	s6 =	sadd.s32 @!p0 s3, s7;
	s7 =	simm.s32 @!p0 $0x108  }
0x21: {  	s3 =	sadd.s32 s3, s9;
	s6 =	sadd.s32 @!p0 $0x88, s6;
	s7 =	simm.s32 @p2 $0x1082  }
0x22: {  	[simem:s7], [sflag:s8] =	dma.local @!p0 [hbm:s6], $0xF7A  }
0x23: {  	s9 =	sor.u32 $0xD0000000, s2;
	s6 =	simm.s32 $0x108;
	_ =	swait.ge @!p0 [sflag:s8], $0x0  }
0x24: {  	s3 =	sadd.s32 $0x88, s3;
	s6 =	simm.s32 @!p1 $0x1082;
	[sflag:s4] =	ssyncset.s32 $0xFFFFF086  }
0x25: {  	[simem:s6], [sflag:s4] =	dma.local [hbm:s3], $0xF7A  }
0x26: {  	[smem:$0x3F9F] =	sst s1;
	(tag) =	ssettag s2;
	_ =	strace s9  }
0x27: {  	s1 =	sld [smem:$0x3FAF]  }
0x28: {  	s2 =	sld [smem:$0x3FB0]  }
0x29: {  	s4 =	sld [smem:$0x3FB2]  }
0x2a: {  	p0 =	seq.s32 s5, $0x0;
	s5 =	sld [smem:$0x3FB3]  }
0x2b: {  	s6 =	sld [smem:$0x3FB4]  }
0x2c: {  	s7 =	sld [smem:$0x3FB5]  }
0x2d: {  	s3 =	simm.s32 $0x108;
	s8 =	sld [smem:$0x3FB6]  }
0x2e: {  	s3 =	simm.s32 @!p0 $0x1082;
	s9 =	sld [smem:$0x3FB7]  }
0x2f: {  	lr =	sadd.s32 s0, s3;
	s0 =	sld [smem:$0x3FAE]  }
0x30: {  	s3 =	sld [smem:$0x3FB1]  }
0x31: {  	[smem:$0x3FBA] =	sst s10  }
0x32: {  	s10 =	sld [smem:$0x3FB8];
	_ =	sdelay $0x3  }
0x33: {  	p0 =	seq.s32 s10, $0x1;
	s10 =	sld [smem:$0x3FBA];
	_ =	sdelay $0x3  }
0x34: {  	[smem:$0x3FBA] =	sst s10  }
0x35: {  	s10 =	sld [smem:$0x3FB9];
	_ =	sdelay $0x3  }
0x36: {  	p1 =	seq.s32 s10, $0x1;
	s10 =	sld [smem:$0x3FBA];
	_ =	sdelay $0x3  }
0x37: {  	[smem:$0x3FBA] =	sst s10  }
0x38: {  	s10 =	sld [smem:$0x3FBB]  }
0x39: {  	_ = 	snop;
	(pc) =	sbr.ind lr, $3  }
0x3a: {  	_ = 	snop  }
0x3b: {  	_ = 	snop  }
0x3c: {  	p2 =	seq.s32 s10, $0x1;
	s10 =	sld [smem:$0x3FBA]  }
0x3d: {  	_ =	shalt  }
0x3e: {  	_ =	shalt  }
0x3f: {  	_ =	shalt  }
0x40: {  	_ =	shalt  }
0x41: {  	_ =	shalt  }
0x42: {  	_ =	shalt  }
0x43: {  	_ =	shalt  }
0x44: {  	_ =	shalt  }
0x45: {  	_ =	shalt  }
0x46: {  	_ =	shalt  }
0x47: {  	_ =	shalt  }
0x48: {  	_ =	shalt  }
0x49: {  	_ =	shalt  }
0x4a: {  	_ =	shalt  }
0x4b: {  	_ =	shalt  }
0x4c: {  	_ =	shalt  }
0x4d: {  	_ =	shalt  }
0x4e: {  	_ =	shalt  }
0x4f: {  	_ =	shalt  }
0x50: {  	_ =	shalt  }
0x51: {  	_ =	shalt  }
0x52: {  	_ =	shalt  }
0x53: {  	_ =	shalt  }
0x54: {  	_ =	shalt  }
0x55: {  	_ =	shalt  }
0x56: {  	_ =	shalt  }
0x57: {  	_ =	shalt  }
0x58: {  	_ =	shalt  }
0x59: {  	_ =	shalt  }
0x5a: {  	_ =	shalt  }
0x5b: {  	_ =	shalt  }
0x5c: {  	_ =	shalt  }
0x5d: {  	_ =	shalt  }
0x5e: {  	_ =	shalt  }
0x5f: {  	_ =	shalt  }
0x60: {  	_ =	shalt  }
0x61: {  	_ =	shalt  }
0x62: {  	_ =	shalt  }
0x63: {  	_ =	shalt  }
0x64: {  	_ =	shalt  }
0x65: {  	_ =	shalt  }
0x66: {  	_ =	shalt  }
0x67: {  	_ =	shalt  }
0x68: {  	_ =	shalt  }
0x69: {  	_ =	shalt  }
0x6a: {  	_ =	shalt  }
0x6b: {  	_ =	shalt  }
0x6c: {  	_ =	shalt  }
0x6d: {  	_ =	shalt  }
0x6e: {  	_ =	shalt  }
0x6f: {  	_ =	shalt  }
0x70: {  	_ =	shalt  }
0x71: {  	_ =	shalt  }
0x72: {  	_ =	shalt  }
0x73: {  	_ =	shalt  }
0x74: {  	_ =	shalt  }
0x75: {  	_ =	shalt  }
0x76: {  	_ =	shalt  }
0x77: {  	_ =	shalt  }
0x78: {  	_ =	shalt  }
0x79: {  	_ =	shalt  }
0x7a: {  	_ =	shalt  }
0x7b: {  	_ =	shalt  }
0x7c: {  	_ =	shalt  }
0x7d: {  	_ =	shalt  }
0x7e: {  	_ =	shalt  }
0x7f: {  	_ =	shalt  }
0x80: {  	_ =	shalt  }
0x81: {  	_ =	shalt  }
0x82: {  	_ =	shalt  }
0x83: {  	_ =	shalt  }
0x84: {  	_ =	shalt  }
0x85: {  	_ =	shalt  }
0x86: {  	_ =	shalt  }
0x87: {  	_ =	shalt  }
.Lfunc_end0:
.L_simem_size_0:
called_computation_lowered:
.L_overlay_start_0:
0x88: {  	s2 =	sld [smem:$0x3FD9]  }
0x89: {  	s3 =	sld [smem:$0x3FFE];
	_ =	sdelay $0x1  }
0x8a: {  	s1 =	srdreg.scid  }
0x8b: {  	s0 =	sand.u32 $0x1, s1  }
0x8c: {  	s17 =	sshll.u32 s0, $0xA;
	s2 =	sadd.s32 s3, s2  }
0x8d: {  	s2 =	sadd.s32 s2, s17  }
0x8e: {  	[smem:$0x3FC6] =	sst s2  }
0x8f: {  	_ = 	snop  }
0x90: {  	s2 =	sld [smem:$0x3FD0];
	(tm) =	ssettm $0x1  }
0x91: {  	s18 =	sld [smem:$0x3FFB];
	_ =	sdelay $0x3  }
0x92: {  	_ =	strace s18  }
0x93: {  	s3 =	sld [smem:$0x3FFC];
	_ =	sdelay $0x3  }
0x94: {  	_ =	strace s3  }
0x95: {  	s3 =	sld [smem:$0x3FFD];
	_ =	sdelay $0x3  }
0x96: {  	_ =	strace s3  }
0x97: {  	_ =	strace $0x8FFFFFFF  }
0x98: {  	s19 =	sld [smem:$0x3FDB];
	_ =	sdelay $0x1  }
0x99: {  	s4 =	simm.s32 $_scs_section_size  }
0x9a: {  	s5 =	simm.s32 $_size__tile_overlayer_lowered;
	s6 =	simm.s32 $_tile_overlayer_lowered  }
0x9b: {  	s22 =	simm.s32 $0x1BFF;
	s21 =	sshll.u32 s6, $0x1;
	s3 =	sadd.s32 s4, s19  }
0x9c: {  	s7 =	simm.s32 $0x0;
	s20 =	sshll.u32 s5, $0x1;
	s5 =	sadd.s32 s21, s3  }
0x9d: {  	[timem:s7], [sflag:s22] =	dma.local [hbm:s5], s20  }
0x9e: {  	_ =	swait.ge [sflag:s22], s20  }
0x9f: {  	s4 =	ssub.s32 $0x0, s20;
	[sflag:s22] =	ssyncset.done $0x0  }
0xa0: {  	[sflag:s22] =	ssyncadd.s32 s4;
	_ =	sdelay $0x1  }
0xa1: {  	s23 =	simm.s32 $0x1B8B  }
0xa2: {  	_ =	swait.ge [sflag:s23], $0x1  }
0xa3: {  	[sflag:s23] =	ssyncset.done $0x0  }
0xa4: {  	s25 =	simm.s32 $0x1B8E;
	s24 =	sld [smem:$0x3FFE];
	[sflag:s23] =	ssyncadd.s32 $0xFFFFFFFF  }
0xa5: {  	s26 =	simm.s32 $execute0_lowered;
	[smem:$0x3FD2] =	sst s25  }
0xa6: {  	s5 =	sshll.u32 s26, $0x1;
	_ =	strace $0x80000046;
	[dreg:$0x1] =	wrdreg $0xFFFFFFFF  }
0xa7: {  	s28 =	simm.s32 $_size_execute0_lowered;
	s3 =	sadd.s32 s3, s5;
	[dreg:$0x0] =	wrdreg $0x0  }
0xa8: {  	s5 =	sshll.u32 s28, $0x1;
	[dreg:$0x2] =	wrdreg s3  }
0xa9: {  	[dreg:$0x3] =	wrdreg s5  }
0xaa: {  	[dreg:$0x4] =	wrdreg $0xC0  }
0xab: {  	_ =	task [dreg:s7], $0x5FFFF  }
0xac: {  	[dreg:$0x1] =	wrdreg $0xFFFFFFFF  }
0xad: {  	[dreg:$0x0] =	wrdreg $0x60  }
0xae: {  	[dreg:$0x2] =	wrdreg s2  }
0xaf: {  	[dreg:$0x3] =	wrdreg s24  }
0xb0: {  	[dreg:$0x4] =	wrdreg $0x9  }
0xb1: {  	_ =	task.clear_ibuf [dreg:s7], $0x5FFFF;
	_ =	strace $0x90000046  }
0xb2: {  	s29 =	simm.s32 $0x9;
	_ =	strace $0x80000048  }
0xb3: {  	_ =	swait.ge [sflag:s29], $0x1  }
0xb4: {  	[sflag:s29] =	ssyncadd.s32 $0xFFFFFFFF  }
0xb5: {  	_ =	strace $0x90000048  }
0xb6: {  	_ =	sfence  }
0xb7: {  	s30 =	sld [smem:$0x0];
	_ =	sdelay $0x2  }
0xb8: {  	s31 =	sshll.u32 s1, $0xD;
	s1 =	sshrl.u32 s1, $0x2  }
0xb9: {  	s3 =	sand.u32 $0x4000, s31;
	s1 =	sadd.s32 s1, s30  }
0xba: {  	s0 =	sor.u32 s3, s0;
	s1 =	sshll.u32 s1, $0x11  }
0xbb: {  	s0 =	sor.u32 s1, s0  }
0xbc: {  	s0 =	sadd.s32 $0x8F2B, s0  }
0xbd: {  	[sflag:s0] =	ssyncadd.remote.s32 $0x1  }
0xbe: {  	_ =	sfence.sel $0xFFFF  }
0xbf: {  	[dreg:$0x0] =	wrdreg $0xFFFFFFFF;
	(pc) =	sbr.abs _section_cstart, $3  }
0xc0: {  	[dreg:$0x1] =	wrdreg $0xFFFFFFFF  }
0xc1: {  	_ =	task.clear_ibuf [dreg:s7], $0x2FFFF;
	_ =	strace $0x9FFFFFFF  }
0xc2: {  	(tm) =	ssettm $0x7FFFFFFF  }
0xc3: {  	_ =	shalt  }
tec
execute0_lowered:
.L_overlay_start_1:
0x0: {  	(tag) =	ssettag $0x1  }
0x1: {  	s0 =	srdreg.scid;
	s2 =	stileid.u32  }
0x2: {  	s1 =	sand.u32 $0x1, s0;
	s13 =	sshll.u32 s2, $0x1  }
0x3: {  	s0 =	sor.u32 s1, s13  }
0x4: {  	s5 =	smul.u32 $0x280, s0  }
0x5: {  	s4 =	rddreg [dreg:$0x1];
	s3 =	simm.s32 $0x0;
	s6 =	smul.u32 $0x14000, s0  }
0x6: {  	s2 =	rddreg [dreg:$0x0];
	s5 =	sadd.s32 s5, s4;
	s4 =	sadd.s32 $0x5600, s4  }
0x7: {  	[smem:$0x7FF] =	sst s3;
	s5 =	sadd.s32 $0x600, s5;
	s31 =	sadd.s32 s4, s6  }
0x8: {  	_ =	strace $0x80000047;
	[dreg:$0x3] =	wrdreg s5;
	s14 =	sadd.s32 $0x800, s31  }
0x9: {  	s15 =	sadd.s32 $0x1000, s31;
	[dreg:$0x4] =	wrdreg s14  }
0xa: {  	s16 =	sadd.s32 $0x1800, s31;
	[dreg:$0x5] =	wrdreg s15  }
0xb: {  	s0 =	smul.u32 $0xA0000, s0;
	s17 =	sadd.s32 $0x2000, s31;
	[dreg:$0x6] =	wrdreg s16  }
0xc: {  	s18 =	sadd.s32 $0x2800, s31;
	[dreg:$0x7] =	wrdreg s17  }
0xd: {  	s0 =	sshrl.u32 s0, $0x3;
	s19 =	sadd.s32 $0x3000, s31;
	[dreg:$0x8] =	wrdreg s18  }
0xe: {  	s4 =	sadd.s32 s4, s0;
	s20 =	sadd.s32 $0x3800, s31;
	[dreg:$0x9] =	wrdreg s19  }
0xf: {  	s0 =	sadd.s32 $0x4000, s4;
	[dreg:$0xa] =	wrdreg s20  }
0x10: {  	s21 =	sadd.s32 $0x4800, s4;
	[dreg:$0xb] =	wrdreg s0  }
0x11: {  	s22 =	sadd.s32 $0x5000, s4;
	[dreg:$0xc] =	wrdreg s21  }
0x12: {  	s23 =	sadd.s32 $0x5800, s4;
	[dreg:$0xd] =	wrdreg s22  }
0x13: {  	s24 =	sadd.s32 $0x6000, s4;
	[dreg:$0xe] =	wrdreg s23  }
0x14: {  	s25 =	sadd.s32 $0x6800, s4;
	[dreg:$0xf] =	wrdreg s24  }
0x15: {  	s26 =	sadd.s32 $0x7000, s4;
	[dreg:$0x10] =	wrdreg s25  }
0x16: {  	s5 =	sadd.s32 $0x7800, s4;
	[dreg:$0x11] =	wrdreg s26  }
0x17: {  	s6 =	sadd.s32 $0x8000, s4;
	[dreg:$0x12] =	wrdreg s5  }
0x18: {  	s7 =	sadd.s32 $0x8800, s4;
	[dreg:$0x13] =	wrdreg s6  }
0x19: {  	s8 =	sadd.s32 $0x9000, s4;
	[dreg:$0x14] =	wrdreg s7  }
0x1a: {  	s9 =	sadd.s32 $0x9800, s4;
	[dreg:$0x15] =	wrdreg s8  }
0x1b: {  	s10 =	sadd.s32 $0xA000, s4;
	[dreg:$0x16] =	wrdreg s9  }
0x1c: {  	s11 =	sadd.s32 $0xA800, s4;
	[dreg:$0x17] =	wrdreg s10  }
0x1d: {  	s12 =	sadd.s32 $0xB000, s4;
	[dreg:$0x18] =	wrdreg s11  }
0x1e: {  	s13 =	sadd.s32 $0xB800, s4;
	[dreg:$0x19] =	wrdreg s12  }
0x1f: {  	[dreg:$0x1a] =	wrdreg s13  }
0x20: {  	s14 =	sadd.s32 $0xC000, s4;
	s0 =	rddreg [dreg:$0x3]  }
0x21: {  	s15 =	sadd.s32 $0xC800, s4;
	[dreg:$0x1b] =	wrdreg s14  }
0x22: {  	s16 =	sadd.s32 $0xD000, s4;
	[dreg:$0x1c] =	wrdreg s15  }
0x23: {  	s17 =	sadd.s32 $0xD800, s4;
	[dreg:$0x1d] =	wrdreg s16  }
0x24: {  	s18 =	sadd.s32 $0xE000, s4;
	[dreg:$0x1e] =	wrdreg s17  }
0x25: {  	s19 =	sadd.s32 $0xE800, s4;
	[dreg:$0x1f] =	wrdreg s18  }
0x26: {  	s20 =	sadd.s32 $0xF000, s4;
	[smem:$0x7E1] =	sst s19  }
0x27: {  	s21 =	sadd.s32 $0xF800, s4;
	[smem:$0x7E2] =	sst s20  }
0x28: {  	s22 =	sadd.s32 $0x10000, s4;
	[smem:$0x7E3] =	sst s21  }
0x29: {  	s23 =	sadd.s32 $0x10800, s4;
	[smem:$0x7E4] =	sst s22  }
0x2a: {  	s24 =	sadd.s32 $0x11000, s4;
	[smem:$0x7E5] =	sst s23  }
0x2b: {  	s25 =	sadd.s32 $0x11800, s4;
	[smem:$0x7E6] =	sst s24  }
0x2c: {  	s26 =	sadd.s32 $0x12000, s4;
	[smem:$0x7E7] =	sst s25  }
0x2d: {  	s5 =	sadd.s32 $0x12800, s4;
	[smem:$0x7E8] =	sst s26  }
0x2e: {  	s6 =	sadd.s32 $0x13000, s4;
	[smem:$0x7E9] =	sst s5  }
0x2f: {  	s7 =	sadd.s32 $0x13800, s4;
	[smem:$0x7EA] =	sst s6  }
0x30: {  	s8 =	simm.s32 $0x100;
	[smem:$0x7EB] =	sst s7  }
0x31: {  	s30 =	simm.s32 $0xA00;
	s9 =	simm.s32 $0x180;
	[smem:$0x7EC] =	sst s8  }
0x32: {  	s29 =	simm.s32 $0xA80;
	s10 =	simm.s32 $0x200;
	[smem:$0x7ED] =	sst s9  }
0x33: {  	s28 =	simm.s32 $0xB00;
	s11 =	simm.s32 $0x280;
	[smem:$0x7EE] =	sst s10  }
0x34: {  	p0 =	por $0x0, $0x0;
	s12 =	simm.s32 $0x300;
	[smem:$0x7EF] =	sst s11  }
0x35: {  	s1 =	ssub.s32 $0x2, s1;
	s13 =	simm.s32 $0x380;
	[smem:$0x7F0] =	sst s12  }
0x36: {  	s4 =	simm.s32 $0x3;
	[smem:$0x7F1] =	sst s13;
	s14 =	simm.s32 $0x400  }
0x37: {  	s15 =	simm.s32 $0x480;
	s16 =	simm.s32 $0x500;
	[smem:$0x7F2] =	sst s14  }
0x38: {  	s17 =	simm.s32 $0x580;
	s18 =	simm.s32 $0x600;
	[smem:$0x7F3] =	sst s15  }
0x39: {  	s19 =	sshrl.u32 s1, $0x1;
	s20 =	simm.s32 $0x680;
	[smem:$0x7F4] =	sst s16  }
0x3a: {  	s21 =	simm.s32 $0x700;
	s22 =	simm.s32 $0x780;
	[smem:$0x7F5] =	sst s17  }
0x3b: {  	s23 =	simm.s32 $0x800;
	s5 =	simm.s32 $0x80;
	[smem:$0x7F6] =	sst s18  }
0x3c: {  	s24 =	simm.s32 $0x880;
	s8 =	simm.s32 $0x1400;
	[smem:$0x7F7] =	sst s20  }
0x3d: {  	s25 =	simm.s32 $0x900;
	s9 =	simm.s32 $0x1;
	[smem:$0x7F8] =	sst s21  }
0x3e: {  	s26 =	simm.s32 $0x980;
	s6 =	simm.s32 $0x5400;
	[smem:$0x7F9] =	sst s22  }
0x3f: {  	s7 =	simm.s32 $0x2;
	s13 =	simm.s32 $0x1200;
	[smem:$0x7FA] =	sst s23  }
0x40: {  	s12 =	simm.s32 $0x1280;
	s1 =	ssub.s32 s1, s19;
	[smem:$0x7FB] =	sst s24  }
0x41: {  	s11 =	simm.s32 $0x1300;
	[smem:$0x7FC] =	sst s25;
	s1 =	smax.u32 s1, $0x1  }
0x42: {  	s10 =	simm.s32 $0x1380;
	[smem:$0x7FD] =	sst s26;
	p1 =	sne.s32 s1, $0x1  }
.Ltmp0:
0x43: {  	s26 =	simm.s32 $0xB80;
	s25 =	simm.s32 $0xC00;
	(pc) =	sbr.rel @!p1 .LBB2_3-.Ltmp0, $4  }
0x44: {  	s24 =	simm.s32 $0xC80;
	s23 =	simm.s32 $0xD00;
	s22 =	simm.s32 $0xD80  }
0x45: {  	s21 =	simm.s32 $0xE00;
	s20 =	simm.s32 $0xE80;
	s19 =	simm.s32 $0xF00  }
0x46: {  	s18 =	simm.s32 $0xF80;
	s17 =	simm.s32 $0x1000;
	s16 =	simm.s32 $0x1080  }
0x47: {  	s15 =	simm.s32 $0x1100;
	s14 =	simm.s32 $0x1180;
	s1 =	sadd.s32 $0xFFFFFFFF, s1  }
0x48: {  	[tilespmem:s3], [sflag:$0x3] =	stream.linear.gather [hbm4b:s0+s3], $0x1400, $0x38;
	[tilespmem:$0x9400] =	vst v63  }
0x49: {  	_ =	swait.ge [sflag:s4], $0x1400  }
0x4a: {  	[sflag:s4] =	ssyncset.done $0x0  }
0x4b: {  	[sflag:s4] =	ssyncadd.s32 $0xFFFFEC00  }
0x4c: {  	[tilespmem:s8], [sflag:$0x1] =	stream.indirect.gather [hbm4b:s2+s5], $0x80, s3, s5, $0xb8;
	[tilespmem:$0x9400] =	vst v63  }
0x4d: {  	_ =	swait.ge [sflag:s9], $0x4000  }
0x4e: {  	[sflag:s9] =	ssyncset.done $0x0  }
0x4f: {  	[sflag:s9] =	ssyncadd.s32 $0xFFFFC000  }
0x50: {  	[hbm4b:s31+s3] =	stream.linear.scatter [tilespmem:s8], [sflag:$0x3], $0x4000, $0x38;
	[tilespmem:$0x9400] =	vst v63  }
0x51: {  	_ =	swait.ge [sflag:s4], $0x4000  }
0x52: {  	[sflag:s4] =	ssyncset.done $0x0  }
0x53: {  	[sflag:s4] =	ssyncadd.s32 $0xFFFFC000  }
0x54: {  	[tilespmem:s6], [sflag:$0x2] =	stream.indirect.gather [hbm4b:s2+s5], $0x80, s5, s5, $0xb8;
	[tilespmem:$0x9400] =	vst v63  }
0x55: {  	_ =	swait.ge [sflag:s7], $0x4000  }
0x56: {  	[sflag:s7] =	ssyncset.done $0x0  }
0x57: {  	s0 =	rddreg [dreg:$0x4];
	[sflag:s7] =	ssyncadd.s32 $0xFFFFC000  }
0x58: {  	[hbm4b:s0+s3] =	stream.linear.scatter [tilespmem:s6], [sflag:$0x3], $0x4000, $0x38;
	[tilespmem:$0x9400] =	vst v63  }
0x59: {  	_ =	swait.ge [sflag:s4], $0x4000  }
0x5a: {  	s0 =	sld [smem:$0x7EC]  }
0x5b: {  	[sflag:s4] =	ssyncset.done $0x0  }
0x5c: {  	[sflag:s4] =	ssyncadd.s32 $0xFFFFC000  }
0x5d: {  	[tilespmem:s8], [sflag:$0x1] =	stream.indirect.gather [hbm4b:s2+s5], $0x80, s0, s5, $0xb8;
	[tilespmem:$0x9400] =	vst v63  }
0x5e: {  	_ =	swait.ge [sflag:s9], $0x4000  }
0x5f: {  	[sflag:s9] =	ssyncset.done $0x0  }
0x60: {  	s0 =	rddreg [dreg:$0x5];
	[sflag:s9] =	ssyncadd.s32 $0xFFFFC000  }
0x61: {  	[hbm4b:s0+s3] =	stream.linear.scatter [tilespmem:s8], [sflag:$0x3], $0x4000, $0x38;
	[tilespmem:$0x9400] =	vst v63  }
0x62: {  	_ =	swait.ge [sflag:s4], $0x4000  }
0x63: {  	s0 =	sld [smem:$0x7ED]  }
0x64: {  	[sflag:s4] =	ssyncset.done $0x0  }
0x65: {  	[sflag:s4] =	ssyncadd.s32 $0xFFFFC000  }
0x66: {  	[tilespmem:s6], [sflag:$0x2] =	stream.indirect.gather [hbm4b:s2+s5], $0x80, s0, s5, $0xb8;
	[tilespmem:$0x9400] =	vst v63  }
0x67: {  	_ =	swait.ge [sflag:s7], $0x4000  }
0x68: {  	[sflag:s7] =	ssyncset.done $0x0  }
0x69: {  	s0 =	rddreg [dreg:$0x6];
	[sflag:s7] =	ssyncadd.s32 $0xFFFFC000  }
0x6a: {  	[hbm4b:s0+s3] =	stream.linear.scatter [tilespmem:s6], [sflag:$0x3], $0x4000, $0x38;
	[tilespmem:$0x9400] =	vst v63  }
0x6b: {  	_ =	swait.ge [sflag:s4], $0x4000  }
0x6c: {  	s0 =	sld [smem:$0x7EE]  }
0x6d: {  	[sflag:s4] =	ssyncset.done $0x0  }
0x6e: {  	[sflag:s4] =	ssyncadd.s32 $0xFFFFC000  }
0x6f: {  	[tilespmem:s8], [sflag:$0x1] =	stream.indirect.gather [hbm4b:s2+s5], $0x80, s0, s5, $0xb8;
	[tilespmem:$0x9400] =	vst v63  }
0x70: {  	_ =	swait.ge [sflag:s9], $0x4000  }
0x71: {  	[sflag:s9] =	ssyncset.done $0x0  }
0x72: {  	s0 =	rddreg [dreg:$0x7];
	[sflag:s9] =	ssyncadd.s32 $0xFFFFC000  }
0x73: {  	[hbm4b:s0+s3] =	stream.linear.scatter [tilespmem:s8], [sflag:$0x3], $0x4000, $0x38;
	[tilespmem:$0x9400] =	vst v63  }
0x74: {  	_ =	swait.ge [sflag:s4], $0x4000  }
0x75: {  	s0 =	sld [smem:$0x7EF]  }
0x76: {  	[sflag:s4] =	ssyncset.done $0x0  }
0x77: {  	[sflag:s4] =	ssyncadd.s32 $0xFFFFC000  }
0x78: {  	[tilespmem:s6], [sflag:$0x2] =	stream.indirect.gather [hbm4b:s2+s5], $0x80, s0, s5, $0xb8;
	[tilespmem:$0x9400] =	vst v63  }
0x79: {  	_ =	swait.ge [sflag:s7], $0x4000  }
0x7a: {  	[sflag:s7] =	ssyncset.done $0x0  }
0x7b: {  	s0 =	rddreg [dreg:$0x8];
	[sflag:s7] =	ssyncadd.s32 $0xFFFFC000  }
0x7c: {  	[hbm4b:s0+s3] =	stream.linear.scatter [tilespmem:s6], [sflag:$0x3], $0x4000, $0x38;
	[tilespmem:$0x9400] =	vst v63  }
0x7d: {  	_ =	swait.ge [sflag:s4], $0x4000  }
0x7e: {  	s0 =	sld [smem:$0x7F0]  }
0x7f: {  	[sflag:s4] =	ssyncset.done $0x0  }
0x80: {  	[sflag:s4] =	ssyncadd.s32 $0xFFFFC000  }
0x81: {  	[tilespmem:s8], [sflag:$0x1] =	stream.indirect.gather [hbm4b:s2+s5], $0x80, s0, s5, $0xb8;
	[tilespmem:$0x9400] =	vst v63  }
0x82: {  	_ =	swait.ge [sflag:s9], $0x4000  }
0x83: {  	[sflag:s9] =	ssyncset.done $0x0  }
0x84: {  	s0 =	rddreg [dreg:$0x9];
	[sflag:s9] =	ssyncadd.s32 $0xFFFFC000  }
0x85: {  	[hbm4b:s0+s3] =	stream.linear.scatter [tilespmem:s8], [sflag:$0x3], $0x4000, $0x38;
	[tilespmem:$0x9400] =	vst v63  }
0x86: {  	_ =	swait.ge [sflag:s4], $0x4000  }
0x87: {  	s0 =	sld [smem:$0x7F1]  }
0x88: {  	[sflag:s4] =	ssyncset.done $0x0  }
0x89: {  	[sflag:s4] =	ssyncadd.s32 $0xFFFFC000  }
0x8a: {  	[tilespmem:s6], [sflag:$0x2] =	stream.indirect.gather [hbm4b:s2+s5], $0x80, s0, s5, $0xb8;
	[tilespmem:$0x9400] =	vst v63  }
0x8b: {  	_ =	swait.ge [sflag:s7], $0x4000  }
0x8c: {  	[sflag:s7] =	ssyncset.done $0x0  }
0x8d: {  	s0 =	rddreg [dreg:$0xa];
	[sflag:s7] =	ssyncadd.s32 $0xFFFFC000  }
0x8e: {  	[hbm4b:s0+s3] =	stream.linear.scatter [tilespmem:s6], [sflag:$0x3], $0x4000, $0x38;
	[tilespmem:$0x9400] =	vst v63  }
0x8f: {  	_ =	swait.ge [sflag:s4], $0x4000  }
0x90: {  	s0 =	sld [smem:$0x7F2]  }
0x91: {  	[sflag:s4] =	ssyncset.done $0x0  }
0x92: {  	[sflag:s4] =	ssyncadd.s32 $0xFFFFC000  }
0x93: {  	[tilespmem:s8], [sflag:$0x1] =	stream.indirect.gather [hbm4b:s2+s5], $0x80, s0, s5, $0xb8;
	[tilespmem:$0x9400] =	vst v63  }
0x94: {  	_ =	swait.ge [sflag:s9], $0x4000  }
0x95: {  	[sflag:s9] =	ssyncset.done $0x0  }
0x96: {  	s0 =	rddreg [dreg:$0xb];
	[sflag:s9] =	ssyncadd.s32 $0xFFFFC000  }
0x97: {  	[hbm4b:s0+s3] =	stream.linear.scatter [tilespmem:s8], [sflag:$0x3], $0x4000, $0x38;
	[tilespmem:$0x9400] =	vst v63  }
0x98: {  	_ =	swait.ge [sflag:s4], $0x4000  }
0x99: {  	s0 =	sld [smem:$0x7F3]  }
0x9a: {  	[sflag:s4] =	ssyncset.done $0x0  }
0x9b: {  	[sflag:s4] =	ssyncadd.s32 $0xFFFFC000  }
0x9c: {  	[tilespmem:s6], [sflag:$0x2] =	stream.indirect.gather [hbm4b:s2+s5], $0x80, s0, s5, $0xb8;
	[tilespmem:$0x9400] =	vst v63  }
0x9d: {  	_ =	swait.ge [sflag:s7], $0x4000  }
0x9e: {  	[sflag:s7] =	ssyncset.done $0x0  }
0x9f: {  	s0 =	rddreg [dreg:$0xc];
	[sflag:s7] =	ssyncadd.s32 $0xFFFFC000  }
0xa0: {  	[hbm4b:s0+s3] =	stream.linear.scatter [tilespmem:s6], [sflag:$0x3], $0x4000, $0x38;
	[tilespmem:$0x9400] =	vst v63  }
0xa1: {  	_ =	swait.ge [sflag:s4], $0x4000  }
0xa2: {  	s0 =	sld [smem:$0x7F4]  }
0xa3: {  	[sflag:s4] =	ssyncset.done $0x0  }
0xa4: {  	[sflag:s4] =	ssyncadd.s32 $0xFFFFC000  }
0xa5: {  	[tilespmem:s8], [sflag:$0x1] =	stream.indirect.gather [hbm4b:s2+s5], $0x80, s0, s5, $0xb8;
	[tilespmem:$0x9400] =	vst v63  }
0xa6: {  	_ =	swait.ge [sflag:s9], $0x4000  }
0xa7: {  	[sflag:s9] =	ssyncset.done $0x0  }
0xa8: {  	s0 =	rddreg [dreg:$0xd];
	[sflag:s9] =	ssyncadd.s32 $0xFFFFC000  }
0xa9: {  	[hbm4b:s0+s3] =	stream.linear.scatter [tilespmem:s8], [sflag:$0x3], $0x4000, $0x38;
	[tilespmem:$0x9400] =	vst v63  }
0xaa: {  	_ =	swait.ge [sflag:s4], $0x4000  }
0xab: {  	s0 =	sld [smem:$0x7F5]  }
0xac: {  	[sflag:s4] =	ssyncset.done $0x0  }
0xad: {  	[sflag:s4] =	ssyncadd.s32 $0xFFFFC000  }
0xae: {  	[tilespmem:s6], [sflag:$0x2] =	stream.indirect.gather [hbm4b:s2+s5], $0x80, s0, s5, $0xb8;
	[tilespmem:$0x9400] =	vst v63  }
0xaf: {  	_ =	swait.ge [sflag:s7], $0x4000  }
0xb0: {  	[sflag:s7] =	ssyncset.done $0x0  }
0xb1: {  	s0 =	rddreg [dreg:$0xe];
	[sflag:s7] =	ssyncadd.s32 $0xFFFFC000  }
0xb2: {  	[hbm4b:s0+s3] =	stream.linear.scatter [tilespmem:s6], [sflag:$0x3], $0x4000, $0x38;
	[tilespmem:$0x9400] =	vst v63  }
0xb3: {  	_ =	swait.ge [sflag:s4], $0x4000  }
0xb4: {  	s0 =	sld [smem:$0x7F6]  }
0xb5: {  	[sflag:s4] =	ssyncset.done $0x0  }
0xb6: {  	[sflag:s4] =	ssyncadd.s32 $0xFFFFC000  }
0xb7: {  	[tilespmem:s8], [sflag:$0x1] =	stream.indirect.gather [hbm4b:s2+s5], $0x80, s0, s5, $0xb8;
	[tilespmem:$0x9400] =	vst v63  }
0xb8: {  	_ =	swait.ge [sflag:s9], $0x4000  }
0xb9: {  	[sflag:s9] =	ssyncset.done $0x0  }
0xba: {  	s0 =	rddreg [dreg:$0xf];
	[sflag:s9] =	ssyncadd.s32 $0xFFFFC000  }
0xbb: {  	[hbm4b:s0+s3] =	stream.linear.scatter [tilespmem:s8], [sflag:$0x3], $0x4000, $0x38;
	[tilespmem:$0x9400] =	vst v63  }
0xbc: {  	_ =	swait.ge [sflag:s4], $0x4000  }
0xbd: {  	s0 =	sld [smem:$0x7F7]  }
0xbe: {  	[sflag:s4] =	ssyncset.done $0x0  }
0xbf: {  	[sflag:s4] =	ssyncadd.s32 $0xFFFFC000  }
0xc0: {  	[tilespmem:s6], [sflag:$0x2] =	stream.indirect.gather [hbm4b:s2+s5], $0x80, s0, s5, $0xb8;
	[tilespmem:$0x9400] =	vst v63  }
0xc1: {  	_ =	swait.ge [sflag:s7], $0x4000  }
0xc2: {  	[sflag:s7] =	ssyncset.done $0x0  }
0xc3: {  	s0 =	rddreg [dreg:$0x10];
	[sflag:s7] =	ssyncadd.s32 $0xFFFFC000  }
0xc4: {  	[hbm4b:s0+s3] =	stream.linear.scatter [tilespmem:s6], [sflag:$0x3], $0x4000, $0x38;
	[tilespmem:$0x9400] =	vst v63  }
0xc5: {  	_ =	swait.ge [sflag:s4], $0x4000  }
0xc6: {  	s0 =	sld [smem:$0x7F8]  }
0xc7: {  	[sflag:s4] =	ssyncset.done $0x0  }
0xc8: {  	[sflag:s4] =	ssyncadd.s32 $0xFFFFC000  }
0xc9: {  	[tilespmem:s8], [sflag:$0x1] =	stream.indirect.gather [hbm4b:s2+s5], $0x80, s0, s5, $0xb8;
	[tilespmem:$0x9400] =	vst v63  }
0xca: {  	_ =	swait.ge [sflag:s9], $0x4000  }
0xcb: {  	[sflag:s9] =	ssyncset.done $0x0  }
0xcc: {  	s0 =	rddreg [dreg:$0x11];
	[sflag:s9] =	ssyncadd.s32 $0xFFFFC000  }
0xcd: {  	[hbm4b:s0+s3] =	stream.linear.scatter [tilespmem:s8], [sflag:$0x3], $0x4000, $0x38;
	[tilespmem:$0x9400] =	vst v63  }
0xce: {  	_ =	swait.ge [sflag:s4], $0x4000  }
0xcf: {  	s0 =	sld [smem:$0x7F9]  }
0xd0: {  	[sflag:s4] =	ssyncset.done $0x0  }
0xd1: {  	[sflag:s4] =	ssyncadd.s32 $0xFFFFC000  }
0xd2: {  	[tilespmem:s6], [sflag:$0x2] =	stream.indirect.gather [hbm4b:s2+s5], $0x80, s0, s5, $0xb8;
	[tilespmem:$0x9400] =	vst v63  }
0xd3: {  	_ =	swait.ge [sflag:s7], $0x4000  }
0xd4: {  	[sflag:s7] =	ssyncset.done $0x0  }
0xd5: {  	s0 =	rddreg [dreg:$0x12];
	[sflag:s7] =	ssyncadd.s32 $0xFFFFC000  }
0xd6: {  	[hbm4b:s0+s3] =	stream.linear.scatter [tilespmem:s6], [sflag:$0x3], $0x4000, $0x38;
	[tilespmem:$0x9400] =	vst v63  }
0xd7: {  	_ =	swait.ge [sflag:s4], $0x4000  }
0xd8: {  	s0 =	sld [smem:$0x7FA]  }
0xd9: {  	[sflag:s4] =	ssyncset.done $0x0  }
0xda: {  	[sflag:s4] =	ssyncadd.s32 $0xFFFFC000  }
0xdb: {  	[tilespmem:s8], [sflag:$0x1] =	stream.indirect.gather [hbm4b:s2+s5], $0x80, s0, s5, $0xb8;
	[tilespmem:$0x9400] =	vst v63  }
0xdc: {  	_ =	swait.ge [sflag:s9], $0x4000  }
0xdd: {  	[sflag:s9] =	ssyncset.done $0x0  }
0xde: {  	s0 =	rddreg [dreg:$0x13];
	[sflag:s9] =	ssyncadd.s32 $0xFFFFC000  }
0xdf: {  	[hbm4b:s0+s3] =	stream.linear.scatter [tilespmem:s8], [sflag:$0x3], $0x4000, $0x38;
	[tilespmem:$0x9400] =	vst v63  }
0xe0: {  	_ =	swait.ge [sflag:s4], $0x4000  }
0xe1: {  	s0 =	sld [smem:$0x7FB]  }
0xe2: {  	[sflag:s4] =	ssyncset.done $0x0  }
0xe3: {  	[sflag:s4] =	ssyncadd.s32 $0xFFFFC000  }
0xe4: {  	[tilespmem:s6], [sflag:$0x2] =	stream.indirect.gather [hbm4b:s2+s5], $0x80, s0, s5, $0xb8;
	[tilespmem:$0x9400] =	vst v63  }
0xe5: {  	_ =	swait.ge [sflag:s7], $0x4000  }
0xe6: {  	[sflag:s7] =	ssyncset.done $0x0  }
0xe7: {  	s0 =	rddreg [dreg:$0x14];
	[sflag:s7] =	ssyncadd.s32 $0xFFFFC000  }
0xe8: {  	[hbm4b:s0+s3] =	stream.linear.scatter [tilespmem:s6], [sflag:$0x3], $0x4000, $0x38;
	[tilespmem:$0x9400] =	vst v63  }
0xe9: {  	_ =	swait.ge [sflag:s4], $0x4000  }
0xea: {  	s0 =	sld [smem:$0x7FC]  }
0xeb: {  	[sflag:s4] =	ssyncset.done $0x0  }
0xec: {  	[sflag:s4] =	ssyncadd.s32 $0xFFFFC000  }
0xed: {  	[tilespmem:s8], [sflag:$0x1] =	stream.indirect.gather [hbm4b:s2+s5], $0x80, s0, s5, $0xb8;
	[tilespmem:$0x9400] =	vst v63  }
0xee: {  	_ =	swait.ge [sflag:s9], $0x4000  }
0xef: {  	[sflag:s9] =	ssyncset.done $0x0  }
0xf0: {  	s0 =	rddreg [dreg:$0x15];
	[sflag:s9] =	ssyncadd.s32 $0xFFFFC000  }
0xf1: {  	[hbm4b:s0+s3] =	stream.linear.scatter [tilespmem:s8], [sflag:$0x3], $0x4000, $0x38;
	[tilespmem:$0x9400] =	vst v63  }
0xf2: {  	_ =	swait.ge [sflag:s4], $0x4000  }
0xf3: {  	s0 =	sld [smem:$0x7FD]  }
0xf4: {  	[sflag:s4] =	ssyncset.done $0x0  }
0xf5: {  	[sflag:s4] =	ssyncadd.s32 $0xFFFFC000  }
0xf6: {  	[tilespmem:s6], [sflag:$0x2] =	stream.indirect.gather [hbm4b:s2+s5], $0x80, s0, s5, $0xb8;
	[tilespmem:$0x9400] =	vst v63  }
0xf7: {  	_ =	swait.ge [sflag:s7], $0x4000  }
0xf8: {  	[sflag:s7] =	ssyncset.done $0x0  }
0xf9: {  	s0 =	rddreg [dreg:$0x16];
	[sflag:s7] =	ssyncadd.s32 $0xFFFFC000  }
0xfa: {  	[hbm4b:s0+s3] =	stream.linear.scatter [tilespmem:s6], [sflag:$0x3], $0x4000, $0x38;
	[tilespmem:$0x9400] =	vst v63  }
0xfb: {  	_ =	swait.ge [sflag:s4], $0x4000  }
0xfc: {  	[sflag:s4] =	ssyncset.done $0x0  }
0xfd: {  	[sflag:s4] =	ssyncadd.s32 $0xFFFFC000  }
0xfe: {  	[tilespmem:s8], [sflag:$0x1] =	stream.indirect.gather [hbm4b:s2+s5], $0x80, s30, s5, $0xb8;
	[tilespmem:$0x9400] =	vst v63  }
0xff: {  	_ =	swait.ge [sflag:s9], $0x4000  }
0x100: {  	[sflag:s9] =	ssyncset.done $0x0  }
0x101: {  	s0 =	rddreg [dreg:$0x17];
	[sflag:s9] =	ssyncadd.s32 $0xFFFFC000  }
0x102: {  	[hbm4b:s0+s3] =	stream.linear.scatter [tilespmem:s8], [sflag:$0x3], $0x4000, $0x38;
	[tilespmem:$0x9400] =	vst v63  }
0x103: {  	_ =	swait.ge [sflag:s4], $0x4000  }
0x104: {  	[sflag:s4] =	ssyncset.done $0x0  }
0x105: {  	[sflag:s4] =	ssyncadd.s32 $0xFFFFC000  }
0x106: {  	[tilespmem:s6], [sflag:$0x2] =	stream.indirect.gather [hbm4b:s2+s5], $0x80, s29, s5, $0xb8;
	[tilespmem:$0x9400] =	vst v63  }
0x107: {  	_ =	swait.ge [sflag:s7], $0x4000  }
0x108: {  	[sflag:s7] =	ssyncset.done $0x0  }
0x109: {  	s0 =	rddreg [dreg:$0x18];
	[sflag:s7] =	ssyncadd.s32 $0xFFFFC000  }
0x10a: {  	[hbm4b:s0+s3] =	stream.linear.scatter [tilespmem:s6], [sflag:$0x3], $0x4000, $0x38;
	[tilespmem:$0x9400] =	vst v63  }
0x10b: {  	_ =	swait.ge [sflag:s4], $0x4000  }
0x10c: {  	[sflag:s4] =	ssyncset.done $0x0  }
0x10d: {  	[sflag:s4] =	ssyncadd.s32 $0xFFFFC000  }
0x10e: {  	[tilespmem:s8], [sflag:$0x1] =	stream.indirect.gather [hbm4b:s2+s5], $0x80, s28, s5, $0xb8;
	[tilespmem:$0x9400] =	vst v63  }
0x10f: {  	_ =	swait.ge [sflag:s9], $0x4000  }
0x110: {  	[sflag:s9] =	ssyncset.done $0x0  }
0x111: {  	s0 =	rddreg [dreg:$0x19];
	[sflag:s9] =	ssyncadd.s32 $0xFFFFC000  }
0x112: {  	[hbm4b:s0+s3] =	stream.linear.scatter [tilespmem:s8], [sflag:$0x3], $0x4000, $0x38;
	[tilespmem:$0x9400] =	vst v63  }
0x113: {  	_ =	swait.ge [sflag:s4], $0x4000  }
0x114: {  	[sflag:s4] =	ssyncset.done $0x0  }
0x115: {  	[sflag:s4] =	ssyncadd.s32 $0xFFFFC000  }
0x116: {  	[tilespmem:s6], [sflag:$0x2] =	stream.indirect.gather [hbm4b:s2+s5], $0x80, s26, s5, $0xb8;
	[tilespmem:$0x9400] =	vst v63  }
0x117: {  	_ =	swait.ge [sflag:s7], $0x4000  }
0x118: {  	[sflag:s7] =	ssyncset.done $0x0  }
0x119: {  	s0 =	rddreg [dreg:$0x1a];
	[sflag:s7] =	ssyncadd.s32 $0xFFFFC000  }
0x11a: {  	[hbm4b:s0+s3] =	stream.linear.scatter [tilespmem:s6], [sflag:$0x3], $0x4000, $0x38;
	[tilespmem:$0x9400] =	vst v63  }
0x11b: {  	_ =	swait.ge [sflag:s4], $0x4000  }
0x11c: {  	[sflag:s4] =	ssyncset.done $0x0  }
0x11d: {  	[sflag:s4] =	ssyncadd.s32 $0xFFFFC000  }
0x11e: {  	[tilespmem:s8], [sflag:$0x1] =	stream.indirect.gather [hbm4b:s2+s5], $0x80, s25, s5, $0xb8;
	[tilespmem:$0x9400] =	vst v63  }
0x11f: {  	_ =	swait.ge [sflag:s9], $0x4000  }
0x120: {  	[sflag:s9] =	ssyncset.done $0x0  }
0x121: {  	s0 =	rddreg [dreg:$0x1b];
	[sflag:s9] =	ssyncadd.s32 $0xFFFFC000  }
0x122: {  	[hbm4b:s0+s3] =	stream.linear.scatter [tilespmem:s8], [sflag:$0x3], $0x4000, $0x38;
	[tilespmem:$0x9400] =	vst v63  }
0x123: {  	_ =	swait.ge [sflag:s4], $0x4000  }
0x124: {  	[sflag:s4] =	ssyncset.done $0x0  }
0x125: {  	[sflag:s4] =	ssyncadd.s32 $0xFFFFC000  }
0x126: {  	[tilespmem:s6], [sflag:$0x2] =	stream.indirect.gather [hbm4b:s2+s5], $0x80, s24, s5, $0xb8;
	[tilespmem:$0x9400] =	vst v63  }
0x127: {  	_ =	swait.ge [sflag:s7], $0x4000  }
0x128: {  	[sflag:s7] =	ssyncset.done $0x0  }
0x129: {  	s0 =	rddreg [dreg:$0x1c];
	[sflag:s7] =	ssyncadd.s32 $0xFFFFC000  }
0x12a: {  	[hbm4b:s0+s3] =	stream.linear.scatter [tilespmem:s6], [sflag:$0x3], $0x4000, $0x38;
	[tilespmem:$0x9400] =	vst v63  }
0x12b: {  	_ =	swait.ge [sflag:s4], $0x4000  }
0x12c: {  	[sflag:s4] =	ssyncset.done $0x0  }
0x12d: {  	[sflag:s4] =	ssyncadd.s32 $0xFFFFC000  }
0x12e: {  	[tilespmem:s8], [sflag:$0x1] =	stream.indirect.gather [hbm4b:s2+s5], $0x80, s23, s5, $0xb8;
	[tilespmem:$0x9400] =	vst v63  }
0x12f: {  	_ =	swait.ge [sflag:s9], $0x4000  }
0x130: {  	[sflag:s9] =	ssyncset.done $0x0  }
0x131: {  	s0 =	rddreg [dreg:$0x1d];
	[sflag:s9] =	ssyncadd.s32 $0xFFFFC000  }
0x132: {  	[hbm4b:s0+s3] =	stream.linear.scatter [tilespmem:s8], [sflag:$0x3], $0x4000, $0x38;
	[tilespmem:$0x9400] =	vst v63  }
0x133: {  	_ =	swait.ge [sflag:s4], $0x4000  }
0x134: {  	[sflag:s4] =	ssyncset.done $0x0  }
0x135: {  	[sflag:s4] =	ssyncadd.s32 $0xFFFFC000  }
0x136: {  	[tilespmem:s6], [sflag:$0x2] =	stream.indirect.gather [hbm4b:s2+s5], $0x80, s22, s5, $0xb8;
	[tilespmem:$0x9400] =	vst v63  }
0x137: {  	_ =	swait.ge [sflag:s7], $0x4000  }
0x138: {  	[sflag:s7] =	ssyncset.done $0x0  }
0x139: {  	s0 =	rddreg [dreg:$0x1e];
	[sflag:s7] =	ssyncadd.s32 $0xFFFFC000  }
0x13a: {  	[hbm4b:s0+s3] =	stream.linear.scatter [tilespmem:s6], [sflag:$0x3], $0x4000, $0x38;
	[tilespmem:$0x9400] =	vst v63  }
0x13b: {  	_ =	swait.ge [sflag:s4], $0x4000  }
0x13c: {  	[sflag:s4] =	ssyncset.done $0x0  }
0x13d: {  	[sflag:s4] =	ssyncadd.s32 $0xFFFFC000  }
0x13e: {  	[tilespmem:s8], [sflag:$0x1] =	stream.indirect.gather [hbm4b:s2+s5], $0x80, s21, s5, $0xb8;
	[tilespmem:$0x9400] =	vst v63  }
0x13f: {  	_ =	swait.ge [sflag:s9], $0x4000  }
0x140: {  	[sflag:s9] =	ssyncset.done $0x0  }
0x141: {  	s0 =	rddreg [dreg:$0x1f];
	[sflag:s9] =	ssyncadd.s32 $0xFFFFC000  }
0x142: {  	[hbm4b:s0+s3] =	stream.linear.scatter [tilespmem:s8], [sflag:$0x3], $0x4000, $0x38;
	[tilespmem:$0x9400] =	vst v63  }
0x143: {  	_ =	swait.ge [sflag:s4], $0x4000  }
0x144: {  	[sflag:s4] =	ssyncset.done $0x0  }
0x145: {  	[sflag:s4] =	ssyncadd.s32 $0xFFFFC000  }
0x146: {  	[tilespmem:s6], [sflag:$0x2] =	stream.indirect.gather [hbm4b:s2+s5], $0x80, s20, s5, $0xb8;
	[tilespmem:$0x9400] =	vst v63  }
0x147: {  	_ =	swait.ge [sflag:s7], $0x4000  }
0x148: {  	s0 =	sld [smem:$0x7E1]  }
0x149: {  	[sflag:s7] =	ssyncset.done $0x0  }
0x14a: {  	[sflag:s7] =	ssyncadd.s32 $0xFFFFC000  }
0x14b: {  	[hbm4b:s0+s3] =	stream.linear.scatter [tilespmem:s6], [sflag:$0x3], $0x4000, $0x38;
	[tilespmem:$0x9400] =	vst v63  }
0x14c: {  	_ =	swait.ge [sflag:s4], $0x4000  }
0x14d: {  	[sflag:s4] =	ssyncset.done $0x0  }
0x14e: {  	[sflag:s4] =	ssyncadd.s32 $0xFFFFC000  }
0x14f: {  	[tilespmem:s8], [sflag:$0x1] =	stream.indirect.gather [hbm4b:s2+s5], $0x80, s19, s5, $0xb8;
	[tilespmem:$0x9400] =	vst v63  }
0x150: {  	_ =	swait.ge [sflag:s9], $0x4000  }
0x151: {  	s0 =	sld [smem:$0x7E2]  }
0x152: {  	[sflag:s9] =	ssyncset.done $0x0  }
0x153: {  	[sflag:s9] =	ssyncadd.s32 $0xFFFFC000  }
0x154: {  	[hbm4b:s0+s3] =	stream.linear.scatter [tilespmem:s8], [sflag:$0x3], $0x4000, $0x38;
	[tilespmem:$0x9400] =	vst v63  }
0x155: {  	_ =	swait.ge [sflag:s4], $0x4000  }
0x156: {  	[sflag:s4] =	ssyncset.done $0x0  }
0x157: {  	[sflag:s4] =	ssyncadd.s32 $0xFFFFC000  }
0x158: {  	[tilespmem:s6], [sflag:$0x2] =	stream.indirect.gather [hbm4b:s2+s5], $0x80, s18, s5, $0xb8;
	[tilespmem:$0x9400] =	vst v63  }
0x159: {  	_ =	swait.ge [sflag:s7], $0x4000  }
0x15a: {  	s0 =	sld [smem:$0x7E3]  }
0x15b: {  	[sflag:s7] =	ssyncset.done $0x0  }
0x15c: {  	[sflag:s7] =	ssyncadd.s32 $0xFFFFC000  }
0x15d: {  	[hbm4b:s0+s3] =	stream.linear.scatter [tilespmem:s6], [sflag:$0x3], $0x4000, $0x38;
	[tilespmem:$0x9400] =	vst v63  }
0x15e: {  	_ =	swait.ge [sflag:s4], $0x4000  }
0x15f: {  	[sflag:s4] =	ssyncset.done $0x0  }
0x160: {  	[sflag:s4] =	ssyncadd.s32 $0xFFFFC000  }
0x161: {  	[tilespmem:s8], [sflag:$0x1] =	stream.indirect.gather [hbm4b:s2+s5], $0x80, s17, s5, $0xb8;
	[tilespmem:$0x9400] =	vst v63  }
0x162: {  	_ =	swait.ge [sflag:s9], $0x4000  }
0x163: {  	s0 =	sld [smem:$0x7E4]  }
0x164: {  	[sflag:s9] =	ssyncset.done $0x0  }
0x165: {  	[sflag:s9] =	ssyncadd.s32 $0xFFFFC000  }
0x166: {  	[hbm4b:s0+s3] =	stream.linear.scatter [tilespmem:s8], [sflag:$0x3], $0x4000, $0x38;
	[tilespmem:$0x9400] =	vst v63  }
0x167: {  	_ =	swait.ge [sflag:s4], $0x4000  }
0x168: {  	[sflag:s4] =	ssyncset.done $0x0  }
0x169: {  	[sflag:s4] =	ssyncadd.s32 $0xFFFFC000  }
0x16a: {  	[tilespmem:s6], [sflag:$0x2] =	stream.indirect.gather [hbm4b:s2+s5], $0x80, s16, s5, $0xb8;
	[tilespmem:$0x9400] =	vst v63  }
0x16b: {  	_ =	swait.ge [sflag:s7], $0x4000  }
0x16c: {  	s0 =	sld [smem:$0x7E5]  }
0x16d: {  	[sflag:s7] =	ssyncset.done $0x0  }
0x16e: {  	[sflag:s7] =	ssyncadd.s32 $0xFFFFC000  }
0x16f: {  	[hbm4b:s0+s3] =	stream.linear.scatter [tilespmem:s6], [sflag:$0x3], $0x4000, $0x38;
	[tilespmem:$0x9400] =	vst v63  }
0x170: {  	_ =	swait.ge [sflag:s4], $0x4000  }
0x171: {  	[sflag:s4] =	ssyncset.done $0x0  }
0x172: {  	[sflag:s4] =	ssyncadd.s32 $0xFFFFC000  }
0x173: {  	[tilespmem:s8], [sflag:$0x1] =	stream.indirect.gather [hbm4b:s2+s5], $0x80, s15, s5, $0xb8;
	[tilespmem:$0x9400] =	vst v63  }
0x174: {  	_ =	swait.ge [sflag:s9], $0x4000  }
0x175: {  	s0 =	sld [smem:$0x7E6]  }
0x176: {  	[sflag:s9] =	ssyncset.done $0x0  }
0x177: {  	[sflag:s9] =	ssyncadd.s32 $0xFFFFC000  }
0x178: {  	[hbm4b:s0+s3] =	stream.linear.scatter [tilespmem:s8], [sflag:$0x3], $0x4000, $0x38;
	[tilespmem:$0x9400] =	vst v63  }
0x179: {  	_ =	swait.ge [sflag:s4], $0x4000  }
0x17a: {  	[sflag:s4] =	ssyncset.done $0x0  }
0x17b: {  	[sflag:s4] =	ssyncadd.s32 $0xFFFFC000  }
0x17c: {  	[tilespmem:s6], [sflag:$0x2] =	stream.indirect.gather [hbm4b:s2+s5], $0x80, s14, s5, $0xb8;
	[tilespmem:$0x9400] =	vst v63  }
0x17d: {  	_ =	swait.ge [sflag:s7], $0x4000  }
0x17e: {  	s0 =	sld [smem:$0x7E7]  }
0x17f: {  	[sflag:s7] =	ssyncset.done $0x0  }
0x180: {  	[sflag:s7] =	ssyncadd.s32 $0xFFFFC000  }
0x181: {  	[hbm4b:s0+s3] =	stream.linear.scatter [tilespmem:s6], [sflag:$0x3], $0x4000, $0x38;
	[tilespmem:$0x9400] =	vst v63  }
0x182: {  	_ =	swait.ge [sflag:s4], $0x4000  }
0x183: {  	[sflag:s4] =	ssyncset.done $0x0  }
0x184: {  	[sflag:s4] =	ssyncadd.s32 $0xFFFFC000  }
0x185: {  	[tilespmem:s8], [sflag:$0x1] =	stream.indirect.gather [hbm4b:s2+s5], $0x80, s13, s5, $0xb8;
	[tilespmem:$0x9400] =	vst v63  }
0x186: {  	_ =	swait.ge [sflag:s9], $0x4000  }
0x187: {  	s0 =	sld [smem:$0x7E8]  }
0x188: {  	[sflag:s9] =	ssyncset.done $0x0  }
0x189: {  	[sflag:s9] =	ssyncadd.s32 $0xFFFFC000  }
0x18a: {  	[hbm4b:s0+s3] =	stream.linear.scatter [tilespmem:s8], [sflag:$0x3], $0x4000, $0x38;
	[tilespmem:$0x9400] =	vst v63  }
0x18b: {  	_ =	swait.ge [sflag:s4], $0x4000  }
0x18c: {  	[sflag:s4] =	ssyncset.done $0x0  }
0x18d: {  	[sflag:s4] =	ssyncadd.s32 $0xFFFFC000  }
0x18e: {  	[tilespmem:s6], [sflag:$0x2] =	stream.indirect.gather [hbm4b:s2+s5], $0x80, s12, s5, $0xb8;
	[tilespmem:$0x9400] =	vst v63  }
0x18f: {  	_ =	swait.ge [sflag:s7], $0x4000  }
0x190: {  	s0 =	sld [smem:$0x7E9]  }
0x191: {  	[sflag:s7] =	ssyncset.done $0x0  }
0x192: {  	[sflag:s7] =	ssyncadd.s32 $0xFFFFC000  }
0x193: {  	[hbm4b:s0+s3] =	stream.linear.scatter [tilespmem:s6], [sflag:$0x3], $0x4000, $0x38;
	[tilespmem:$0x9400] =	vst v63  }
0x194: {  	_ =	swait.ge [sflag:s4], $0x4000  }
0x195: {  	[sflag:s4] =	ssyncset.done $0x0  }
0x196: {  	[sflag:s4] =	ssyncadd.s32 $0xFFFFC000  }
0x197: {  	[tilespmem:s8], [sflag:$0x1] =	stream.indirect.gather [hbm4b:s2+s5], $0x80, s11, s5, $0xb8;
	[tilespmem:$0x9400] =	vst v63  }
0x198: {  	_ =	swait.ge [sflag:s9], $0x4000  }
0x199: {  	s0 =	sld [smem:$0x7EA]  }
0x19a: {  	[sflag:s9] =	ssyncset.done $0x0  }
0x19b: {  	[sflag:s9] =	ssyncadd.s32 $0xFFFFC000  }
0x19c: {  	[hbm4b:s0+s3] =	stream.linear.scatter [tilespmem:s8], [sflag:$0x3], $0x4000, $0x38;
	[tilespmem:$0x9400] =	vst v63  }
0x19d: {  	_ =	swait.ge [sflag:s4], $0x4000  }
0x19e: {  	[sflag:s4] =	ssyncset.done $0x0  }
0x19f: {  	[sflag:s4] =	ssyncadd.s32 $0xFFFFC000  }
0x1a0: {  	[tilespmem:s6], [sflag:$0x2] =	stream.indirect.gather [hbm4b:s2+s5], $0x80, s10, s5, $0xb8;
	[tilespmem:$0x9400] =	vst v63  }
0x1a1: {  	_ =	swait.ge [sflag:s7], $0x4000  }
0x1a2: {  	p1 =	sne.s32 s1, $0x1;
	s0 =	sld [smem:$0x7EB]  }
.Ltmp1:
0x1a3: {  	[sflag:s7] =	ssyncset.done $0x0;
	(pc) =	sbr.rel @!p1 .LBB2_3-.Ltmp1, $4  }
0x1a4: {  	[sflag:s7] =	ssyncadd.s32 $0xFFFFC000  }
0x1a5: {  	[hbm4b:s0+s3] =	stream.linear.scatter [tilespmem:s6], [sflag:$0x3], $0x4000, $0x38;
	[tilespmem:$0x9400] =	vst v63  }
0x1a6: {  	s1 =	sadd.s32 $0xFFFFFFFF, s1;
	_ =	swait.ge [sflag:s4], $0x4000  }
0x1a7: {  	p0 =	por $0x1, $0x1;
	s0 =	rddreg [dreg:$0x3];
	[sflag:s4] =	ssyncset.done $0x0  }
.LBB2_2:
0x1a8: {  	[sflag:s4] =	ssyncadd.s32 $0xFFFFC000  }
0x1a9: {  	[tilespmem:s3], [sflag:$0x3] =	stream.linear.gather [hbm4b:s0+s3], $0x1400, $0x38;
	[tilespmem:$0x9400] =	vst v63  }
0x1aa: {  	_ =	swait.ge [sflag:s4], $0x1400  }
0x1ab: {  	[sflag:s4] =	ssyncset.done $0x0  }
0x1ac: {  	[sflag:s4] =	ssyncadd.s32 $0xFFFFEC00  }
0x1ad: {  	[tilespmem:s8], [sflag:$0x1] =	stream.indirect.gather [hbm4b:s2+s5], $0x80, s3, s5, $0xb8;
	[tilespmem:$0x9400] =	vst v63  }
0x1ae: {  	_ =	swait.ge [sflag:s9], $0x4000  }
0x1af: {  	[sflag:s9] =	ssyncset.done $0x0  }
0x1b0: {  	[sflag:s9] =	ssyncadd.s32 $0xFFFFC000  }
0x1b1: {  	[hbm4b:s31+s3] =	stream.linear.scatter [tilespmem:s8], [sflag:$0x3], $0x4000, $0x38;
	[tilespmem:$0x9400] =	vst v63  }
0x1b2: {  	_ =	swait.ge [sflag:s4], $0x4000  }
0x1b3: {  	[sflag:s4] =	ssyncset.done $0x0  }
0x1b4: {  	[sflag:s4] =	ssyncadd.s32 $0xFFFFC000  }
0x1b5: {  	[tilespmem:s6], [sflag:$0x2] =	stream.indirect.gather [hbm4b:s2+s5], $0x80, s5, s5, $0xb8;
	[tilespmem:$0x9400] =	vst v63  }
0x1b6: {  	_ =	swait.ge [sflag:s7], $0x4000  }
0x1b7: {  	[sflag:s7] =	ssyncset.done $0x0  }
0x1b8: {  	s0 =	rddreg [dreg:$0x4];
	[sflag:s7] =	ssyncadd.s32 $0xFFFFC000  }
0x1b9: {  	[hbm4b:s0+s3] =	stream.linear.scatter [tilespmem:s6], [sflag:$0x3], $0x4000, $0x38;
	[tilespmem:$0x9400] =	vst v63  }
0x1ba: {  	_ =	swait.ge [sflag:s4], $0x4000  }
0x1bb: {  	s0 =	sld [smem:$0x7EC]  }
0x1bc: {  	[sflag:s4] =	ssyncset.done $0x0  }
0x1bd: {  	[sflag:s4] =	ssyncadd.s32 $0xFFFFC000  }
0x1be: {  	[tilespmem:s8], [sflag:$0x1] =	stream.indirect.gather [hbm4b:s2+s5], $0x80, s0, s5, $0xb8;
	[tilespmem:$0x9400] =	vst v63  }
0x1bf: {  	_ =	swait.ge [sflag:s9], $0x4000  }
0x1c0: {  	[sflag:s9] =	ssyncset.done $0x0  }
0x1c1: {  	s0 =	rddreg [dreg:$0x5];
	[sflag:s9] =	ssyncadd.s32 $0xFFFFC000  }
0x1c2: {  	[hbm4b:s0+s3] =	stream.linear.scatter [tilespmem:s8], [sflag:$0x3], $0x4000, $0x38;
	[tilespmem:$0x9400] =	vst v63  }
0x1c3: {  	_ =	swait.ge [sflag:s4], $0x4000  }
0x1c4: {  	s0 =	sld [smem:$0x7ED]  }
0x1c5: {  	[sflag:s4] =	ssyncset.done $0x0  }
0x1c6: {  	[sflag:s4] =	ssyncadd.s32 $0xFFFFC000  }
0x1c7: {  	[tilespmem:s6], [sflag:$0x2] =	stream.indirect.gather [hbm4b:s2+s5], $0x80, s0, s5, $0xb8;
	[tilespmem:$0x9400] =	vst v63  }
0x1c8: {  	_ =	swait.ge [sflag:s7], $0x4000  }
0x1c9: {  	[sflag:s7] =	ssyncset.done $0x0  }
0x1ca: {  	s0 =	rddreg [dreg:$0x6];
	[sflag:s7] =	ssyncadd.s32 $0xFFFFC000  }
0x1cb: {  	[hbm4b:s0+s3] =	stream.linear.scatter [tilespmem:s6], [sflag:$0x3], $0x4000, $0x38;
	[tilespmem:$0x9400] =	vst v63  }
0x1cc: {  	_ =	swait.ge [sflag:s4], $0x4000  }
0x1cd: {  	s0 =	sld [smem:$0x7EE]  }
0x1ce: {  	[sflag:s4] =	ssyncset.done $0x0  }
0x1cf: {  	[sflag:s4] =	ssyncadd.s32 $0xFFFFC000  }
0x1d0: {  	[tilespmem:s8], [sflag:$0x1] =	stream.indirect.gather [hbm4b:s2+s5], $0x80, s0, s5, $0xb8;
	[tilespmem:$0x9400] =	vst v63  }
0x1d1: {  	_ =	swait.ge [sflag:s9], $0x4000  }
0x1d2: {  	[sflag:s9] =	ssyncset.done $0x0  }
0x1d3: {  	s0 =	rddreg [dreg:$0x7];
	[sflag:s9] =	ssyncadd.s32 $0xFFFFC000  }
0x1d4: {  	[hbm4b:s0+s3] =	stream.linear.scatter [tilespmem:s8], [sflag:$0x3], $0x4000, $0x38;
	[tilespmem:$0x9400] =	vst v63  }
0x1d5: {  	_ =	swait.ge [sflag:s4], $0x4000  }
0x1d6: {  	s0 =	sld [smem:$0x7EF]  }
0x1d7: {  	[sflag:s4] =	ssyncset.done $0x0  }
0x1d8: {  	[sflag:s4] =	ssyncadd.s32 $0xFFFFC000  }
0x1d9: {  	[tilespmem:s6], [sflag:$0x2] =	stream.indirect.gather [hbm4b:s2+s5], $0x80, s0, s5, $0xb8;
	[tilespmem:$0x9400] =	vst v63  }
0x1da: {  	_ =	swait.ge [sflag:s7], $0x4000  }
0x1db: {  	[sflag:s7] =	ssyncset.done $0x0  }
0x1dc: {  	s0 =	rddreg [dreg:$0x8];
	[sflag:s7] =	ssyncadd.s32 $0xFFFFC000  }
0x1dd: {  	[hbm4b:s0+s3] =	stream.linear.scatter [tilespmem:s6], [sflag:$0x3], $0x4000, $0x38;
	[tilespmem:$0x9400] =	vst v63  }
0x1de: {  	_ =	swait.ge [sflag:s4], $0x4000  }
0x1df: {  	s0 =	sld [smem:$0x7F0]  }
0x1e0: {  	[sflag:s4] =	ssyncset.done $0x0  }
0x1e1: {  	[sflag:s4] =	ssyncadd.s32 $0xFFFFC000  }
0x1e2: {  	[tilespmem:s8], [sflag:$0x1] =	stream.indirect.gather [hbm4b:s2+s5], $0x80, s0, s5, $0xb8;
	[tilespmem:$0x9400] =	vst v63  }
0x1e3: {  	_ =	swait.ge [sflag:s9], $0x4000  }
0x1e4: {  	[sflag:s9] =	ssyncset.done $0x0  }
0x1e5: {  	s0 =	rddreg [dreg:$0x9];
	[sflag:s9] =	ssyncadd.s32 $0xFFFFC000  }
0x1e6: {  	[hbm4b:s0+s3] =	stream.linear.scatter [tilespmem:s8], [sflag:$0x3], $0x4000, $0x38;
	[tilespmem:$0x9400] =	vst v63  }
0x1e7: {  	_ =	swait.ge [sflag:s4], $0x4000  }
0x1e8: {  	s0 =	sld [smem:$0x7F1]  }
0x1e9: {  	[sflag:s4] =	ssyncset.done $0x0  }
0x1ea: {  	[sflag:s4] =	ssyncadd.s32 $0xFFFFC000  }
0x1eb: {  	[tilespmem:s6], [sflag:$0x2] =	stream.indirect.gather [hbm4b:s2+s5], $0x80, s0, s5, $0xb8;
	[tilespmem:$0x9400] =	vst v63  }
0x1ec: {  	_ =	swait.ge [sflag:s7], $0x4000  }
0x1ed: {  	[sflag:s7] =	ssyncset.done $0x0  }
0x1ee: {  	s0 =	rddreg [dreg:$0xa];
	[sflag:s7] =	ssyncadd.s32 $0xFFFFC000  }
0x1ef: {  	[hbm4b:s0+s3] =	stream.linear.scatter [tilespmem:s6], [sflag:$0x3], $0x4000, $0x38;
	[tilespmem:$0x9400] =	vst v63  }
0x1f0: {  	_ =	swait.ge [sflag:s4], $0x4000  }
0x1f1: {  	s0 =	sld [smem:$0x7F2]  }
0x1f2: {  	[sflag:s4] =	ssyncset.done $0x0  }
0x1f3: {  	[sflag:s4] =	ssyncadd.s32 $0xFFFFC000  }
0x1f4: {  	[tilespmem:s8], [sflag:$0x1] =	stream.indirect.gather [hbm4b:s2+s5], $0x80, s0, s5, $0xb8;
	[tilespmem:$0x9400] =	vst v63  }
0x1f5: {  	_ =	swait.ge [sflag:s9], $0x4000  }
0x1f6: {  	[sflag:s9] =	ssyncset.done $0x0  }
0x1f7: {  	s0 =	rddreg [dreg:$0xb];
	[sflag:s9] =	ssyncadd.s32 $0xFFFFC000  }
0x1f8: {  	[hbm4b:s0+s3] =	stream.linear.scatter [tilespmem:s8], [sflag:$0x3], $0x4000, $0x38;
	[tilespmem:$0x9400] =	vst v63  }
0x1f9: {  	_ =	swait.ge [sflag:s4], $0x4000  }
0x1fa: {  	s0 =	sld [smem:$0x7F3]  }
0x1fb: {  	[sflag:s4] =	ssyncset.done $0x0  }
0x1fc: {  	[sflag:s4] =	ssyncadd.s32 $0xFFFFC000  }
0x1fd: {  	[tilespmem:s6], [sflag:$0x2] =	stream.indirect.gather [hbm4b:s2+s5], $0x80, s0, s5, $0xb8;
	[tilespmem:$0x9400] =	vst v63  }
0x1fe: {  	_ =	swait.ge [sflag:s7], $0x4000  }
0x1ff: {  	[sflag:s7] =	ssyncset.done $0x0  }
0x200: {  	s0 =	rddreg [dreg:$0xc];
	[sflag:s7] =	ssyncadd.s32 $0xFFFFC000  }
0x201: {  	[hbm4b:s0+s3] =	stream.linear.scatter [tilespmem:s6], [sflag:$0x3], $0x4000, $0x38;
	[tilespmem:$0x9400] =	vst v63  }
0x202: {  	_ =	swait.ge [sflag:s4], $0x4000  }
0x203: {  	s0 =	sld [smem:$0x7F4]  }
0x204: {  	[sflag:s4] =	ssyncset.done $0x0  }
0x205: {  	[sflag:s4] =	ssyncadd.s32 $0xFFFFC000  }
0x206: {  	[tilespmem:s8], [sflag:$0x1] =	stream.indirect.gather [hbm4b:s2+s5], $0x80, s0, s5, $0xb8;
	[tilespmem:$0x9400] =	vst v63  }
0x207: {  	_ =	swait.ge [sflag:s9], $0x4000  }
0x208: {  	[sflag:s9] =	ssyncset.done $0x0  }
0x209: {  	s0 =	rddreg [dreg:$0xd];
	[sflag:s9] =	ssyncadd.s32 $0xFFFFC000  }
0x20a: {  	[hbm4b:s0+s3] =	stream.linear.scatter [tilespmem:s8], [sflag:$0x3], $0x4000, $0x38;
	[tilespmem:$0x9400] =	vst v63  }
0x20b: {  	_ =	swait.ge [sflag:s4], $0x4000  }
0x20c: {  	s0 =	sld [smem:$0x7F5]  }
0x20d: {  	[sflag:s4] =	ssyncset.done $0x0  }
0x20e: {  	[sflag:s4] =	ssyncadd.s32 $0xFFFFC000  }
0x20f: {  	[tilespmem:s6], [sflag:$0x2] =	stream.indirect.gather [hbm4b:s2+s5], $0x80, s0, s5, $0xb8;
	[tilespmem:$0x9400] =	vst v63  }
0x210: {  	_ =	swait.ge [sflag:s7], $0x4000  }
0x211: {  	[sflag:s7] =	ssyncset.done $0x0  }
0x212: {  	s0 =	rddreg [dreg:$0xe];
	[sflag:s7] =	ssyncadd.s32 $0xFFFFC000  }
0x213: {  	[hbm4b:s0+s3] =	stream.linear.scatter [tilespmem:s6], [sflag:$0x3], $0x4000, $0x38;
	[tilespmem:$0x9400] =	vst v63  }
0x214: {  	_ =	swait.ge [sflag:s4], $0x4000  }
0x215: {  	s0 =	sld [smem:$0x7F6]  }
0x216: {  	[sflag:s4] =	ssyncset.done $0x0  }
0x217: {  	[sflag:s4] =	ssyncadd.s32 $0xFFFFC000  }
0x218: {  	[tilespmem:s8], [sflag:$0x1] =	stream.indirect.gather [hbm4b:s2+s5], $0x80, s0, s5, $0xb8;
	[tilespmem:$0x9400] =	vst v63  }
0x219: {  	_ =	swait.ge [sflag:s9], $0x4000  }
0x21a: {  	[sflag:s9] =	ssyncset.done $0x0  }
0x21b: {  	s0 =	rddreg [dreg:$0xf];
	[sflag:s9] =	ssyncadd.s32 $0xFFFFC000  }
0x21c: {  	[hbm4b:s0+s3] =	stream.linear.scatter [tilespmem:s8], [sflag:$0x3], $0x4000, $0x38;
	[tilespmem:$0x9400] =	vst v63  }
0x21d: {  	_ =	swait.ge [sflag:s4], $0x4000  }
0x21e: {  	s0 =	sld [smem:$0x7F7]  }
0x21f: {  	[sflag:s4] =	ssyncset.done $0x0  }
0x220: {  	[sflag:s4] =	ssyncadd.s32 $0xFFFFC000  }
0x221: {  	[tilespmem:s6], [sflag:$0x2] =	stream.indirect.gather [hbm4b:s2+s5], $0x80, s0, s5, $0xb8;
	[tilespmem:$0x9400] =	vst v63  }
0x222: {  	_ =	swait.ge [sflag:s7], $0x4000  }
0x223: {  	[sflag:s7] =	ssyncset.done $0x0  }
0x224: {  	s0 =	rddreg [dreg:$0x10];
	[sflag:s7] =	ssyncadd.s32 $0xFFFFC000  }
0x225: {  	[hbm4b:s0+s3] =	stream.linear.scatter [tilespmem:s6], [sflag:$0x3], $0x4000, $0x38;
	[tilespmem:$0x9400] =	vst v63  }
0x226: {  	_ =	swait.ge [sflag:s4], $0x4000  }
0x227: {  	s0 =	sld [smem:$0x7F8]  }
0x228: {  	[sflag:s4] =	ssyncset.done $0x0  }
0x229: {  	[sflag:s4] =	ssyncadd.s32 $0xFFFFC000  }
0x22a: {  	[tilespmem:s8], [sflag:$0x1] =	stream.indirect.gather [hbm4b:s2+s5], $0x80, s0, s5, $0xb8;
	[tilespmem:$0x9400] =	vst v63  }
0x22b: {  	_ =	swait.ge [sflag:s9], $0x4000  }
0x22c: {  	[sflag:s9] =	ssyncset.done $0x0  }
0x22d: {  	s0 =	rddreg [dreg:$0x11];
	[sflag:s9] =	ssyncadd.s32 $0xFFFFC000  }
0x22e: {  	[hbm4b:s0+s3] =	stream.linear.scatter [tilespmem:s8], [sflag:$0x3], $0x4000, $0x38;
	[tilespmem:$0x9400] =	vst v63  }
0x22f: {  	_ =	swait.ge [sflag:s4], $0x4000  }
0x230: {  	s0 =	sld [smem:$0x7F9]  }
0x231: {  	[sflag:s4] =	ssyncset.done $0x0  }
0x232: {  	[sflag:s4] =	ssyncadd.s32 $0xFFFFC000  }
0x233: {  	[tilespmem:s6], [sflag:$0x2] =	stream.indirect.gather [hbm4b:s2+s5], $0x80, s0, s5, $0xb8;
	[tilespmem:$0x9400] =	vst v63  }
0x234: {  	_ =	swait.ge [sflag:s7], $0x4000  }
0x235: {  	[sflag:s7] =	ssyncset.done $0x0  }
0x236: {  	s0 =	rddreg [dreg:$0x12];
	[sflag:s7] =	ssyncadd.s32 $0xFFFFC000  }
0x237: {  	[hbm4b:s0+s3] =	stream.linear.scatter [tilespmem:s6], [sflag:$0x3], $0x4000, $0x38;
	[tilespmem:$0x9400] =	vst v63  }
0x238: {  	_ =	swait.ge [sflag:s4], $0x4000  }
0x239: {  	s0 =	sld [smem:$0x7FA]  }
0x23a: {  	[sflag:s4] =	ssyncset.done $0x0  }
0x23b: {  	[sflag:s4] =	ssyncadd.s32 $0xFFFFC000  }
0x23c: {  	[tilespmem:s8], [sflag:$0x1] =	stream.indirect.gather [hbm4b:s2+s5], $0x80, s0, s5, $0xb8;
	[tilespmem:$0x9400] =	vst v63  }
0x23d: {  	_ =	swait.ge [sflag:s9], $0x4000  }
0x23e: {  	[sflag:s9] =	ssyncset.done $0x0  }
0x23f: {  	s0 =	rddreg [dreg:$0x13];
	[sflag:s9] =	ssyncadd.s32 $0xFFFFC000  }
0x240: {  	[hbm4b:s0+s3] =	stream.linear.scatter [tilespmem:s8], [sflag:$0x3], $0x4000, $0x38;
	[tilespmem:$0x9400] =	vst v63  }
0x241: {  	_ =	swait.ge [sflag:s4], $0x4000  }
0x242: {  	s0 =	sld [smem:$0x7FB]  }
0x243: {  	[sflag:s4] =	ssyncset.done $0x0  }
0x244: {  	[sflag:s4] =	ssyncadd.s32 $0xFFFFC000  }
0x245: {  	[tilespmem:s6], [sflag:$0x2] =	stream.indirect.gather [hbm4b:s2+s5], $0x80, s0, s5, $0xb8;
	[tilespmem:$0x9400] =	vst v63  }
0x246: {  	_ =	swait.ge [sflag:s7], $0x4000  }
0x247: {  	[sflag:s7] =	ssyncset.done $0x0  }
0x248: {  	s0 =	rddreg [dreg:$0x14];
	[sflag:s7] =	ssyncadd.s32 $0xFFFFC000  }
0x249: {  	[hbm4b:s0+s3] =	stream.linear.scatter [tilespmem:s6], [sflag:$0x3], $0x4000, $0x38;
	[tilespmem:$0x9400] =	vst v63  }
0x24a: {  	_ =	swait.ge [sflag:s4], $0x4000  }
0x24b: {  	s0 =	sld [smem:$0x7FC]  }
0x24c: {  	[sflag:s4] =	ssyncset.done $0x0  }
0x24d: {  	[sflag:s4] =	ssyncadd.s32 $0xFFFFC000  }
0x24e: {  	[tilespmem:s8], [sflag:$0x1] =	stream.indirect.gather [hbm4b:s2+s5], $0x80, s0, s5, $0xb8;
	[tilespmem:$0x9400] =	vst v63  }
0x24f: {  	_ =	swait.ge [sflag:s9], $0x4000  }
0x250: {  	[sflag:s9] =	ssyncset.done $0x0  }
0x251: {  	s0 =	rddreg [dreg:$0x15];
	[sflag:s9] =	ssyncadd.s32 $0xFFFFC000  }
0x252: {  	[hbm4b:s0+s3] =	stream.linear.scatter [tilespmem:s8], [sflag:$0x3], $0x4000, $0x38;
	[tilespmem:$0x9400] =	vst v63  }
0x253: {  	_ =	swait.ge [sflag:s4], $0x4000  }
0x254: {  	s0 =	sld [smem:$0x7FD]  }
0x255: {  	[sflag:s4] =	ssyncset.done $0x0  }
0x256: {  	[sflag:s4] =	ssyncadd.s32 $0xFFFFC000  }
0x257: {  	[tilespmem:s6], [sflag:$0x2] =	stream.indirect.gather [hbm4b:s2+s5], $0x80, s0, s5, $0xb8;
	[tilespmem:$0x9400] =	vst v63  }
0x258: {  	_ =	swait.ge [sflag:s7], $0x4000  }
0x259: {  	[sflag:s7] =	ssyncset.done $0x0  }
0x25a: {  	s0 =	rddreg [dreg:$0x16];
	[sflag:s7] =	ssyncadd.s32 $0xFFFFC000  }
0x25b: {  	[hbm4b:s0+s3] =	stream.linear.scatter [tilespmem:s6], [sflag:$0x3], $0x4000, $0x38;
	[tilespmem:$0x9400] =	vst v63  }
0x25c: {  	_ =	swait.ge [sflag:s4], $0x4000  }
0x25d: {  	[sflag:s4] =	ssyncset.done $0x0  }
0x25e: {  	[sflag:s4] =	ssyncadd.s32 $0xFFFFC000  }
0x25f: {  	[tilespmem:s8], [sflag:$0x1] =	stream.indirect.gather [hbm4b:s2+s5], $0x80, s30, s5, $0xb8;
	[tilespmem:$0x9400] =	vst v63  }
0x260: {  	_ =	swait.ge [sflag:s9], $0x4000  }
0x261: {  	[sflag:s9] =	ssyncset.done $0x0  }
0x262: {  	s0 =	rddreg [dreg:$0x17];
	[sflag:s9] =	ssyncadd.s32 $0xFFFFC000  }
0x263: {  	[hbm4b:s0+s3] =	stream.linear.scatter [tilespmem:s8], [sflag:$0x3], $0x4000, $0x38;
	[tilespmem:$0x9400] =	vst v63  }
0x264: {  	_ =	swait.ge [sflag:s4], $0x4000  }
0x265: {  	[sflag:s4] =	ssyncset.done $0x0  }
0x266: {  	[sflag:s4] =	ssyncadd.s32 $0xFFFFC000  }
0x267: {  	[tilespmem:s6], [sflag:$0x2] =	stream.indirect.gather [hbm4b:s2+s5], $0x80, s29, s5, $0xb8;
	[tilespmem:$0x9400] =	vst v63  }
0x268: {  	_ =	swait.ge [sflag:s7], $0x4000  }
0x269: {  	[sflag:s7] =	ssyncset.done $0x0  }
0x26a: {  	s0 =	rddreg [dreg:$0x18];
	[sflag:s7] =	ssyncadd.s32 $0xFFFFC000  }
0x26b: {  	[hbm4b:s0+s3] =	stream.linear.scatter [tilespmem:s6], [sflag:$0x3], $0x4000, $0x38;
	[tilespmem:$0x9400] =	vst v63  }
0x26c: {  	_ =	swait.ge [sflag:s4], $0x4000  }
0x26d: {  	[sflag:s4] =	ssyncset.done $0x0  }
0x26e: {  	[sflag:s4] =	ssyncadd.s32 $0xFFFFC000  }
0x26f: {  	[tilespmem:s8], [sflag:$0x1] =	stream.indirect.gather [hbm4b:s2+s5], $0x80, s28, s5, $0xb8;
	[tilespmem:$0x9400] =	vst v63  }
0x270: {  	_ =	swait.ge [sflag:s9], $0x4000  }
0x271: {  	[sflag:s9] =	ssyncset.done $0x0  }
0x272: {  	s0 =	rddreg [dreg:$0x19];
	[sflag:s9] =	ssyncadd.s32 $0xFFFFC000  }
0x273: {  	[hbm4b:s0+s3] =	stream.linear.scatter [tilespmem:s8], [sflag:$0x3], $0x4000, $0x38;
	[tilespmem:$0x9400] =	vst v63  }
0x274: {  	_ =	swait.ge [sflag:s4], $0x4000  }
0x275: {  	[sflag:s4] =	ssyncset.done $0x0  }
0x276: {  	[sflag:s4] =	ssyncadd.s32 $0xFFFFC000  }
0x277: {  	[tilespmem:s6], [sflag:$0x2] =	stream.indirect.gather [hbm4b:s2+s5], $0x80, s26, s5, $0xb8;
	[tilespmem:$0x9400] =	vst v63  }
0x278: {  	_ =	swait.ge [sflag:s7], $0x4000  }
0x279: {  	[sflag:s7] =	ssyncset.done $0x0  }
0x27a: {  	s0 =	rddreg [dreg:$0x1a];
	[sflag:s7] =	ssyncadd.s32 $0xFFFFC000  }
0x27b: {  	[hbm4b:s0+s3] =	stream.linear.scatter [tilespmem:s6], [sflag:$0x3], $0x4000, $0x38;
	[tilespmem:$0x9400] =	vst v63  }
0x27c: {  	_ =	swait.ge [sflag:s4], $0x4000  }
0x27d: {  	[sflag:s4] =	ssyncset.done $0x0  }
0x27e: {  	[sflag:s4] =	ssyncadd.s32 $0xFFFFC000  }
0x27f: {  	[tilespmem:s8], [sflag:$0x1] =	stream.indirect.gather [hbm4b:s2+s5], $0x80, s25, s5, $0xb8;
	[tilespmem:$0x9400] =	vst v63  }
0x280: {  	_ =	swait.ge [sflag:s9], $0x4000  }
0x281: {  	[sflag:s9] =	ssyncset.done $0x0  }
0x282: {  	s0 =	rddreg [dreg:$0x1b];
	[sflag:s9] =	ssyncadd.s32 $0xFFFFC000  }
0x283: {  	[hbm4b:s0+s3] =	stream.linear.scatter [tilespmem:s8], [sflag:$0x3], $0x4000, $0x38;
	[tilespmem:$0x9400] =	vst v63  }
0x284: {  	_ =	swait.ge [sflag:s4], $0x4000  }
0x285: {  	[sflag:s4] =	ssyncset.done $0x0  }
0x286: {  	[sflag:s4] =	ssyncadd.s32 $0xFFFFC000  }
0x287: {  	[tilespmem:s6], [sflag:$0x2] =	stream.indirect.gather [hbm4b:s2+s5], $0x80, s24, s5, $0xb8;
	[tilespmem:$0x9400] =	vst v63  }
0x288: {  	_ =	swait.ge [sflag:s7], $0x4000  }
0x289: {  	[sflag:s7] =	ssyncset.done $0x0  }
0x28a: {  	s0 =	rddreg [dreg:$0x1c];
	[sflag:s7] =	ssyncadd.s32 $0xFFFFC000  }
0x28b: {  	[hbm4b:s0+s3] =	stream.linear.scatter [tilespmem:s6], [sflag:$0x3], $0x4000, $0x38;
	[tilespmem:$0x9400] =	vst v63  }
0x28c: {  	_ =	swait.ge [sflag:s4], $0x4000  }
0x28d: {  	[sflag:s4] =	ssyncset.done $0x0  }
0x28e: {  	[sflag:s4] =	ssyncadd.s32 $0xFFFFC000  }
0x28f: {  	[tilespmem:s8], [sflag:$0x1] =	stream.indirect.gather [hbm4b:s2+s5], $0x80, s23, s5, $0xb8;
	[tilespmem:$0x9400] =	vst v63  }
0x290: {  	_ =	swait.ge [sflag:s9], $0x4000  }
0x291: {  	[sflag:s9] =	ssyncset.done $0x0  }
0x292: {  	s0 =	rddreg [dreg:$0x1d];
	[sflag:s9] =	ssyncadd.s32 $0xFFFFC000  }
0x293: {  	[hbm4b:s0+s3] =	stream.linear.scatter [tilespmem:s8], [sflag:$0x3], $0x4000, $0x38;
	[tilespmem:$0x9400] =	vst v63  }
0x294: {  	_ =	swait.ge [sflag:s4], $0x4000  }
0x295: {  	[sflag:s4] =	ssyncset.done $0x0  }
0x296: {  	[sflag:s4] =	ssyncadd.s32 $0xFFFFC000  }
0x297: {  	[tilespmem:s6], [sflag:$0x2] =	stream.indirect.gather [hbm4b:s2+s5], $0x80, s22, s5, $0xb8;
	[tilespmem:$0x9400] =	vst v63  }
0x298: {  	_ =	swait.ge [sflag:s7], $0x4000  }
0x299: {  	[sflag:s7] =	ssyncset.done $0x0  }
0x29a: {  	s0 =	rddreg [dreg:$0x1e];
	[sflag:s7] =	ssyncadd.s32 $0xFFFFC000  }
0x29b: {  	[hbm4b:s0+s3] =	stream.linear.scatter [tilespmem:s6], [sflag:$0x3], $0x4000, $0x38;
	[tilespmem:$0x9400] =	vst v63  }
0x29c: {  	_ =	swait.ge [sflag:s4], $0x4000  }
0x29d: {  	[sflag:s4] =	ssyncset.done $0x0  }
0x29e: {  	[sflag:s4] =	ssyncadd.s32 $0xFFFFC000  }
0x29f: {  	[tilespmem:s8], [sflag:$0x1] =	stream.indirect.gather [hbm4b:s2+s5], $0x80, s21, s5, $0xb8;
	[tilespmem:$0x9400] =	vst v63  }
0x2a0: {  	_ =	swait.ge [sflag:s9], $0x4000  }
0x2a1: {  	[sflag:s9] =	ssyncset.done $0x0  }
0x2a2: {  	s0 =	rddreg [dreg:$0x1f];
	[sflag:s9] =	ssyncadd.s32 $0xFFFFC000  }
0x2a3: {  	[hbm4b:s0+s3] =	stream.linear.scatter [tilespmem:s8], [sflag:$0x3], $0x4000, $0x38;
	[tilespmem:$0x9400] =	vst v63  }
0x2a4: {  	_ =	swait.ge [sflag:s4], $0x4000  }
0x2a5: {  	[sflag:s4] =	ssyncset.done $0x0  }
0x2a6: {  	[sflag:s4] =	ssyncadd.s32 $0xFFFFC000  }
0x2a7: {  	[tilespmem:s6], [sflag:$0x2] =	stream.indirect.gather [hbm4b:s2+s5], $0x80, s20, s5, $0xb8;
	[tilespmem:$0x9400] =	vst v63  }
0x2a8: {  	_ =	swait.ge [sflag:s7], $0x4000  }
0x2a9: {  	s0 =	sld [smem:$0x7E1]  }
0x2aa: {  	[sflag:s7] =	ssyncset.done $0x0  }
0x2ab: {  	[sflag:s7] =	ssyncadd.s32 $0xFFFFC000  }
0x2ac: {  	[hbm4b:s0+s3] =	stream.linear.scatter [tilespmem:s6], [sflag:$0x3], $0x4000, $0x38;
	[tilespmem:$0x9400] =	vst v63  }
0x2ad: {  	_ =	swait.ge [sflag:s4], $0x4000  }
0x2ae: {  	[sflag:s4] =	ssyncset.done $0x0  }
0x2af: {  	[sflag:s4] =	ssyncadd.s32 $0xFFFFC000  }
0x2b0: {  	[tilespmem:s8], [sflag:$0x1] =	stream.indirect.gather [hbm4b:s2+s5], $0x80, s19, s5, $0xb8;
	[tilespmem:$0x9400] =	vst v63  }
0x2b1: {  	_ =	swait.ge [sflag:s9], $0x4000  }
0x2b2: {  	s0 =	sld [smem:$0x7E2]  }
0x2b3: {  	[sflag:s9] =	ssyncset.done $0x0  }
0x2b4: {  	[sflag:s9] =	ssyncadd.s32 $0xFFFFC000  }
0x2b5: {  	[hbm4b:s0+s3] =	stream.linear.scatter [tilespmem:s8], [sflag:$0x3], $0x4000, $0x38;
	[tilespmem:$0x9400] =	vst v63  }
0x2b6: {  	_ =	swait.ge [sflag:s4], $0x4000  }
0x2b7: {  	[sflag:s4] =	ssyncset.done $0x0  }
0x2b8: {  	[sflag:s4] =	ssyncadd.s32 $0xFFFFC000  }
0x2b9: {  	[tilespmem:s6], [sflag:$0x2] =	stream.indirect.gather [hbm4b:s2+s5], $0x80, s18, s5, $0xb8;
	[tilespmem:$0x9400] =	vst v63  }
0x2ba: {  	_ =	swait.ge [sflag:s7], $0x4000  }
0x2bb: {  	s0 =	sld [smem:$0x7E3]  }
0x2bc: {  	[sflag:s7] =	ssyncset.done $0x0  }
0x2bd: {  	[sflag:s7] =	ssyncadd.s32 $0xFFFFC000  }
0x2be: {  	[hbm4b:s0+s3] =	stream.linear.scatter [tilespmem:s6], [sflag:$0x3], $0x4000, $0x38;
	[tilespmem:$0x9400] =	vst v63  }
0x2bf: {  	_ =	swait.ge [sflag:s4], $0x4000  }
0x2c0: {  	[sflag:s4] =	ssyncset.done $0x0  }
0x2c1: {  	[sflag:s4] =	ssyncadd.s32 $0xFFFFC000  }
0x2c2: {  	[tilespmem:s8], [sflag:$0x1] =	stream.indirect.gather [hbm4b:s2+s5], $0x80, s17, s5, $0xb8;
	[tilespmem:$0x9400] =	vst v63  }
0x2c3: {  	_ =	swait.ge [sflag:s9], $0x4000  }
0x2c4: {  	s0 =	sld [smem:$0x7E4]  }
0x2c5: {  	[sflag:s9] =	ssyncset.done $0x0  }
0x2c6: {  	[sflag:s9] =	ssyncadd.s32 $0xFFFFC000  }
0x2c7: {  	[hbm4b:s0+s3] =	stream.linear.scatter [tilespmem:s8], [sflag:$0x3], $0x4000, $0x38;
	[tilespmem:$0x9400] =	vst v63  }
0x2c8: {  	_ =	swait.ge [sflag:s4], $0x4000  }
0x2c9: {  	[sflag:s4] =	ssyncset.done $0x0  }
0x2ca: {  	[sflag:s4] =	ssyncadd.s32 $0xFFFFC000  }
0x2cb: {  	[tilespmem:s6], [sflag:$0x2] =	stream.indirect.gather [hbm4b:s2+s5], $0x80, s16, s5, $0xb8;
	[tilespmem:$0x9400] =	vst v63  }
0x2cc: {  	_ =	swait.ge [sflag:s7], $0x4000  }
0x2cd: {  	s0 =	sld [smem:$0x7E5]  }
0x2ce: {  	[sflag:s7] =	ssyncset.done $0x0  }
0x2cf: {  	[sflag:s7] =	ssyncadd.s32 $0xFFFFC000  }
0x2d0: {  	[hbm4b:s0+s3] =	stream.linear.scatter [tilespmem:s6], [sflag:$0x3], $0x4000, $0x38;
	[tilespmem:$0x9400] =	vst v63  }
0x2d1: {  	_ =	swait.ge [sflag:s4], $0x4000  }
0x2d2: {  	[sflag:s4] =	ssyncset.done $0x0  }
0x2d3: {  	[sflag:s4] =	ssyncadd.s32 $0xFFFFC000  }
0x2d4: {  	[tilespmem:s8], [sflag:$0x1] =	stream.indirect.gather [hbm4b:s2+s5], $0x80, s15, s5, $0xb8;
	[tilespmem:$0x9400] =	vst v63  }
0x2d5: {  	_ =	swait.ge [sflag:s9], $0x4000  }
0x2d6: {  	s0 =	sld [smem:$0x7E6]  }
0x2d7: {  	[sflag:s9] =	ssyncset.done $0x0  }
0x2d8: {  	[sflag:s9] =	ssyncadd.s32 $0xFFFFC000  }
0x2d9: {  	[hbm4b:s0+s3] =	stream.linear.scatter [tilespmem:s8], [sflag:$0x3], $0x4000, $0x38;
	[tilespmem:$0x9400] =	vst v63  }
0x2da: {  	_ =	swait.ge [sflag:s4], $0x4000  }
0x2db: {  	[sflag:s4] =	ssyncset.done $0x0  }
0x2dc: {  	[sflag:s4] =	ssyncadd.s32 $0xFFFFC000  }
0x2dd: {  	[tilespmem:s6], [sflag:$0x2] =	stream.indirect.gather [hbm4b:s2+s5], $0x80, s14, s5, $0xb8;
	[tilespmem:$0x9400] =	vst v63  }
0x2de: {  	_ =	swait.ge [sflag:s7], $0x4000  }
0x2df: {  	s0 =	sld [smem:$0x7E7]  }
0x2e0: {  	[sflag:s7] =	ssyncset.done $0x0  }
0x2e1: {  	[sflag:s7] =	ssyncadd.s32 $0xFFFFC000  }
0x2e2: {  	[hbm4b:s0+s3] =	stream.linear.scatter [tilespmem:s6], [sflag:$0x3], $0x4000, $0x38;
	[tilespmem:$0x9400] =	vst v63  }
0x2e3: {  	_ =	swait.ge [sflag:s4], $0x4000  }
0x2e4: {  	[sflag:s4] =	ssyncset.done $0x0  }
0x2e5: {  	[sflag:s4] =	ssyncadd.s32 $0xFFFFC000  }
0x2e6: {  	[tilespmem:s8], [sflag:$0x1] =	stream.indirect.gather [hbm4b:s2+s5], $0x80, s13, s5, $0xb8;
	[tilespmem:$0x9400] =	vst v63  }
0x2e7: {  	_ =	swait.ge [sflag:s9], $0x4000  }
0x2e8: {  	s0 =	sld [smem:$0x7E8]  }
0x2e9: {  	[sflag:s9] =	ssyncset.done $0x0  }
0x2ea: {  	[sflag:s9] =	ssyncadd.s32 $0xFFFFC000  }
0x2eb: {  	[hbm4b:s0+s3] =	stream.linear.scatter [tilespmem:s8], [sflag:$0x3], $0x4000, $0x38;
	[tilespmem:$0x9400] =	vst v63  }
0x2ec: {  	_ =	swait.ge [sflag:s4], $0x4000  }
0x2ed: {  	[sflag:s4] =	ssyncset.done $0x0  }
0x2ee: {  	[sflag:s4] =	ssyncadd.s32 $0xFFFFC000  }
0x2ef: {  	[tilespmem:s6], [sflag:$0x2] =	stream.indirect.gather [hbm4b:s2+s5], $0x80, s12, s5, $0xb8;
	[tilespmem:$0x9400] =	vst v63  }
0x2f0: {  	_ =	swait.ge [sflag:s7], $0x4000  }
0x2f1: {  	s0 =	sld [smem:$0x7E9]  }
0x2f2: {  	[sflag:s7] =	ssyncset.done $0x0  }
0x2f3: {  	[sflag:s7] =	ssyncadd.s32 $0xFFFFC000  }
0x2f4: {  	[hbm4b:s0+s3] =	stream.linear.scatter [tilespmem:s6], [sflag:$0x3], $0x4000, $0x38;
	[tilespmem:$0x9400] =	vst v63  }
0x2f5: {  	_ =	swait.ge [sflag:s4], $0x4000  }
0x2f6: {  	[sflag:s4] =	ssyncset.done $0x0  }
0x2f7: {  	[sflag:s4] =	ssyncadd.s32 $0xFFFFC000  }
0x2f8: {  	[tilespmem:s8], [sflag:$0x1] =	stream.indirect.gather [hbm4b:s2+s5], $0x80, s11, s5, $0xb8;
	[tilespmem:$0x9400] =	vst v63  }
0x2f9: {  	_ =	swait.ge [sflag:s9], $0x4000  }
0x2fa: {  	s0 =	sld [smem:$0x7EA]  }
0x2fb: {  	[sflag:s9] =	ssyncset.done $0x0  }
0x2fc: {  	[sflag:s9] =	ssyncadd.s32 $0xFFFFC000  }
0x2fd: {  	[hbm4b:s0+s3] =	stream.linear.scatter [tilespmem:s8], [sflag:$0x3], $0x4000, $0x38;
	[tilespmem:$0x9400] =	vst v63  }
0x2fe: {  	_ =	swait.ge [sflag:s4], $0x4000  }
0x2ff: {  	[sflag:s4] =	ssyncset.done $0x0  }
0x300: {  	[sflag:s4] =	ssyncadd.s32 $0xFFFFC000  }
0x301: {  	[tilespmem:s6], [sflag:$0x2] =	stream.indirect.gather [hbm4b:s2+s5], $0x80, s10, s5, $0xb8;
	[tilespmem:$0x9400] =	vst v63  }
0x302: {  	_ =	swait.ge [sflag:s7], $0x4000  }
0x303: {  	p1 =	sne.s32 s1, $0x1;
	s0 =	sld [smem:$0x7EB]  }
.Ltmp2:
0x304: {  	[sflag:s7] =	ssyncset.done $0x0;
	(pc) =	sbr.rel @p1 .LBB2_2-.Ltmp2, $4  }
0x305: {  	[sflag:s7] =	ssyncadd.s32 $0xFFFFC000  }
0x306: {  	[hbm4b:s0+s3] =	stream.linear.scatter [tilespmem:s6], [sflag:$0x3], $0x4000, $0x38;
	[tilespmem:$0x9400] =	vst v63  }
0x307: {  	_ =	swait.ge [sflag:s4], $0x4000  }
0x308: {  	s1 =	sadd.s32 $0xFFFFFFFF, s1;
	s0 =	rddreg [dreg:$0x3];
	[sflag:s4] =	ssyncset.done $0x0  }
.LBB2_3:
0x309: {  	[sflag:s4] =	ssyncadd.s32 @p0 $0xFFFFC000  }
0x30a: {  	[tilespmem:s3], [sflag:$0x3] =	stream.linear.gather [hbm4b:s0+s3], $0x1400, $0x38;
	[tilespmem:$0x9400] =	vst v63  }
0x30b: {  	_ =	swait.ge [sflag:s4], $0x1400  }
0x30c: {  	[sflag:s4] =	ssyncset.done $0x0  }
0x30d: {  	[sflag:s4] =	ssyncadd.s32 $0xFFFFEC00  }
0x30e: {  	[tilespmem:s8], [sflag:$0x1] =	stream.indirect.gather [hbm4b:s2+s5], $0x80, s3, s5, $0xb8;
	[tilespmem:$0x9400] =	vst v63  }
0x30f: {  	_ =	swait.ge [sflag:s9], $0x4000  }
0x310: {  	[sflag:s9] =	ssyncset.done $0x0  }
0x311: {  	[sflag:s9] =	ssyncadd.s32 $0xFFFFC000  }
0x312: {  	[hbm4b:s31+s3] =	stream.linear.scatter [tilespmem:s8], [sflag:$0x3], $0x4000, $0x38;
	[tilespmem:$0x9400] =	vst v63  }
0x313: {  	_ =	swait.ge [sflag:s4], $0x4000  }
0x314: {  	[sflag:s4] =	ssyncset.done $0x0  }
0x315: {  	[sflag:s4] =	ssyncadd.s32 $0xFFFFC000  }
0x316: {  	[tilespmem:s6], [sflag:$0x2] =	stream.indirect.gather [hbm4b:s2+s5], $0x80, s5, s5, $0xb8;
	[tilespmem:$0x9400] =	vst v63  }
0x317: {  	_ =	swait.ge [sflag:s7], $0x4000  }
0x318: {  	[sflag:s7] =	ssyncset.done $0x0  }
0x319: {  	s31 =	rddreg [dreg:$0x4];
	[sflag:s7] =	ssyncadd.s32 $0xFFFFC000  }
0x31a: {  	[hbm4b:s31+s3] =	stream.linear.scatter [tilespmem:s6], [sflag:$0x3], $0x4000, $0x38;
	[tilespmem:$0x9400] =	vst v63  }
0x31b: {  	_ =	swait.ge [sflag:s4], $0x4000  }
0x31c: {  	s1 =	sld [smem:$0x7EC]  }
0x31d: {  	[sflag:s4] =	ssyncset.done $0x0  }
0x31e: {  	[sflag:s4] =	ssyncadd.s32 $0xFFFFC000  }
0x31f: {  	[tilespmem:s8], [sflag:$0x1] =	stream.indirect.gather [hbm4b:s2+s5], $0x80, s1, s5, $0xb8;
	[tilespmem:$0x9400] =	vst v63  }
0x320: {  	_ =	swait.ge [sflag:s9], $0x4000  }
0x321: {  	[sflag:s9] =	ssyncset.done $0x0  }
0x322: {  	s31 =	rddreg [dreg:$0x5];
	[sflag:s9] =	ssyncadd.s32 $0xFFFFC000  }
0x323: {  	[hbm4b:s31+s3] =	stream.linear.scatter [tilespmem:s8], [sflag:$0x3], $0x4000, $0x38;
	[tilespmem:$0x9400] =	vst v63  }
0x324: {  	_ =	swait.ge [sflag:s4], $0x4000  }
0x325: {  	s1 =	sld [smem:$0x7ED]  }
0x326: {  	[sflag:s4] =	ssyncset.done $0x0  }
0x327: {  	[sflag:s4] =	ssyncadd.s32 $0xFFFFC000  }
0x328: {  	[tilespmem:s6], [sflag:$0x2] =	stream.indirect.gather [hbm4b:s2+s5], $0x80, s1, s5, $0xb8;
	[tilespmem:$0x9400] =	vst v63  }
0x329: {  	_ =	swait.ge [sflag:s7], $0x4000  }
0x32a: {  	[sflag:s7] =	ssyncset.done $0x0  }
0x32b: {  	s31 =	rddreg [dreg:$0x6];
	[sflag:s7] =	ssyncadd.s32 $0xFFFFC000  }
0x32c: {  	[hbm4b:s31+s3] =	stream.linear.scatter [tilespmem:s6], [sflag:$0x3], $0x4000, $0x38;
	[tilespmem:$0x9400] =	vst v63  }
0x32d: {  	_ =	swait.ge [sflag:s4], $0x4000  }
0x32e: {  	s1 =	sld [smem:$0x7EE]  }
0x32f: {  	[sflag:s4] =	ssyncset.done $0x0  }
0x330: {  	[sflag:s4] =	ssyncadd.s32 $0xFFFFC000  }
0x331: {  	[tilespmem:s8], [sflag:$0x1] =	stream.indirect.gather [hbm4b:s2+s5], $0x80, s1, s5, $0xb8;
	[tilespmem:$0x9400] =	vst v63  }
0x332: {  	_ =	swait.ge [sflag:s9], $0x4000  }
0x333: {  	[sflag:s9] =	ssyncset.done $0x0  }
0x334: {  	s31 =	rddreg [dreg:$0x7];
	[sflag:s9] =	ssyncadd.s32 $0xFFFFC000  }
0x335: {  	[hbm4b:s31+s3] =	stream.linear.scatter [tilespmem:s8], [sflag:$0x3], $0x4000, $0x38;
	[tilespmem:$0x9400] =	vst v63  }
0x336: {  	_ =	swait.ge [sflag:s4], $0x4000  }
0x337: {  	s1 =	sld [smem:$0x7EF]  }
0x338: {  	[sflag:s4] =	ssyncset.done $0x0  }
0x339: {  	[sflag:s4] =	ssyncadd.s32 $0xFFFFC000  }
0x33a: {  	[tilespmem:s6], [sflag:$0x2] =	stream.indirect.gather [hbm4b:s2+s5], $0x80, s1, s5, $0xb8;
	[tilespmem:$0x9400] =	vst v63  }
0x33b: {  	_ =	swait.ge [sflag:s7], $0x4000  }
0x33c: {  	[sflag:s7] =	ssyncset.done $0x0  }
0x33d: {  	s31 =	rddreg [dreg:$0x8];
	[sflag:s7] =	ssyncadd.s32 $0xFFFFC000  }
0x33e: {  	[hbm4b:s31+s3] =	stream.linear.scatter [tilespmem:s6], [sflag:$0x3], $0x4000, $0x38;
	[tilespmem:$0x9400] =	vst v63  }
0x33f: {  	_ =	swait.ge [sflag:s4], $0x4000  }
0x340: {  	s1 =	sld [smem:$0x7F0]  }
0x341: {  	[sflag:s4] =	ssyncset.done $0x0  }
0x342: {  	[sflag:s4] =	ssyncadd.s32 $0xFFFFC000  }
0x343: {  	[tilespmem:s8], [sflag:$0x1] =	stream.indirect.gather [hbm4b:s2+s5], $0x80, s1, s5, $0xb8;
	[tilespmem:$0x9400] =	vst v63  }
0x344: {  	_ =	swait.ge [sflag:s9], $0x4000  }
0x345: {  	[sflag:s9] =	ssyncset.done $0x0  }
0x346: {  	s31 =	rddreg [dreg:$0x9];
	[sflag:s9] =	ssyncadd.s32 $0xFFFFC000  }
0x347: {  	[hbm4b:s31+s3] =	stream.linear.scatter [tilespmem:s8], [sflag:$0x3], $0x4000, $0x38;
	[tilespmem:$0x9400] =	vst v63  }
0x348: {  	_ =	swait.ge [sflag:s4], $0x4000  }
0x349: {  	s1 =	sld [smem:$0x7F1]  }
0x34a: {  	[sflag:s4] =	ssyncset.done $0x0  }
0x34b: {  	[sflag:s4] =	ssyncadd.s32 $0xFFFFC000  }
0x34c: {  	[tilespmem:s6], [sflag:$0x2] =	stream.indirect.gather [hbm4b:s2+s5], $0x80, s1, s5, $0xb8;
	[tilespmem:$0x9400] =	vst v63  }
0x34d: {  	_ =	swait.ge [sflag:s7], $0x4000  }
0x34e: {  	[sflag:s7] =	ssyncset.done $0x0  }
0x34f: {  	s31 =	rddreg [dreg:$0xa];
	[sflag:s7] =	ssyncadd.s32 $0xFFFFC000  }
0x350: {  	[hbm4b:s31+s3] =	stream.linear.scatter [tilespmem:s6], [sflag:$0x3], $0x4000, $0x38;
	[tilespmem:$0x9400] =	vst v63  }
0x351: {  	_ =	swait.ge [sflag:s4], $0x4000  }
0x352: {  	s1 =	sld [smem:$0x7F2]  }
0x353: {  	[sflag:s4] =	ssyncset.done $0x0  }
0x354: {  	[sflag:s4] =	ssyncadd.s32 $0xFFFFC000  }
0x355: {  	[tilespmem:s8], [sflag:$0x1] =	stream.indirect.gather [hbm4b:s2+s5], $0x80, s1, s5, $0xb8;
	[tilespmem:$0x9400] =	vst v63  }
0x356: {  	_ =	swait.ge [sflag:s9], $0x4000  }
0x357: {  	[sflag:s9] =	ssyncset.done $0x0  }
0x358: {  	s31 =	rddreg [dreg:$0xb];
	[sflag:s9] =	ssyncadd.s32 $0xFFFFC000  }
0x359: {  	[hbm4b:s31+s3] =	stream.linear.scatter [tilespmem:s8], [sflag:$0x3], $0x4000, $0x38;
	[tilespmem:$0x9400] =	vst v63  }
0x35a: {  	_ =	swait.ge [sflag:s4], $0x4000  }
0x35b: {  	s1 =	sld [smem:$0x7F3]  }
0x35c: {  	[sflag:s4] =	ssyncset.done $0x0  }
0x35d: {  	[sflag:s4] =	ssyncadd.s32 $0xFFFFC000  }
0x35e: {  	[tilespmem:s6], [sflag:$0x2] =	stream.indirect.gather [hbm4b:s2+s5], $0x80, s1, s5, $0xb8;
	[tilespmem:$0x9400] =	vst v63  }
0x35f: {  	_ =	swait.ge [sflag:s7], $0x4000  }
0x360: {  	[sflag:s7] =	ssyncset.done $0x0  }
0x361: {  	s31 =	rddreg [dreg:$0xc];
	[sflag:s7] =	ssyncadd.s32 $0xFFFFC000  }
0x362: {  	[hbm4b:s31+s3] =	stream.linear.scatter [tilespmem:s6], [sflag:$0x3], $0x4000, $0x38;
	[tilespmem:$0x9400] =	vst v63  }
0x363: {  	_ =	swait.ge [sflag:s4], $0x4000  }
0x364: {  	s1 =	sld [smem:$0x7F4]  }
0x365: {  	[sflag:s4] =	ssyncset.done $0x0  }
0x366: {  	[sflag:s4] =	ssyncadd.s32 $0xFFFFC000  }
0x367: {  	[tilespmem:s8], [sflag:$0x1] =	stream.indirect.gather [hbm4b:s2+s5], $0x80, s1, s5, $0xb8;
	[tilespmem:$0x9400] =	vst v63  }
0x368: {  	_ =	swait.ge [sflag:s9], $0x4000  }
0x369: {  	[sflag:s9] =	ssyncset.done $0x0  }
0x36a: {  	s31 =	rddreg [dreg:$0xd];
	[sflag:s9] =	ssyncadd.s32 $0xFFFFC000  }
0x36b: {  	[hbm4b:s31+s3] =	stream.linear.scatter [tilespmem:s8], [sflag:$0x3], $0x4000, $0x38;
	[tilespmem:$0x9400] =	vst v63  }
0x36c: {  	_ =	swait.ge [sflag:s4], $0x4000  }
0x36d: {  	s1 =	sld [smem:$0x7F5]  }
0x36e: {  	[sflag:s4] =	ssyncset.done $0x0  }
0x36f: {  	[sflag:s4] =	ssyncadd.s32 $0xFFFFC000  }
0x370: {  	[tilespmem:s6], [sflag:$0x2] =	stream.indirect.gather [hbm4b:s2+s5], $0x80, s1, s5, $0xb8;
	[tilespmem:$0x9400] =	vst v63  }
0x371: {  	_ =	swait.ge [sflag:s7], $0x4000  }
0x372: {  	[sflag:s7] =	ssyncset.done $0x0  }
0x373: {  	s31 =	rddreg [dreg:$0xe];
	[sflag:s7] =	ssyncadd.s32 $0xFFFFC000  }
0x374: {  	[hbm4b:s31+s3] =	stream.linear.scatter [tilespmem:s6], [sflag:$0x3], $0x4000, $0x38;
	[tilespmem:$0x9400] =	vst v63  }
0x375: {  	_ =	swait.ge [sflag:s4], $0x4000  }
0x376: {  	s1 =	sld [smem:$0x7F6]  }
0x377: {  	[sflag:s4] =	ssyncset.done $0x0  }
0x378: {  	[sflag:s4] =	ssyncadd.s32 $0xFFFFC000  }
0x379: {  	[tilespmem:s8], [sflag:$0x1] =	stream.indirect.gather [hbm4b:s2+s5], $0x80, s1, s5, $0xb8;
	[tilespmem:$0x9400] =	vst v63  }
0x37a: {  	_ =	swait.ge [sflag:s9], $0x4000  }
0x37b: {  	[sflag:s9] =	ssyncset.done $0x0  }
0x37c: {  	s31 =	rddreg [dreg:$0xf];
	[sflag:s9] =	ssyncadd.s32 $0xFFFFC000  }
0x37d: {  	[hbm4b:s31+s3] =	stream.linear.scatter [tilespmem:s8], [sflag:$0x3], $0x4000, $0x38;
	[tilespmem:$0x9400] =	vst v63  }
0x37e: {  	_ =	swait.ge [sflag:s4], $0x4000  }
0x37f: {  	s1 =	sld [smem:$0x7F7]  }
0x380: {  	[sflag:s4] =	ssyncset.done $0x0  }
0x381: {  	[sflag:s4] =	ssyncadd.s32 $0xFFFFC000  }
0x382: {  	[tilespmem:s6], [sflag:$0x2] =	stream.indirect.gather [hbm4b:s2+s5], $0x80, s1, s5, $0xb8;
	[tilespmem:$0x9400] =	vst v63  }
0x383: {  	_ =	swait.ge [sflag:s7], $0x4000  }
0x384: {  	[sflag:s7] =	ssyncset.done $0x0  }
0x385: {  	s31 =	rddreg [dreg:$0x10];
	[sflag:s7] =	ssyncadd.s32 $0xFFFFC000  }
0x386: {  	[hbm4b:s31+s3] =	stream.linear.scatter [tilespmem:s6], [sflag:$0x3], $0x4000, $0x38;
	[tilespmem:$0x9400] =	vst v63  }
0x387: {  	_ =	swait.ge [sflag:s4], $0x4000  }
0x388: {  	s1 =	sld [smem:$0x7F8]  }
0x389: {  	[sflag:s4] =	ssyncset.done $0x0  }
0x38a: {  	[sflag:s4] =	ssyncadd.s32 $0xFFFFC000  }
0x38b: {  	[tilespmem:s8], [sflag:$0x1] =	stream.indirect.gather [hbm4b:s2+s5], $0x80, s1, s5, $0xb8;
	[tilespmem:$0x9400] =	vst v63  }
0x38c: {  	_ =	swait.ge [sflag:s9], $0x4000  }
0x38d: {  	[sflag:s9] =	ssyncset.done $0x0  }
0x38e: {  	s31 =	rddreg [dreg:$0x11];
	[sflag:s9] =	ssyncadd.s32 $0xFFFFC000  }
0x38f: {  	[hbm4b:s31+s3] =	stream.linear.scatter [tilespmem:s8], [sflag:$0x3], $0x4000, $0x38;
	[tilespmem:$0x9400] =	vst v63  }
0x390: {  	_ =	swait.ge [sflag:s4], $0x4000  }
0x391: {  	s1 =	sld [smem:$0x7F9]  }
0x392: {  	[sflag:s4] =	ssyncset.done $0x0  }
0x393: {  	[sflag:s4] =	ssyncadd.s32 $0xFFFFC000  }
0x394: {  	[tilespmem:s6], [sflag:$0x2] =	stream.indirect.gather [hbm4b:s2+s5], $0x80, s1, s5, $0xb8;
	[tilespmem:$0x9400] =	vst v63  }
0x395: {  	_ =	swait.ge [sflag:s7], $0x4000  }
0x396: {  	[sflag:s7] =	ssyncset.done $0x0  }
0x397: {  	s31 =	rddreg [dreg:$0x12];
	[sflag:s7] =	ssyncadd.s32 $0xFFFFC000  }
0x398: {  	[hbm4b:s31+s3] =	stream.linear.scatter [tilespmem:s6], [sflag:$0x3], $0x4000, $0x38;
	[tilespmem:$0x9400] =	vst v63  }
0x399: {  	_ =	swait.ge [sflag:s4], $0x4000  }
0x39a: {  	s1 =	sld [smem:$0x7FA]  }
0x39b: {  	[sflag:s4] =	ssyncset.done $0x0  }
0x39c: {  	[sflag:s4] =	ssyncadd.s32 $0xFFFFC000  }
0x39d: {  	[tilespmem:s8], [sflag:$0x1] =	stream.indirect.gather [hbm4b:s2+s5], $0x80, s1, s5, $0xb8;
	[tilespmem:$0x9400] =	vst v63  }
0x39e: {  	_ =	swait.ge [sflag:s9], $0x4000  }
0x39f: {  	[sflag:s9] =	ssyncset.done $0x0  }
0x3a0: {  	s31 =	rddreg [dreg:$0x13];
	[sflag:s9] =	ssyncadd.s32 $0xFFFFC000  }
0x3a1: {  	[hbm4b:s31+s3] =	stream.linear.scatter [tilespmem:s8], [sflag:$0x3], $0x4000, $0x38;
	[tilespmem:$0x9400] =	vst v63  }
0x3a2: {  	_ =	swait.ge [sflag:s4], $0x4000  }
0x3a3: {  	s1 =	sld [smem:$0x7FB]  }
0x3a4: {  	[sflag:s4] =	ssyncset.done $0x0  }
0x3a5: {  	[sflag:s4] =	ssyncadd.s32 $0xFFFFC000  }
0x3a6: {  	[tilespmem:s6], [sflag:$0x2] =	stream.indirect.gather [hbm4b:s2+s5], $0x80, s1, s5, $0xb8;
	[tilespmem:$0x9400] =	vst v63  }
0x3a7: {  	_ =	swait.ge [sflag:s7], $0x4000  }
0x3a8: {  	[sflag:s7] =	ssyncset.done $0x0  }
0x3a9: {  	s31 =	rddreg [dreg:$0x14];
	[sflag:s7] =	ssyncadd.s32 $0xFFFFC000  }
0x3aa: {  	[hbm4b:s31+s3] =	stream.linear.scatter [tilespmem:s6], [sflag:$0x3], $0x4000, $0x38;
	[tilespmem:$0x9400] =	vst v63  }
0x3ab: {  	_ =	swait.ge [sflag:s4], $0x4000  }
0x3ac: {  	s1 =	sld [smem:$0x7FC]  }
0x3ad: {  	[sflag:s4] =	ssyncset.done $0x0  }
0x3ae: {  	[sflag:s4] =	ssyncadd.s32 $0xFFFFC000  }
0x3af: {  	[tilespmem:s8], [sflag:$0x1] =	stream.indirect.gather [hbm4b:s2+s5], $0x80, s1, s5, $0xb8;
	[tilespmem:$0x9400] =	vst v63  }
0x3b0: {  	_ =	swait.ge [sflag:s9], $0x4000  }
0x3b1: {  	[sflag:s9] =	ssyncset.done $0x0  }
0x3b2: {  	s31 =	rddreg [dreg:$0x15];
	[sflag:s9] =	ssyncadd.s32 $0xFFFFC000  }
0x3b3: {  	[hbm4b:s31+s3] =	stream.linear.scatter [tilespmem:s8], [sflag:$0x3], $0x4000, $0x38;
	[tilespmem:$0x9400] =	vst v63  }
0x3b4: {  	_ =	swait.ge [sflag:s4], $0x4000  }
0x3b5: {  	s1 =	sld [smem:$0x7FD]  }
0x3b6: {  	[sflag:s4] =	ssyncset.done $0x0  }
0x3b7: {  	[sflag:s4] =	ssyncadd.s32 $0xFFFFC000  }
0x3b8: {  	[tilespmem:s6], [sflag:$0x2] =	stream.indirect.gather [hbm4b:s2+s5], $0x80, s1, s5, $0xb8;
	[tilespmem:$0x9400] =	vst v63  }
0x3b9: {  	_ =	swait.ge [sflag:s7], $0x4000  }
0x3ba: {  	[sflag:s7] =	ssyncset.done $0x0  }
0x3bb: {  	s31 =	rddreg [dreg:$0x16];
	[sflag:s7] =	ssyncadd.s32 $0xFFFFC000  }
0x3bc: {  	[hbm4b:s31+s3] =	stream.linear.scatter [tilespmem:s6], [sflag:$0x3], $0x4000, $0x38;
	[tilespmem:$0x9400] =	vst v63  }
0x3bd: {  	_ =	swait.ge [sflag:s4], $0x4000  }
0x3be: {  	[sflag:s4] =	ssyncset.done $0x0  }
0x3bf: {  	[sflag:s4] =	ssyncadd.s32 $0xFFFFC000  }
0x3c0: {  	[tilespmem:s8], [sflag:$0x1] =	stream.indirect.gather [hbm4b:s2+s5], $0x80, s30, s5, $0xb8;
	[tilespmem:$0x9400] =	vst v63  }
0x3c1: {  	_ =	swait.ge [sflag:s9], $0x4000  }
0x3c2: {  	[sflag:s9] =	ssyncset.done $0x0  }
0x3c3: {  	s1 =	rddreg [dreg:$0x17];
	[sflag:s9] =	ssyncadd.s32 $0xFFFFC000  }
0x3c4: {  	[hbm4b:s1+s3] =	stream.linear.scatter [tilespmem:s8], [sflag:$0x3], $0x4000, $0x38;
	[tilespmem:$0x9400] =	vst v63  }
0x3c5: {  	_ =	swait.ge [sflag:s4], $0x4000  }
0x3c6: {  	[sflag:s4] =	ssyncset.done $0x0  }
0x3c7: {  	[sflag:s4] =	ssyncadd.s32 $0xFFFFC000  }
0x3c8: {  	[tilespmem:s6], [sflag:$0x2] =	stream.indirect.gather [hbm4b:s2+s5], $0x80, s29, s5, $0xb8;
	[tilespmem:$0x9400] =	vst v63  }
0x3c9: {  	_ =	swait.ge [sflag:s7], $0x4000  }
0x3ca: {  	[sflag:s7] =	ssyncset.done $0x0  }
0x3cb: {  	s30 =	rddreg [dreg:$0x18];
	[sflag:s7] =	ssyncadd.s32 $0xFFFFC000  }
0x3cc: {  	[hbm4b:s30+s3] =	stream.linear.scatter [tilespmem:s6], [sflag:$0x3], $0x4000, $0x38;
	[tilespmem:$0x9400] =	vst v63  }
0x3cd: {  	_ =	swait.ge [sflag:s4], $0x4000  }
0x3ce: {  	[sflag:s4] =	ssyncset.done $0x0  }
0x3cf: {  	[sflag:s4] =	ssyncadd.s32 $0xFFFFC000  }
0x3d0: {  	[tilespmem:s8], [sflag:$0x1] =	stream.indirect.gather [hbm4b:s2+s5], $0x80, s28, s5, $0xb8;
	[tilespmem:$0x9400] =	vst v63  }
0x3d1: {  	_ =	swait.ge [sflag:s9], $0x4000  }
0x3d2: {  	[sflag:s9] =	ssyncset.done $0x0  }
0x3d3: {  	s31 =	rddreg [dreg:$0x19];
	[sflag:s9] =	ssyncadd.s32 $0xFFFFC000  }
0x3d4: {  	[hbm4b:s31+s3] =	stream.linear.scatter [tilespmem:s8], [sflag:$0x3], $0x4000, $0x38;
	[tilespmem:$0x9400] =	vst v63  }
0x3d5: {  	_ =	swait.ge [sflag:s4], $0x4000  }
0x3d6: {  	[sflag:s4] =	ssyncset.done $0x0  }
0x3d7: {  	[sflag:s4] =	ssyncadd.s32 $0xFFFFC000  }
0x3d8: {  	[tilespmem:s6], [sflag:$0x2] =	stream.indirect.gather [hbm4b:s2+s5], $0x80, s26, s5, $0xb8;
	[tilespmem:$0x9400] =	vst v63  }
0x3d9: {  	_ =	swait.ge [sflag:s7], $0x4000  }
0x3da: {  	[sflag:s7] =	ssyncset.done $0x0  }
0x3db: {  	s1 =	rddreg [dreg:$0x1a];
	[sflag:s7] =	ssyncadd.s32 $0xFFFFC000  }
0x3dc: {  	[hbm4b:s1+s3] =	stream.linear.scatter [tilespmem:s6], [sflag:$0x3], $0x4000, $0x38;
	[tilespmem:$0x9400] =	vst v63  }
0x3dd: {  	_ =	swait.ge [sflag:s4], $0x4000  }
0x3de: {  	[sflag:s4] =	ssyncset.done $0x0  }
0x3df: {  	[sflag:s4] =	ssyncadd.s32 $0xFFFFC000  }
0x3e0: {  	[tilespmem:s8], [sflag:$0x1] =	stream.indirect.gather [hbm4b:s2+s5], $0x80, s25, s5, $0xb8;
	[tilespmem:$0x9400] =	vst v63  }
0x3e1: {  	_ =	swait.ge [sflag:s9], $0x4000  }
0x3e2: {  	[sflag:s9] =	ssyncset.done $0x0  }
0x3e3: {  	s26 =	rddreg [dreg:$0x1b];
	[sflag:s9] =	ssyncadd.s32 $0xFFFFC000  }
0x3e4: {  	[hbm4b:s26+s3] =	stream.linear.scatter [tilespmem:s8], [sflag:$0x3], $0x4000, $0x38;
	[tilespmem:$0x9400] =	vst v63  }
0x3e5: {  	_ =	swait.ge [sflag:s4], $0x4000  }
0x3e6: {  	[sflag:s4] =	ssyncset.done $0x0  }
0x3e7: {  	[sflag:s4] =	ssyncadd.s32 $0xFFFFC000  }
0x3e8: {  	[tilespmem:s6], [sflag:$0x2] =	stream.indirect.gather [hbm4b:s2+s5], $0x80, s24, s5, $0xb8;
	[tilespmem:$0x9400] =	vst v63  }
0x3e9: {  	_ =	swait.ge [sflag:s7], $0x4000  }
0x3ea: {  	[sflag:s7] =	ssyncset.done $0x0  }
0x3eb: {  	s28 =	rddreg [dreg:$0x1c];
	[sflag:s7] =	ssyncadd.s32 $0xFFFFC000  }
0x3ec: {  	[hbm4b:s28+s3] =	stream.linear.scatter [tilespmem:s6], [sflag:$0x3], $0x4000, $0x38;
	[tilespmem:$0x9400] =	vst v63  }
0x3ed: {  	_ =	swait.ge [sflag:s4], $0x4000  }
0x3ee: {  	[sflag:s4] =	ssyncset.done $0x0  }
0x3ef: {  	[sflag:s4] =	ssyncadd.s32 $0xFFFFC000  }
0x3f0: {  	[tilespmem:s8], [sflag:$0x1] =	stream.indirect.gather [hbm4b:s2+s5], $0x80, s23, s5, $0xb8;
	[tilespmem:$0x9400] =	vst v63  }
0x3f1: {  	_ =	swait.ge [sflag:s9], $0x4000  }
0x3f2: {  	[sflag:s9] =	ssyncset.done $0x0  }
0x3f3: {  	s29 =	rddreg [dreg:$0x1d];
	[sflag:s9] =	ssyncadd.s32 $0xFFFFC000  }
0x3f4: {  	[hbm4b:s29+s3] =	stream.linear.scatter [tilespmem:s8], [sflag:$0x3], $0x4000, $0x38;
	[tilespmem:$0x9400] =	vst v63  }
0x3f5: {  	_ =	swait.ge [sflag:s4], $0x4000  }
0x3f6: {  	[sflag:s4] =	ssyncset.done $0x0  }
0x3f7: {  	[sflag:s4] =	ssyncadd.s32 $0xFFFFC000  }
0x3f8: {  	[tilespmem:s6], [sflag:$0x2] =	stream.indirect.gather [hbm4b:s2+s5], $0x80, s22, s5, $0xb8;
	[tilespmem:$0x9400] =	vst v63  }
0x3f9: {  	_ =	swait.ge [sflag:s7], $0x4000  }
0x3fa: {  	[sflag:s7] =	ssyncset.done $0x0  }
0x3fb: {  	s30 =	rddreg [dreg:$0x1e];
	[sflag:s7] =	ssyncadd.s32 $0xFFFFC000  }
0x3fc: {  	[hbm4b:s30+s3] =	stream.linear.scatter [tilespmem:s6], [sflag:$0x3], $0x4000, $0x38;
	[tilespmem:$0x9400] =	vst v63  }
0x3fd: {  	_ =	swait.ge [sflag:s4], $0x4000  }
0x3fe: {  	[sflag:s4] =	ssyncset.done $0x0  }
0x3ff: {  	[sflag:s4] =	ssyncadd.s32 $0xFFFFC000  }
0x400: {  	[tilespmem:s8], [sflag:$0x1] =	stream.indirect.gather [hbm4b:s2+s5], $0x80, s21, s5, $0xb8;
	[tilespmem:$0x9400] =	vst v63  }
0x401: {  	_ =	swait.ge [sflag:s9], $0x4000  }
0x402: {  	[sflag:s9] =	ssyncset.done $0x0  }
0x403: {  	s31 =	rddreg [dreg:$0x1f];
	[sflag:s9] =	ssyncadd.s32 $0xFFFFC000  }
0x404: {  	[hbm4b:s31+s3] =	stream.linear.scatter [tilespmem:s8], [sflag:$0x3], $0x4000, $0x38;
	[tilespmem:$0x9400] =	vst v63  }
0x405: {  	_ =	swait.ge [sflag:s4], $0x4000  }
0x406: {  	[sflag:s4] =	ssyncset.done $0x0  }
0x407: {  	[sflag:s4] =	ssyncadd.s32 $0xFFFFC000  }
0x408: {  	[tilespmem:s6], [sflag:$0x2] =	stream.indirect.gather [hbm4b:s2+s5], $0x80, s20, s5, $0xb8;
	[tilespmem:$0x9400] =	vst v63  }
0x409: {  	_ =	swait.ge [sflag:s7], $0x4000  }
0x40a: {  	s1 =	sld [smem:$0x7E1]  }
0x40b: {  	[sflag:s7] =	ssyncset.done $0x0  }
0x40c: {  	[sflag:s7] =	ssyncadd.s32 $0xFFFFC000  }
0x40d: {  	[hbm4b:s1+s3] =	stream.linear.scatter [tilespmem:s6], [sflag:$0x3], $0x4000, $0x38;
	[tilespmem:$0x9400] =	vst v63  }
0x40e: {  	_ =	swait.ge [sflag:s4], $0x4000  }
0x40f: {  	[sflag:s4] =	ssyncset.done $0x0  }
0x410: {  	[sflag:s4] =	ssyncadd.s32 $0xFFFFC000  }
0x411: {  	[tilespmem:s8], [sflag:$0x1] =	stream.indirect.gather [hbm4b:s2+s5], $0x80, s19, s5, $0xb8;
	[tilespmem:$0x9400] =	vst v63  }
0x412: {  	_ =	swait.ge [sflag:s9], $0x4000  }
0x413: {  	s20 =	sld [smem:$0x7E2]  }
0x414: {  	[sflag:s9] =	ssyncset.done $0x0  }
0x415: {  	[sflag:s9] =	ssyncadd.s32 $0xFFFFC000  }
0x416: {  	[hbm4b:s20+s3] =	stream.linear.scatter [tilespmem:s8], [sflag:$0x3], $0x4000, $0x38;
	[tilespmem:$0x9400] =	vst v63  }
0x417: {  	_ =	swait.ge [sflag:s4], $0x4000  }
0x418: {  	[sflag:s4] =	ssyncset.done $0x0  }
0x419: {  	[sflag:s4] =	ssyncadd.s32 $0xFFFFC000  }
0x41a: {  	[tilespmem:s6], [sflag:$0x2] =	stream.indirect.gather [hbm4b:s2+s5], $0x80, s18, s5, $0xb8;
	[tilespmem:$0x9400] =	vst v63  }
0x41b: {  	_ =	swait.ge [sflag:s7], $0x4000  }
0x41c: {  	s21 =	sld [smem:$0x7E3]  }
0x41d: {  	[sflag:s7] =	ssyncset.done $0x0  }
0x41e: {  	[sflag:s7] =	ssyncadd.s32 $0xFFFFC000  }
0x41f: {  	[hbm4b:s21+s3] =	stream.linear.scatter [tilespmem:s6], [sflag:$0x3], $0x4000, $0x38;
	[tilespmem:$0x9400] =	vst v63  }
0x420: {  	_ =	swait.ge [sflag:s4], $0x4000  }
0x421: {  	[sflag:s4] =	ssyncset.done $0x0  }
0x422: {  	[sflag:s4] =	ssyncadd.s32 $0xFFFFC000  }
0x423: {  	[tilespmem:s8], [sflag:$0x1] =	stream.indirect.gather [hbm4b:s2+s5], $0x80, s17, s5, $0xb8;
	[tilespmem:$0x9400] =	vst v63  }
0x424: {  	_ =	swait.ge [sflag:s9], $0x4000  }
0x425: {  	s22 =	sld [smem:$0x7E4]  }
0x426: {  	[sflag:s9] =	ssyncset.done $0x0  }
0x427: {  	[sflag:s9] =	ssyncadd.s32 $0xFFFFC000  }
0x428: {  	[hbm4b:s22+s3] =	stream.linear.scatter [tilespmem:s8], [sflag:$0x3], $0x4000, $0x38;
	[tilespmem:$0x9400] =	vst v63  }
0x429: {  	_ =	swait.ge [sflag:s4], $0x4000  }
0x42a: {  	[sflag:s4] =	ssyncset.done $0x0  }
0x42b: {  	[sflag:s4] =	ssyncadd.s32 $0xFFFFC000  }
0x42c: {  	[tilespmem:s6], [sflag:$0x2] =	stream.indirect.gather [hbm4b:s2+s5], $0x80, s16, s5, $0xb8;
	[tilespmem:$0x9400] =	vst v63  }
0x42d: {  	_ =	swait.ge [sflag:s7], $0x4000  }
0x42e: {  	s23 =	sld [smem:$0x7E5]  }
0x42f: {  	[sflag:s7] =	ssyncset.done $0x0  }
0x430: {  	[sflag:s7] =	ssyncadd.s32 $0xFFFFC000  }
0x431: {  	[hbm4b:s23+s3] =	stream.linear.scatter [tilespmem:s6], [sflag:$0x3], $0x4000, $0x38;
	[tilespmem:$0x9400] =	vst v63  }
0x432: {  	_ =	swait.ge [sflag:s4], $0x4000  }
0x433: {  	[sflag:s4] =	ssyncset.done $0x0  }
0x434: {  	[sflag:s4] =	ssyncadd.s32 $0xFFFFC000  }
0x435: {  	[tilespmem:s8], [sflag:$0x1] =	stream.indirect.gather [hbm4b:s2+s5], $0x80, s15, s5, $0xb8;
	[tilespmem:$0x9400] =	vst v63  }
0x436: {  	_ =	swait.ge [sflag:s9], $0x4000  }
0x437: {  	s24 =	sld [smem:$0x7E6]  }
0x438: {  	[sflag:s9] =	ssyncset.done $0x0  }
0x439: {  	[sflag:s9] =	ssyncadd.s32 $0xFFFFC000  }
0x43a: {  	[hbm4b:s24+s3] =	stream.linear.scatter [tilespmem:s8], [sflag:$0x3], $0x4000, $0x38;
	[tilespmem:$0x9400] =	vst v63  }
0x43b: {  	_ =	swait.ge [sflag:s4], $0x4000  }
0x43c: {  	[sflag:s4] =	ssyncset.done $0x0  }
0x43d: {  	[sflag:s4] =	ssyncadd.s32 $0xFFFFC000  }
0x43e: {  	[tilespmem:s6], [sflag:$0x2] =	stream.indirect.gather [hbm4b:s2+s5], $0x80, s14, s5, $0xb8;
	[tilespmem:$0x9400] =	vst v63  }
0x43f: {  	_ =	swait.ge [sflag:s7], $0x4000  }
0x440: {  	s25 =	sld [smem:$0x7E7]  }
0x441: {  	[sflag:s7] =	ssyncset.done $0x0  }
0x442: {  	[sflag:s7] =	ssyncadd.s32 $0xFFFFC000  }
0x443: {  	[hbm4b:s25+s3] =	stream.linear.scatter [tilespmem:s6], [sflag:$0x3], $0x4000, $0x38;
	[tilespmem:$0x9400] =	vst v63  }
0x444: {  	_ =	swait.ge [sflag:s4], $0x4000  }
0x445: {  	[sflag:s4] =	ssyncset.done $0x0  }
0x446: {  	[sflag:s4] =	ssyncadd.s32 $0xFFFFC000  }
0x447: {  	[tilespmem:s8], [sflag:$0x1] =	stream.indirect.gather [hbm4b:s2+s5], $0x80, s13, s5, $0xb8;
	[tilespmem:$0x9400] =	vst v63  }
0x448: {  	_ =	swait.ge [sflag:s9], $0x4000  }
0x449: {  	s26 =	sld [smem:$0x7E8]  }
0x44a: {  	[sflag:s9] =	ssyncset.done $0x0  }
0x44b: {  	[sflag:s9] =	ssyncadd.s32 $0xFFFFC000  }
0x44c: {  	[hbm4b:s26+s3] =	stream.linear.scatter [tilespmem:s8], [sflag:$0x3], $0x4000, $0x38;
	[tilespmem:$0x9400] =	vst v63  }
0x44d: {  	_ =	swait.ge [sflag:s4], $0x4000  }
0x44e: {  	[sflag:s4] =	ssyncset.done $0x0  }
0x44f: {  	[sflag:s4] =	ssyncadd.s32 $0xFFFFC000  }
0x450: {  	[tilespmem:s6], [sflag:$0x2] =	stream.indirect.gather [hbm4b:s2+s5], $0x80, s12, s5, $0xb8;
	[tilespmem:$0x9400] =	vst v63  }
0x451: {  	_ =	swait.ge [sflag:s7], $0x4000  }
0x452: {  	s28 =	sld [smem:$0x7E9]  }
0x453: {  	[sflag:s7] =	ssyncset.done $0x0  }
0x454: {  	[sflag:s7] =	ssyncadd.s32 $0xFFFFC000  }
0x455: {  	[hbm4b:s28+s3] =	stream.linear.scatter [tilespmem:s6], [sflag:$0x3], $0x4000, $0x38;
	[tilespmem:$0x9400] =	vst v63  }
0x456: {  	_ =	swait.ge [sflag:s4], $0x4000  }
0x457: {  	[sflag:s4] =	ssyncset.done $0x0  }
0x458: {  	[sflag:s4] =	ssyncadd.s32 $0xFFFFC000  }
0x459: {  	[tilespmem:s8], [sflag:$0x1] =	stream.indirect.gather [hbm4b:s2+s5], $0x80, s11, s5, $0xb8;
	[tilespmem:$0x9400] =	vst v63  }
0x45a: {  	_ =	swait.ge [sflag:s9], $0x4000  }
0x45b: {  	s29 =	sld [smem:$0x7EA]  }
0x45c: {  	[sflag:s9] =	ssyncset.done $0x0  }
0x45d: {  	[sflag:s9] =	ssyncadd.s32 $0xFFFFC000  }
0x45e: {  	[hbm4b:s29+s3] =	stream.linear.scatter [tilespmem:s8], [sflag:$0x3], $0x4000, $0x38;
	[tilespmem:$0x9400] =	vst v63  }
0x45f: {  	_ =	swait.ge [sflag:s4], $0x4000  }
0x460: {  	[sflag:s4] =	ssyncset.done $0x0  }
0x461: {  	[sflag:s4] =	ssyncadd.s32 $0xFFFFC000  }
0x462: {  	[tilespmem:s6], [sflag:$0x2] =	stream.indirect.gather [hbm4b:s2+s5], $0x80, s10, s5, $0xb8;
	[tilespmem:$0x9400] =	vst v63  }
0x463: {  	_ =	swait.ge [sflag:s7], $0x4000  }
0x464: {  	s30 =	sld [smem:$0x7EB]  }
0x465: {  	[sflag:s7] =	ssyncset.done $0x0  }
0x466: {  	[sflag:s7] =	ssyncadd.s32 $0xFFFFC000  }
0x467: {  	[hbm4b:s30+s3] =	stream.linear.scatter [tilespmem:s6], [sflag:$0x3], $0x4000, $0x38;
	[tilespmem:$0x9400] =	vst v63  }
0x468: {  	_ =	swait.ge [sflag:s4], $0x4000  }
0x469: {  	[sflag:s4] =	ssyncset.done $0x0  }
0x46a: {  	[sflag:s4] =	ssyncadd.s32 $0xFFFFC000  }
0x46b: {  	_ =	sfence.sel $0x180000  }
0x46c: {  	[bflag:$0x0] =	sbarrier.arrive $0xFFFF  }
0x46d: {  	_ =	strace $0x90000047  }
0x46e: {  	s31 =	stileid.u32;
	[bflag:$0x2] =	sbarrier.arrive $0xFFFF  }
0x46f: {  	p0 =	sne.s32 s31, $0x0;
	s0 =	rddreg [dreg:$0x2]  }
0x470: {  	s0 =	sadd.s32 @!p0 $0x100000, s0  }
0x471: {  	[sflag:s0] =	ssyncadd.tile.s32 @!p0 $0x1;
	_ =	shalt  }
.Lfunc_end2:
_tile_overlayer_lowered:
.L_overlay_start_2:
0x472: {  	(tag) =	ssettag $0x2  }
0x473: {  	s0 =	rddreg [dreg:$0x0];
	s2 =	stileid.u32  }
0x474: {  	s1 =	rddreg [dreg:$0x1];
	p0 =	sne.s32 s2, $0x0  }
0x475: {  	s3 =	rddreg [dreg:$0x2];
	[bflag:$0x3] =	sbarrier.arrive $0xFFFF;
	s2 =	simm.s32 @!p0 $0x1C03  }
0x476: {  	[timem:s3], [sflag:s2] =	dma.local @!p0 [hbm:s0], s1  }
0x477: {  	s0 =	simm.s32 @!p0 $0x3  }
0x478: {  	_ =	swait.ge @!p0 [sflag:s0], s1  }
0x479: {  	s1 =	ssub.s32 @!p0 $0x0, s1;
	[sflag:s0] =	ssyncset.done @!p0 $0x0  }
0x47a: {  	[sflag:s0] =	ssyncadd.s32 @!p0 s1  }
0x47b: {  	[bflag:$0x3] =	sbarrier.arrive $0xFFFF  }
0x47c: {  	_ =	shalt  }

</sc_bundles>
